<compile_context>
chip_gen: v7x
topology: tpu7x:2x2x1
jax: 0.10.2.dev20260603
libtpu: 0.0.44.dev20260713+nightly
codegen_flags: <defaults>
</compile_context>

<pallas_src>
import jax
import jax.numpy as jnp
from jax import lax
from jax.experimental import pallas as pl
from jax.experimental.pallas import tpu as pltpu
from jax.experimental.pallas import tpu_sc as plsc

NC, NS = 2, 16
NW = NC * NS
COORD_DIM = 85
SPATIAL_DIM = 256
ROW_DIM = 3 * COORD_DIM + 3 * SPATIAL_DIM
CHUNK = 16
PAD_DIM = 96
SEGS = ((0, 0, PAD_DIM), (1, 85, PAD_DIM), (2, 170, PAD_DIM),
        (3, 255, SPATIAL_DIM), (4, 511, SPATIAL_DIM), (5, 767, SPATIAL_DIM))


def _body(coords, angs, tss, x_tab, y_tab, z_tab, a_tab, e_tab, t_tab,
          out, cslab, aslab, vidx, bufs, abufs, gsems, wsems):
    wid = lax.axis_index("s") * NC + lax.axis_index("c")
    tabs = (x_tab, y_tab, z_tab, a_tab, e_tab, t_tab)
    vix, viy, viz, via, vie, vit = vidx
    rpw = vix.shape[0]
    base = wid * rpw
    nch = rpw // CHUNK
    pltpu.sync_copy(coords.at[pl.ds(base * 3, rpw * 3)], cslab)
    pltpu.sync_copy(angs.at[pl.ds(base * 2, rpw * 2)], aslab)
    pltpu.sync_copy(tss.at[pl.ds(base, rpw)], vit)
    iota = lax.iota(jnp.int32, 16)
    iota3 = iota * 3
    iota2 = iota * 2
    consts = [iota + 16 * i for i in range(SPATIAL_DIM // 16)]
    tail_mask = iota < (COORD_DIM - 80)

    @pl.loop(0, rpw // 16)
    def _ext(r):
        b3 = r * 48
        b2 = r * 32
        s = pl.ds(16 * r, 16)
        vix[s] = plsc.load_gather(cslab, [b3 + iota3])
        viy[s] = plsc.load_gather(cslab, [b3 + iota3 + 1])
        viz[s] = plsc.load_gather(cslab, [b3 + iota3 + 2])
        via[s] = plsc.load_gather(aslab, [b2 + iota2])
        vie[s] = plsc.load_gather(aslab, [b2 + iota2 + 1])

    def issue_gathers(p, c):
        off = c * CHUNK
        for k in range(6):
            pltpu.async_copy(tabs[k].at[vidx[k].at[pl.ds(off, CHUNK)]],
                             bufs[p][k], gsems[p])

    def drain_gathers(p):
        for k in range(6):
            pltpu.make_async_copy(tabs[k].at[vidx[k].at[pl.ds(0, CHUNK)]],
                                  bufs[p][k], gsems[p]).wait()

    def assemble(p):
        abuf = abufs[p]

        @plsc.parallel_loop(0, CHUNK, 1, unroll=1)
        def _row(r):
            rbase = r * ROW_DIM
            ops = []
            for k, o, w in SEGS:
                sbv = lax.broadcast(rbase + o, (16,))
                buf = bufs[p][k]
                for i in range(w // 16):
                    ops.append((buf, 16 * i, sbv + consts[i]))
            for g in range(0, len(ops), 8):
                grp = ops[g:g + 8]
                vs = [buf[r, pl.ds(c0, 16)] for buf, c0, _ in grp]
                for (_, _, dst), v in zip(grp, vs):
                    plsc.store_scatter(abuf, [dst], v)

    def write_out(p, c):
        pltpu.async_copy(
            abufs[p],
            out.at[pl.ds((base + c * CHUNK) * ROW_DIM, CHUNK * ROW_DIM)],
            wsems[p])

    def wait_write(p):
        pltpu.make_async_copy(
            abufs[p], out.at[pl.ds(0, CHUNK * ROW_DIM)], wsems[p]).wait()

    issue_gathers(0, 0)

    @pl.loop(0, nch, step=2)
    def _pair(c):
        issue_gathers(1, c + 1)
        drain_gathers(0)

        @pl.when(c > 0)
        def _():
            wait_write(0)
        assemble(0)
        write_out(0, c)
        issue_gathers(0, lax.min(c + 2, nch - 1))
        drain_gathers(1)

        @pl.when(c > 0)
        def _():
            wait_write(1)
        assemble(1)
        write_out(1, c + 1)

    drain_gathers(0)
    wait_write(0)
    wait_write(1)


def kernel(batch_size, num_views, coordinates, angles, timestamps,
           x_emb, y_emb, z_emb, az_emb, el_emb, t_emb):
    b, v = coordinates.shape[0], coordinates.shape[1]
    n = b * v
    rpw = n // NW
    coords = coordinates.reshape(-1)
    angs = angles.reshape(-1)
    tss = timestamps.reshape(-1)
    pad = ((0, 0), (0, PAD_DIM - COORD_DIM))
    x_p, y_p, z_p = (jnp.pad(t, pad) for t in (x_emb, y_emb, z_emb))

    bufset = (
        pltpu.VMEM((CHUNK, PAD_DIM), jnp.float32),
        pltpu.VMEM((CHUNK, PAD_DIM), jnp.float32),
        pltpu.VMEM((CHUNK, PAD_DIM), jnp.float32),
        pltpu.VMEM((CHUNK, SPATIAL_DIM), jnp.float32),
        pltpu.VMEM((CHUNK, SPATIAL_DIM), jnp.float32),
        pltpu.VMEM((CHUNK, SPATIAL_DIM), jnp.float32),
    )
    run = pl.kernel(
        _body,
        out_type=jax.ShapeDtypeStruct((n * ROW_DIM,), jnp.float32),
        mesh=plsc.VectorSubcoreMesh(
            core_axis_name="c", subcore_axis_name="s",
            num_cores=NC, num_subcores=NS),
        compiler_params=pltpu.CompilerParams(
            use_tc_tiling_on_sc=False, needs_layout_passes=False),
        scratch_types=[
            pltpu.VMEM((rpw * 3,), jnp.int32),
            pltpu.VMEM((rpw * 2,), jnp.int32),
            tuple(pltpu.VMEM((rpw,), jnp.int32) for _ in range(6)),
            (bufset, bufset),
            tuple(pltpu.VMEM((CHUNK * ROW_DIM,), jnp.float32)
                  for _ in range(2)),
            (pltpu.SemaphoreType.DMA, pltpu.SemaphoreType.DMA),
            (pltpu.SemaphoreType.DMA, pltpu.SemaphoreType.DMA),
        ],
    )
    flat = run(coords, angs, tss, x_p, y_p, z_p, az_emb, el_emb, t_emb)
    return flat.reshape(b, v, ROW_DIM)

# --- scband reference (transcript-rebuilt; emitter-appended) ---
"""Pipeline reference for scband-spatial-positional-encoding-76965813944539 (READ-ONLY COPY).

The authoritative reference and input builder live on the scoring server;
editing this copy changes nothing except your own understanding.
"""

import jax, jax.numpy as jnp
import numpy as np

COORD_DIM = 256 // 3   # 85
SPATIAL_DIM = 512 // 2  # 256
TEMPORAL_DIM = 256


def setup_inputs(seed: int = 0) -> dict:
    key = jax.random.key(seed)
    ks = jax.random.split(key, 10)
    B, V = 16384, 8
    coordinates = jax.random.randint(ks[0], (B, V, 3), 0, 1000)
    angles = jax.random.randint(ks[1], (B, V, 2), 0, 180)
    timestamps = jax.random.randint(ks[2], (B, V), 0, 1000)
    x_emb = jax.random.normal(ks[3], (1000, COORD_DIM), dtype=jnp.float32) * 0.02
    y_emb = jax.random.normal(ks[4], (1000, COORD_DIM), dtype=jnp.float32) * 0.02
    z_emb = jax.random.normal(ks[5], (1000, COORD_DIM), dtype=jnp.float32) * 0.02
    az_emb = jax.random.normal(ks[6], (360, SPATIAL_DIM), dtype=jnp.float32) * 0.02
    el_emb = jax.random.normal(ks[7], (180, SPATIAL_DIM), dtype=jnp.float32) * 0.02
    t_emb = jax.random.normal(ks[8], (1000, TEMPORAL_DIM), dtype=jnp.float32) * 0.02
    return {
        "batch_size": B,
        "num_views": V,
        "coordinates": coordinates,
        "angles": angles,
        "timestamps": timestamps,
        "x_emb": x_emb,
        "y_emb": y_emb,
        "z_emb": z_emb,
        "az_emb": az_emb,
        "el_emb": el_emb,
        "t_emb": t_emb,
    }


def reference(batch_size, num_views, coordinates, angles, timestamps,
              x_emb, y_emb, z_emb, az_emb, el_emb, t_emb):
    # coordinate encodings: gather from x/y/z tables and concat on feature dim
    x_enc = jnp.take(x_emb, coordinates[..., 0], axis=0)
    y_enc = jnp.take(y_emb, coordinates[..., 1], axis=0)
    z_enc = jnp.take(z_emb, coordinates[..., 2], axis=0)
    coord_enc = jnp.concatenate([x_enc, y_enc, z_enc], axis=-1)
    # angle encodings
    az_enc = jnp.take(az_emb, angles[..., 0], axis=0)
    el_enc = jnp.take(el_emb, angles[..., 1], axis=0)
    angle_enc = jnp.concatenate([az_enc, el_enc], axis=-1)
    # temporal encodings
    temp_enc = jnp.take(t_emb, timestamps, axis=0)
    return jnp.concatenate([coord_enc, angle_enc, temp_enc], axis=-1)

if __name__ == "__main__":
    import jax
    _d = setup_inputs()
    print(jax.jit(kernel)(*tuple(_d.values())))

</pallas_src>

<mosaic_0001>
#map = affine_map<(d0, d1) -> (0)>
#map1 = affine_map<(d0, d1) -> (0, 0)>
module attributes {stable_mosaic.version = 14 : i64} {
  func.func @_body(%arg0: i32, %arg1: i32, %arg2: memref<393216xi32, #tpu.memory_space<hbm>>, %arg3: memref<262144xi32, #tpu.memory_space<hbm>>, %arg4: memref<131072xi32, #tpu.memory_space<hbm>>, %arg5: memref<1000x96xf32, #tpu.memory_space<hbm>>, %arg6: memref<1000x96xf32, #tpu.memory_space<hbm>>, %arg7: memref<1000x96xf32, #tpu.memory_space<hbm>>, %arg8: memref<360x256xf32, #tpu.memory_space<hbm>>, %arg9: memref<180x256xf32, #tpu.memory_space<hbm>>, %arg10: memref<1000x256xf32, #tpu.memory_space<hbm>>, %arg11: memref<134086656xf32, #tpu.memory_space<hbm>>, %arg12: memref<12288xi32, #tpu.memory_space<vmem>>, %arg13: memref<8192xi32, #tpu.memory_space<vmem>>, %arg14: memref<4096xi32, #tpu.memory_space<vmem>>, %arg15: memref<4096xi32, #tpu.memory_space<vmem>>, %arg16: memref<4096xi32, #tpu.memory_space<vmem>>, %arg17: memref<4096xi32, #tpu.memory_space<vmem>>, %arg18: memref<4096xi32, #tpu.memory_space<vmem>>, %arg19: memref<4096xi32, #tpu.memory_space<vmem>>, %arg20: memref<16x96xf32, #tpu.memory_space<vmem>>, %arg21: memref<16x96xf32, #tpu.memory_space<vmem>>, %arg22: memref<16x96xf32, #tpu.memory_space<vmem>>, %arg23: memref<16x256xf32, #tpu.memory_space<vmem>>, %arg24: memref<16x256xf32, #tpu.memory_space<vmem>>, %arg25: memref<16x256xf32, #tpu.memory_space<vmem>>, %arg26: memref<16x96xf32, #tpu.memory_space<vmem>>, %arg27: memref<16x96xf32, #tpu.memory_space<vmem>>, %arg28: memref<16x96xf32, #tpu.memory_space<vmem>>, %arg29: memref<16x256xf32, #tpu.memory_space<vmem>>, %arg30: memref<16x256xf32, #tpu.memory_space<vmem>>, %arg31: memref<16x256xf32, #tpu.memory_space<vmem>>, %arg32: memref<16368xf32, #tpu.memory_space<vmem>>, %arg33: memref<16368xf32, #tpu.memory_space<vmem>>, %arg34: memref<!tpu.dma_semaphore, #tpu.memory_space<semaphore_mem>>, %arg35: memref<!tpu.dma_semaphore, #tpu.memory_space<semaphore_mem>>, %arg36: memref<!tpu.dma_semaphore, #tpu.memory_space<semaphore_mem>>, %arg37: memref<!tpu.dma_semaphore, #tpu.memory_space<semaphore_mem>>) attributes {dimension_semantics = [#tpu.dimension_semantics<core_parallel>, #tpu.dimension_semantics<subcore_parallel>], iteration_bounds = array<i64: 2, 16>, scalar_prefetch = 0 : i64, scratch_operands = 26 : i64, tpu.core_type = #tpu.core_type<sc_vector_subcore>, window_params = [{transform_indices = #map}, {transform_indices = #map}, {transform_indices = #map}, {transform_indices = #map1}, {transform_indices = #map1}, {transform_indices = #map1}, {transform_indices = #map1}, {transform_indices = #map1}, {transform_indices = #map1}, {transform_indices = #map}]} {
    %mul3A = arith.constant 2 : i32
    %mul3A_0 = arith.muli %arg1, %mul3A : i32
    %add3A = arith.addi %mul3A_0, %arg0 : i32
    %mul3A_1 = arith.constant 4096 : i32
    %mul3A_2 = arith.muli %add3A, %mul3A_1 : i32
    %mul3A_3 = arith.constant 3 : i32
    %mul3A_4 = arith.muli %mul3A_2, %mul3A_3 : i32
    "tpu.region"() ({
      %run_scoped3A = tpu.sem_alloc : memref<!tpu.dma_semaphore, #tpu.memory_space<semaphore_mem>>
      %dma_start3A_138 = tpu.memref_slice %arg2[%mul3A_4] : memref<393216xi32, #tpu.memory_space<hbm>> -> memref<12288xi32, #tpu.memory_space<hbm>>
      %dma_start3A_139 = tpu.memref_slice %arg2[%mul3A_4] : memref<393216xi32, #tpu.memory_space<hbm>> -> memref<12288xi32, #tpu.memory_space<hbm>>
      tpu.enqueue_dma source(%dma_start3A_139 : memref<12288xi32, #tpu.memory_space<hbm>>) target(%arg12 : memref<12288xi32, #tpu.memory_space<vmem>>) target_semaphore(%run_scoped3A : memref<!tpu.dma_semaphore, #tpu.memory_space<semaphore_mem>>)
      %dma_wait3A_140 = tpu.memref_slice %arg2[%mul3A_4] : memref<393216xi32, #tpu.memory_space<hbm>> -> memref<12288xi32, #tpu.memory_space<hbm>>
      %dma_wait3A_141 = tpu.memref_slice %arg2[%mul3A_4] : memref<393216xi32, #tpu.memory_space<hbm>> -> memref<12288xi32, #tpu.memory_space<hbm>>
      tpu.wait_dma2 semaphore(%run_scoped3A : memref<!tpu.dma_semaphore, #tpu.memory_space<semaphore_mem>>) src(%dma_wait3A_141 : memref<12288xi32, #tpu.memory_space<hbm>>) dst(%arg12 : memref<12288xi32, #tpu.memory_space<vmem>>)
      tpu.yield
    }) : () -> ()
    %mul3A_5 = arith.constant 2 : i32
    %mul3A_6 = arith.muli %mul3A_2, %mul3A_5 : i32
    "tpu.region"() ({
      %run_scoped3A = tpu.sem_alloc : memref<!tpu.dma_semaphore, #tpu.memory_space<semaphore_mem>>
      %dma_start3A_138 = tpu.memref_slice %arg3[%mul3A_6] : memref<262144xi32, #tpu.memory_space<hbm>> -> memref<8192xi32, #tpu.memory_space<hbm>>
      %dma_start3A_139 = tpu.memref_slice %arg3[%mul3A_6] : memref<262144xi32, #tpu.memory_space<hbm>> -> memref<8192xi32, #tpu.memory_space<hbm>>
      tpu.enqueue_dma source(%dma_start3A_139 : memref<8192xi32, #tpu.memory_space<hbm>>) target(%arg13 : memref<8192xi32, #tpu.memory_space<vmem>>) target_semaphore(%run_scoped3A : memref<!tpu.dma_semaphore, #tpu.memory_space<semaphore_mem>>)
      %dma_wait3A_140 = tpu.memref_slice %arg3[%mul3A_6] : memref<262144xi32, #tpu.memory_space<hbm>> -> memref<8192xi32, #tpu.memory_space<hbm>>
      %dma_wait3A_141 = tpu.memref_slice %arg3[%mul3A_6] : memref<262144xi32, #tpu.memory_space<hbm>> -> memref<8192xi32, #tpu.memory_space<hbm>>
      tpu.wait_dma2 semaphore(%run_scoped3A : memref<!tpu.dma_semaphore, #tpu.memory_space<semaphore_mem>>) src(%dma_wait3A_141 : memref<8192xi32, #tpu.memory_space<hbm>>) dst(%arg13 : memref<8192xi32, #tpu.memory_space<vmem>>)
      tpu.yield
    }) : () -> ()
    "tpu.region"() ({
      %run_scoped3A = tpu.sem_alloc : memref<!tpu.dma_semaphore, #tpu.memory_space<semaphore_mem>>
      %dma_start3A_138 = tpu.memref_slice %arg4[%mul3A_2] : memref<131072xi32, #tpu.memory_space<hbm>> -> memref<4096xi32, #tpu.memory_space<hbm>>
      %dma_start3A_139 = tpu.memref_slice %arg4[%mul3A_2] : memref<131072xi32, #tpu.memory_space<hbm>> -> memref<4096xi32, #tpu.memory_space<hbm>>
      tpu.enqueue_dma source(%dma_start3A_139 : memref<4096xi32, #tpu.memory_space<hbm>>) target(%arg19 : memref<4096xi32, #tpu.memory_space<vmem>>) target_semaphore(%run_scoped3A : memref<!tpu.dma_semaphore, #tpu.memory_space<semaphore_mem>>)
      %dma_wait3A_140 = tpu.memref_slice %arg4[%mul3A_2] : memref<131072xi32, #tpu.memory_space<hbm>> -> memref<4096xi32, #tpu.memory_space<hbm>>
      %dma_wait3A_141 = tpu.memref_slice %arg4[%mul3A_2] : memref<131072xi32, #tpu.memory_space<hbm>> -> memref<4096xi32, #tpu.memory_space<hbm>>
      tpu.wait_dma2 semaphore(%run_scoped3A : memref<!tpu.dma_semaphore, #tpu.memory_space<semaphore_mem>>) src(%dma_wait3A_141 : memref<4096xi32, #tpu.memory_space<hbm>>) dst(%arg19 : memref<4096xi32, #tpu.memory_space<vmem>>)
      tpu.yield
    }) : () -> ()
    %iota3A = tpu.iota {dimensions = array<i32: 0>} : vector<16xi32>
    %mul3A_7 = arith.constant 3 : i32
    %mul3A_8 = vector.broadcast %mul3A_7 : i32 to vector<16xi32>
    %mul3A_9 = arith.muli %iota3A, %mul3A_8 : vector<16xi32>
    %mul3A_10 = arith.constant 2 : i32
    %mul3A_11 = vector.broadcast %mul3A_10 : i32 to vector<16xi32>
    %mul3A_12 = arith.muli %iota3A, %mul3A_11 : vector<16xi32>
    %add3A_13 = arith.constant 0 : i32
    %add3A_14 = vector.broadcast %add3A_13 : i32 to vector<16xi32>
    %add3A_15 = arith.addi %iota3A, %add3A_14 : vector<16xi32>
    %add3A_16 = arith.constant 16 : i32
    %add3A_17 = vector.broadcast %add3A_16 : i32 to vector<16xi32>
    %add3A_18 = arith.addi %iota3A, %add3A_17 : vector<16xi32>
    %add3A_19 = arith.constant 32 : i32
    %add3A_20 = vector.broadcast %add3A_19 : i32 to vector<16xi32>
    %add3A_21 = arith.addi %iota3A, %add3A_20 : vector<16xi32>
    %add3A_22 = arith.constant 48 : i32
    %add3A_23 = vector.broadcast %add3A_22 : i32 to vector<16xi32>
    %add3A_24 = arith.addi %iota3A, %add3A_23 : vector<16xi32>
    %add3A_25 = arith.constant 64 : i32
    %add3A_26 = vector.broadcast %add3A_25 : i32 to vector<16xi32>
    %add3A_27 = arith.addi %iota3A, %add3A_26 : vector<16xi32>
    %add3A_28 = arith.constant 80 : i32
    %add3A_29 = vector.broadcast %add3A_28 : i32 to vector<16xi32>
    %add3A_30 = arith.addi %iota3A, %add3A_29 : vector<16xi32>
    %add3A_31 = arith.constant 96 : i32
    %add3A_32 = vector.broadcast %add3A_31 : i32 to vector<16xi32>
    %add3A_33 = arith.addi %iota3A, %add3A_32 : vector<16xi32>
    %add3A_34 = arith.constant 112 : i32
    %add3A_35 = vector.broadcast %add3A_34 : i32 to vector<16xi32>
    %add3A_36 = arith.addi %iota3A, %add3A_35 : vector<16xi32>
    %add3A_37 = arith.constant 128 : i32
    %add3A_38 = vector.broadcast %add3A_37 : i32 to vector<16xi32>
    %add3A_39 = arith.addi %iota3A, %add3A_38 : vector<16xi32>
    %add3A_40 = arith.constant 144 : i32
    %add3A_41 = vector.broadcast %add3A_40 : i32 to vector<16xi32>
    %add3A_42 = arith.addi %iota3A, %add3A_41 : vector<16xi32>
    %add3A_43 = arith.constant 160 : i32
    %add3A_44 = vector.broadcast %add3A_43 : i32 to vector<16xi32>
    %add3A_45 = arith.addi %iota3A, %add3A_44 : vector<16xi32>
    %add3A_46 = arith.constant 176 : i32
    %add3A_47 = vector.broadcast %add3A_46 : i32 to vector<16xi32>
    %add3A_48 = arith.addi %iota3A, %add3A_47 : vector<16xi32>
    %add3A_49 = arith.constant 192 : i32
    %add3A_50 = vector.broadcast %add3A_49 : i32 to vector<16xi32>
    %add3A_51 = arith.addi %iota3A, %add3A_50 : vector<16xi32>
    %add3A_52 = arith.constant 208 : i32
    %add3A_53 = vector.broadcast %add3A_52 : i32 to vector<16xi32>
    %add3A_54 = arith.addi %iota3A, %add3A_53 : vector<16xi32>
    %add3A_55 = arith.constant 224 : i32
    %add3A_56 = vector.broadcast %add3A_55 : i32 to vector<16xi32>
    %add3A_57 = arith.addi %iota3A, %add3A_56 : vector<16xi32>
    %add3A_58 = arith.constant 240 : i32
    %add3A_59 = vector.broadcast %add3A_58 : i32 to vector<16xi32>
    %add3A_60 = arith.addi %iota3A, %add3A_59 : vector<16xi32>
    %lt3A = arith.constant 5 : i32
    %lt3A_61 = vector.broadcast %lt3A : i32 to vector<16xi32>
    %lt3A_62 = arith.cmpi slt, %iota3A, %lt3A_61 : vector<16xi32>
    %scan3A = arith.constant 0 : i32
    %scan3A_63 = arith.constant 256 : i32
    %scan3A_64 = arith.addi %scan3A, %scan3A_63 : i32
    %scan3A_65 = arith.constant 1 : i32
    scf.for %scan3A_138 = %scan3A to %scan3A_64 step %scan3A_65  : i32 {
      %mul3A_139 = arith.constant 1 : i32
      %mul3A_140 = arith.muli %scan3A_138, %mul3A_139 : i32
      %add3A_141 = arith.constant 0 : i32
      %add3A_142 = arith.addi %add3A_141, %mul3A_140 : i32
      %mul3A_143 = arith.constant 48 : i32
      %mul3A_144 = arith.muli %add3A_142, %mul3A_143 : i32
      %mul3A_145 = arith.constant 32 : i32
      %mul3A_146 = arith.muli %add3A_142, %mul3A_145 : i32
      %mul3A_147 = arith.constant 16 : i32
      %mul3A_148 = arith.muli %mul3A_147, %add3A_142 : i32
      %add3A_149 = vector.broadcast %mul3A_144 : i32 to vector<16xi32>
      %add3A_150 = arith.addi %add3A_149, %mul3A_9 : vector<16xi32>
      %gather3A = tpu.vector_load_idx %arg12[%add3A_150] : memref<12288xi32, #tpu.memory_space<vmem>>[vector<16xi32>], vector<16xi32>,
      %swap3A = arith.index_cast %mul3A_148 : i32 to index
      %swap3A_151 = tpu.vector_load %arg14[%swap3A] {strides = array<i32>} : memref<4096xi32, #tpu.memory_space<vmem>>, vector<16xi32>,
      tpu.vector_store %arg14[%swap3A], %gather3A {strides = array<i32>} : memref<4096xi32, #tpu.memory_space<vmem>>, vector<16xi32>,
      %add3A_152 = vector.broadcast %mul3A_144 : i32 to vector<16xi32>
      %add3A_153 = arith.addi %add3A_152, %mul3A_9 : vector<16xi32>
      %add3A_154 = arith.constant 1 : i32
      %add3A_155 = vector.broadcast %add3A_154 : i32 to vector<16xi32>
      %add3A_156 = arith.addi %add3A_153, %add3A_155 : vector<16xi32>
      %gather3A_157 = tpu.vector_load_idx %arg12[%add3A_156] : memref<12288xi32, #tpu.memory_space<vmem>>[vector<16xi32>], vector<16xi32>,
      %swap3A_158 = arith.index_cast %mul3A_148 : i32 to index
      %swap3A_159 = tpu.vector_load %arg15[%swap3A_158] {strides = array<i32>} : memref<4096xi32, #tpu.memory_space<vmem>>, vector<16xi32>,
      tpu.vector_store %arg15[%swap3A_158], %gather3A_157 {strides = array<i32>} : memref<4096xi32, #tpu.memory_space<vmem>>, vector<16xi32>,
      %add3A_160 = vector.broadcast %mul3A_144 : i32 to vector<16xi32>
      %add3A_161 = arith.addi %add3A_160, %mul3A_9 : vector<16xi32>
      %add3A_162 = arith.constant 2 : i32
      %add3A_163 = vector.broadcast %add3A_162 : i32 to vector<16xi32>
      %add3A_164 = arith.addi %add3A_161, %add3A_163 : vector<16xi32>
      %gather3A_165 = tpu.vector_load_idx %arg12[%add3A_164] : memref<12288xi32, #tpu.memory_space<vmem>>[vector<16xi32>], vector<16xi32>,
      %swap3A_166 = arith.index_cast %mul3A_148 : i32 to index
      %swap3A_167 = tpu.vector_load %arg16[%swap3A_166] {strides = array<i32>} : memref<4096xi32, #tpu.memory_space<vmem>>, vector<16xi32>,
      tpu.vector_store %arg16[%swap3A_166], %gather3A_165 {strides = array<i32>} : memref<4096xi32, #tpu.memory_space<vmem>>, vector<16xi32>,
      %add3A_168 = vector.broadcast %mul3A_146 : i32 to vector<16xi32>
      %add3A_169 = arith.addi %add3A_168, %mul3A_12 : vector<16xi32>
      %gather3A_170 = tpu.vector_load_idx %arg13[%add3A_169] : memref<8192xi32, #tpu.memory_space<vmem>>[vector<16xi32>], vector<16xi32>,
      %swap3A_171 = arith.index_cast %mul3A_148 : i32 to index
      %swap3A_172 = tpu.vector_load %arg17[%swap3A_171] {strides = array<i32>} : memref<4096xi32, #tpu.memory_space<vmem>>, vector<16xi32>,
      tpu.vector_store %arg17[%swap3A_171], %gather3A_170 {strides = array<i32>} : memref<4096xi32, #tpu.memory_space<vmem>>, vector<16xi32>,
      %add3A_173 = vector.broadcast %mul3A_146 : i32 to vector<16xi32>
      %add3A_174 = arith.addi %add3A_173, %mul3A_12 : vector<16xi32>
      %add3A_175 = arith.constant 1 : i32
      %add3A_176 = vector.broadcast %add3A_175 : i32 to vector<16xi32>
      %add3A_177 = arith.addi %add3A_174, %add3A_176 : vector<16xi32>
      %gather3A_178 = tpu.vector_load_idx %arg13[%add3A_177] : memref<8192xi32, #tpu.memory_space<vmem>>[vector<16xi32>], vector<16xi32>,
      %swap3A_179 = arith.index_cast %mul3A_148 : i32 to index
      %swap3A_180 = tpu.vector_load %arg18[%swap3A_179] {strides = array<i32>} : memref<4096xi32, #tpu.memory_space<vmem>>, vector<16xi32>,
      tpu.vector_store %arg18[%swap3A_179], %gather3A_178 {strides = array<i32>} : memref<4096xi32, #tpu.memory_space<vmem>>, vector<16xi32>,
    }
    %scan3A_66 = arith.constant 256 : i32
    %dma_start3A = arith.constant 0 : i32
    %dma_start3A_67 = tpu.memref_slice %arg14[%dma_start3A] : memref<4096xi32, #tpu.memory_space<vmem>> -> memref<16xi32, #tpu.memory_space<vmem>>
    %dma_start3A_68 = arith.constant 0 : i32
    %dma_start3A_69 = arith.constant 0 : i32
    %dma_start3A_70 = tpu.memref_slice %arg5[%dma_start3A_68, %dma_start3A_69] : memref<1000x96xf32, #tpu.memory_space<hbm>> -> memref<1000x96xf32, #tpu.memory_space<hbm>>
    tpu.enqueue_indirect_dma source(%dma_start3A_70 : memref<1000x96xf32, #tpu.memory_space<hbm>>) target(%arg20 : memref<16x96xf32, #tpu.memory_space<vmem>>) offsets(%dma_start3A_67 : memref<16xi32, #tpu.memory_space<vmem>>) semaphore(%arg34 : memref<!tpu.dma_semaphore, #tpu.memory_space<semaphore_mem>>)
    %dma_start3A_71 = arith.constant 0 : i32
    %dma_start3A_72 = tpu.memref_slice %arg15[%dma_start3A_71] : memref<4096xi32, #tpu.memory_space<vmem>> -> memref<16xi32, #tpu.memory_space<vmem>>
    %dma_start3A_73 = arith.constant 0 : i32
    %dma_start3A_74 = arith.constant 0 : i32
    %dma_start3A_75 = tpu.memref_slice %arg6[%dma_start3A_73, %dma_start3A_74] : memref<1000x96xf32, #tpu.memory_space<hbm>> -> memref<1000x96xf32, #tpu.memory_space<hbm>>
    tpu.enqueue_indirect_dma source(%dma_start3A_75 : memref<1000x96xf32, #tpu.memory_space<hbm>>) target(%arg21 : memref<16x96xf32, #tpu.memory_space<vmem>>) offsets(%dma_start3A_72 : memref<16xi32, #tpu.memory_space<vmem>>) semaphore(%arg34 : memref<!tpu.dma_semaphore, #tpu.memory_space<semaphore_mem>>)
    %dma_start3A_76 = arith.constant 0 : i32
    %dma_start3A_77 = tpu.memref_slice %arg16[%dma_start3A_76] : memref<4096xi32, #tpu.memory_space<vmem>> -> memref<16xi32, #tpu.memory_space<vmem>>
    %dma_start3A_78 = arith.constant 0 : i32
    %dma_start3A_79 = arith.constant 0 : i32
    %dma_start3A_80 = tpu.memref_slice %arg7[%dma_start3A_78, %dma_start3A_79] : memref<1000x96xf32, #tpu.memory_space<hbm>> -> memref<1000x96xf32, #tpu.memory_space<hbm>>
    tpu.enqueue_indirect_dma source(%dma_start3A_80 : memref<1000x96xf32, #tpu.memory_space<hbm>>) target(%arg22 : memref<16x96xf32, #tpu.memory_space<vmem>>) offsets(%dma_start3A_77 : memref<16xi32, #tpu.memory_space<vmem>>) semaphore(%arg34 : memref<!tpu.dma_semaphore, #tpu.memory_space<semaphore_mem>>)
    %dma_start3A_81 = arith.constant 0 : i32
    %dma_start3A_82 = tpu.memref_slice %arg17[%dma_start3A_81] : memref<4096xi32, #tpu.memory_space<vmem>> -> memref<16xi32, #tpu.memory_space<vmem>>
    %dma_start3A_83 = arith.constant 0 : i32
    %dma_start3A_84 = arith.constant 0 : i32
    %dma_start3A_85 = tpu.memref_slice %arg8[%dma_start3A_83, %dma_start3A_84] : memref<360x256xf32, #tpu.memory_space<hbm>> -> memref<360x256xf32, #tpu.memory_space<hbm>>
    tpu.enqueue_indirect_dma source(%dma_start3A_85 : memref<360x256xf32, #tpu.memory_space<hbm>>) target(%arg23 : memref<16x256xf32, #tpu.memory_space<vmem>>) offsets(%dma_start3A_82 : memref<16xi32, #tpu.memory_space<vmem>>) semaphore(%arg34 : memref<!tpu.dma_semaphore, #tpu.memory_space<semaphore_mem>>)
    %dma_start3A_86 = arith.constant 0 : i32
    %dma_start3A_87 = tpu.memref_slice %arg18[%dma_start3A_86] : memref<4096xi32, #tpu.memory_space<vmem>> -> memref<16xi32, #tpu.memory_space<vmem>>
    %dma_start3A_88 = arith.constant 0 : i32
    %dma_start3A_89 = arith.constant 0 : i32
    %dma_start3A_90 = tpu.memref_slice %arg9[%dma_start3A_88, %dma_start3A_89] : memref<180x256xf32, #tpu.memory_space<hbm>> -> memref<180x256xf32, #tpu.memory_space<hbm>>
    tpu.enqueue_indirect_dma source(%dma_start3A_90 : memref<180x256xf32, #tpu.memory_space<hbm>>) target(%arg24 : memref<16x256xf32, #tpu.memory_space<vmem>>) offsets(%dma_start3A_87 : memref<16xi32, #tpu.memory_space<vmem>>) semaphore(%arg34 : memref<!tpu.dma_semaphore, #tpu.memory_space<semaphore_mem>>)
    %dma_start3A_91 = arith.constant 0 : i32
    %dma_start3A_92 = tpu.memref_slice %arg19[%dma_start3A_91] : memref<4096xi32, #tpu.memory_space<vmem>> -> memref<16xi32, #tpu.memory_space<vmem>>
    %dma_start3A_93 = arith.constant 0 : i32
    %dma_start3A_94 = arith.constant 0 : i32
    %dma_start3A_95 = tpu.memref_slice %arg10[%dma_start3A_93, %dma_start3A_94] : memref<1000x256xf32, #tpu.memory_space<hbm>> -> memref<1000x256xf32, #tpu.memory_space<hbm>>
    tpu.enqueue_indirect_dma source(%dma_start3A_95 : memref<1000x256xf32, #tpu.memory_space<hbm>>) target(%arg25 : memref<16x256xf32, #tpu.memory_space<vmem>>) offsets(%dma_start3A_92 : memref<16xi32, #tpu.memory_space<vmem>>) semaphore(%arg34 : memref<!tpu.dma_semaphore, #tpu.memory_space<semaphore_mem>>)
    %scan3A_96 = arith.constant 0 : i32
    %scan3A_97 = arith.constant 128 : i32
    %scan3A_98 = arith.addi %scan3A_96, %scan3A_97 : i32
    %scan3A_99 = arith.constant 1 : i32
    scf.for %scan3A_138 = %scan3A_96 to %scan3A_98 step %scan3A_99  : i32 {
      %mul3A_139 = arith.constant 2 : i32
      %mul3A_140 = arith.muli %scan3A_138, %mul3A_139 : i32
      %add3A_141 = arith.constant 0 : i32
      %add3A_142 = arith.addi %add3A_141, %mul3A_140 : i32
      %add3A_143 = arith.constant 1 : i32
      %add3A_144 = arith.addi %add3A_142, %add3A_143 : i32
      %mul3A_145 = arith.constant 16 : i32
      %mul3A_146 = arith.muli %add3A_144, %mul3A_145 : i32
      %dma_start3A_147 = tpu.memref_slice %arg14[%mul3A_146] : memref<4096xi32, #tpu.memory_space<vmem>> -> memref<16xi32, #tpu.memory_space<vmem>>
      %dma_start3A_148 = arith.constant 0 : i32
      %dma_start3A_149 = arith.constant 0 : i32
      %dma_start3A_150 = tpu.memref_slice %arg5[%dma_start3A_148, %dma_start3A_149] : memref<1000x96xf32, #tpu.memory_space<hbm>> -> memref<1000x96xf32, #tpu.memory_space<hbm>>
      tpu.enqueue_indirect_dma source(%dma_start3A_150 : memref<1000x96xf32, #tpu.memory_space<hbm>>) target(%arg26 : memref<16x96xf32, #tpu.memory_space<vmem>>) offsets(%dma_start3A_147 : memref<16xi32, #tpu.memory_space<vmem>>) semaphore(%arg35 : memref<!tpu.dma_semaphore, #tpu.memory_space<semaphore_mem>>)
      %dma_start3A_151 = tpu.memref_slice %arg15[%mul3A_146] : memref<4096xi32, #tpu.memory_space<vmem>> -> memref<16xi32, #tpu.memory_space<vmem>>
      %dma_start3A_152 = arith.constant 0 : i32
      %dma_start3A_153 = arith.constant 0 : i32
      %dma_start3A_154 = tpu.memref_slice %arg6[%dma_start3A_152, %dma_start3A_153] : memref<1000x96xf32, #tpu.memory_space<hbm>> -> memref<1000x96xf32, #tpu.memory_space<hbm>>
      tpu.enqueue_indirect_dma source(%dma_start3A_154 : memref<1000x96xf32, #tpu.memory_space<hbm>>) target(%arg27 : memref<16x96xf32, #tpu.memory_space<vmem>>) offsets(%dma_start3A_151 : memref<16xi32, #tpu.memory_space<vmem>>) semaphore(%arg35 : memref<!tpu.dma_semaphore, #tpu.memory_space<semaphore_mem>>)
      %dma_start3A_155 = tpu.memref_slice %arg16[%mul3A_146] : memref<4096xi32, #tpu.memory_space<vmem>> -> memref<16xi32, #tpu.memory_space<vmem>>
      %dma_start3A_156 = arith.constant 0 : i32
      %dma_start3A_157 = arith.constant 0 : i32
      %dma_start3A_158 = tpu.memref_slice %arg7[%dma_start3A_156, %dma_start3A_157] : memref<1000x96xf32, #tpu.memory_space<hbm>> -> memref<1000x96xf32, #tpu.memory_space<hbm>>
      tpu.enqueue_indirect_dma source(%dma_start3A_158 : memref<1000x96xf32, #tpu.memory_space<hbm>>) target(%arg28 : memref<16x96xf32, #tpu.memory_space<vmem>>) offsets(%dma_start3A_155 : memref<16xi32, #tpu.memory_space<vmem>>) semaphore(%arg35 : memref<!tpu.dma_semaphore, #tpu.memory_space<semaphore_mem>>)
      %dma_start3A_159 = tpu.memref_slice %arg17[%mul3A_146] : memref<4096xi32, #tpu.memory_space<vmem>> -> memref<16xi32, #tpu.memory_space<vmem>>
      %dma_start3A_160 = arith.constant 0 : i32
      %dma_start3A_161 = arith.constant 0 : i32
      %dma_start3A_162 = tpu.memref_slice %arg8[%dma_start3A_160, %dma_start3A_161] : memref<360x256xf32, #tpu.memory_space<hbm>> -> memref<360x256xf32, #tpu.memory_space<hbm>>
      tpu.enqueue_indirect_dma source(%dma_start3A_162 : memref<360x256xf32, #tpu.memory_space<hbm>>) target(%arg29 : memref<16x256xf32, #tpu.memory_space<vmem>>) offsets(%dma_start3A_159 : memref<16xi32, #tpu.memory_space<vmem>>) semaphore(%arg35 : memref<!tpu.dma_semaphore, #tpu.memory_space<semaphore_mem>>)
      %dma_start3A_163 = tpu.memref_slice %arg18[%mul3A_146] : memref<4096xi32, #tpu.memory_space<vmem>> -> memref<16xi32, #tpu.memory_space<vmem>>
      %dma_start3A_164 = arith.constant 0 : i32
      %dma_start3A_165 = arith.constant 0 : i32
      %dma_start3A_166 = tpu.memref_slice %arg9[%dma_start3A_164, %dma_start3A_165] : memref<180x256xf32, #tpu.memory_space<hbm>> -> memref<180x256xf32, #tpu.memory_space<hbm>>
      tpu.enqueue_indirect_dma source(%dma_start3A_166 : memref<180x256xf32, #tpu.memory_space<hbm>>) target(%arg30 : memref<16x256xf32, #tpu.memory_space<vmem>>) offsets(%dma_start3A_163 : memref<16xi32, #tpu.memory_space<vmem>>) semaphore(%arg35 : memref<!tpu.dma_semaphore, #tpu.memory_space<semaphore_mem>>)
      %dma_start3A_167 = tpu.memref_slice %arg19[%mul3A_146] : memref<4096xi32, #tpu.memory_space<vmem>> -> memref<16xi32, #tpu.memory_space<vmem>>
      %dma_start3A_168 = arith.constant 0 : i32
      %dma_start3A_169 = arith.constant 0 : i32
      %dma_start3A_170 = tpu.memref_slice %arg10[%dma_start3A_168, %dma_start3A_169] : memref<1000x256xf32, #tpu.memory_space<hbm>> -> memref<1000x256xf32, #tpu.memory_space<hbm>>
      tpu.enqueue_indirect_dma source(%dma_start3A_170 : memref<1000x256xf32, #tpu.memory_space<hbm>>) target(%arg31 : memref<16x256xf32, #tpu.memory_space<vmem>>) offsets(%dma_start3A_167 : memref<16xi32, #tpu.memory_space<vmem>>) semaphore(%arg35 : memref<!tpu.dma_semaphore, #tpu.memory_space<semaphore_mem>>)
      %dma_wait3A_171 = arith.constant 0 : i32
      %dma_wait3A_172 = tpu.memref_slice %arg14[%dma_wait3A_171] : memref<4096xi32, #tpu.memory_space<vmem>> -> memref<16xi32, #tpu.memory_space<vmem>>
      %dma_wait3A_173 = arith.constant 0 : i32
      %dma_wait3A_174 = arith.constant 0 : i32
      %dma_wait3A_175 = tpu.memref_slice %arg5[%dma_wait3A_173, %dma_wait3A_174] : memref<1000x96xf32, #tpu.memory_space<hbm>> -> memref<1000x96xf32, #tpu.memory_space<hbm>>
      tpu.wait_indirect_dma semaphore(%arg34 : memref<!tpu.dma_semaphore, #tpu.memory_space<semaphore_mem>>) src(%dma_wait3A_175 : memref<1000x96xf32, #tpu.memory_space<hbm>>) dst(%arg20 : memref<16x96xf32, #tpu.memory_space<vmem>>)
      %dma_wait3A_176 = arith.constant 0 : i32
      %dma_wait3A_177 = tpu.memref_slice %arg15[%dma_wait3A_176] : memref<4096xi32, #tpu.memory_space<vmem>> -> memref<16xi32, #tpu.memory_space<vmem>>
      %dma_wait3A_178 = arith.constant 0 : i32
      %dma_wait3A_179 = arith.constant 0 : i32
      %dma_wait3A_180 = tpu.memref_slice %arg6[%dma_wait3A_178, %dma_wait3A_179] : memref<1000x96xf32, #tpu.memory_space<hbm>> -> memref<1000x96xf32, #tpu.memory_space<hbm>>
      tpu.wait_indirect_dma semaphore(%arg34 : memref<!tpu.dma_semaphore, #tpu.memory_space<semaphore_mem>>) src(%dma_wait3A_180 : memref<1000x96xf32, #tpu.memory_space<hbm>>) dst(%arg21 : memref<16x96xf32, #tpu.memory_space<vmem>>)
      %dma_wait3A_181 = arith.constant 0 : i32
      %dma_wait3A_182 = tpu.memref_slice %arg16[%dma_wait3A_181] : memref<4096xi32, #tpu.memory_space<vmem>> -> memref<16xi32, #tpu.memory_space<vmem>>
      %dma_wait3A_183 = arith.constant 0 : i32
      %dma_wait3A_184 = arith.constant 0 : i32
      %dma_wait3A_185 = tpu.memref_slice %arg7[%dma_wait3A_183, %dma_wait3A_184] : memref<1000x96xf32, #tpu.memory_space<hbm>> -> memref<1000x96xf32, #tpu.memory_space<hbm>>
      tpu.wait_indirect_dma semaphore(%arg34 : memref<!tpu.dma_semaphore, #tpu.memory_space<semaphore_mem>>) src(%dma_wait3A_185 : memref<1000x96xf32, #tpu.memory_space<hbm>>) dst(%arg22 : memref<16x96xf32, #tpu.memory_space<vmem>>)
      %dma_wait3A_186 = arith.constant 0 : i32
      %dma_wait3A_187 = tpu.memref_slice %arg17[%dma_wait3A_186] : memref<4096xi32, #tpu.memory_space<vmem>> -> memref<16xi32, #tpu.memory_space<vmem>>
      %dma_wait3A_188 = arith.constant 0 : i32
      %dma_wait3A_189 = arith.constant 0 : i32
      %dma_wait3A_190 = tpu.memref_slice %arg8[%dma_wait3A_188, %dma_wait3A_189] : memref<360x256xf32, #tpu.memory_space<hbm>> -> memref<360x256xf32, #tpu.memory_space<hbm>>
      tpu.wait_indirect_dma semaphore(%arg34 : memref<!tpu.dma_semaphore, #tpu.memory_space<semaphore_mem>>) src(%dma_wait3A_190 : memref<360x256xf32, #tpu.memory_space<hbm>>) dst(%arg23 : memref<16x256xf32, #tpu.memory_space<vmem>>)
      %dma_wait3A_191 = arith.constant 0 : i32
      %dma_wait3A_192 = tpu.memref_slice %arg18[%dma_wait3A_191] : memref<4096xi32, #tpu.memory_space<vmem>> -> memref<16xi32, #tpu.memory_space<vmem>>
      %dma_wait3A_193 = arith.constant 0 : i32
      %dma_wait3A_194 = arith.constant 0 : i32
      %dma_wait3A_195 = tpu.memref_slice %arg9[%dma_wait3A_193, %dma_wait3A_194] : memref<180x256xf32, #tpu.memory_space<hbm>> -> memref<180x256xf32, #tpu.memory_space<hbm>>
      tpu.wait_indirect_dma semaphore(%arg34 : memref<!tpu.dma_semaphore, #tpu.memory_space<semaphore_mem>>) src(%dma_wait3A_195 : memref<180x256xf32, #tpu.memory_space<hbm>>) dst(%arg24 : memref<16x256xf32, #tpu.memory_space<vmem>>)
      %dma_wait3A_196 = arith.constant 0 : i32
      %dma_wait3A_197 = tpu.memref_slice %arg19[%dma_wait3A_196] : memref<4096xi32, #tpu.memory_space<vmem>> -> memref<16xi32, #tpu.memory_space<vmem>>
      %dma_wait3A_198 = arith.constant 0 : i32
      %dma_wait3A_199 = arith.constant 0 : i32
      %dma_wait3A_200 = tpu.memref_slice %arg10[%dma_wait3A_198, %dma_wait3A_199] : memref<1000x256xf32, #tpu.memory_space<hbm>> -> memref<1000x256xf32, #tpu.memory_space<hbm>>
      tpu.wait_indirect_dma semaphore(%arg34 : memref<!tpu.dma_semaphore, #tpu.memory_space<semaphore_mem>>) src(%dma_wait3A_200 : memref<1000x256xf32, #tpu.memory_space<hbm>>) dst(%arg25 : memref<16x256xf32, #tpu.memory_space<vmem>>)
      %gt3A = arith.constant 0 : i32
      %gt3A_201 = arith.cmpi sgt, %add3A_142, %gt3A : i32
      %convert_element_type3A = arith.extui %gt3A_201 : i1 to i32
      %cond3A = arith.constant 0 : i32
      %cond3A_202 = arith.cmpi ne, %convert_element_type3A, %cond3A : i32
      scf.if %cond3A_202 {
        %dma_wait3A_288 = arith.constant 0 : i32
        %dma_wait3A_289 = tpu.memref_slice %arg11[%dma_wait3A_288] : memref<134086656xf32, #tpu.memory_space<hbm>> -> memref<16368xf32, #tpu.memory_space<hbm>>
        %dma_wait3A_290 = arith.constant 0 : i32
        %dma_wait3A_291 = tpu.memref_slice %arg11[%dma_wait3A_290] : memref<134086656xf32, #tpu.memory_space<hbm>> -> memref<16368xf32, #tpu.memory_space<hbm>>
        tpu.wait_dma2 semaphore(%arg36 : memref<!tpu.dma_semaphore, #tpu.memory_space<semaphore_mem>>) src(%arg32 : memref<16368xf32, #tpu.memory_space<vmem>>) dst(%dma_wait3A_291 : memref<16368xf32, #tpu.memory_space<hbm>>)
      } else {
      }
      %parallel_loop3A = arith.constant 0 : i32
      %parallel_loop3A_203 = arith.constant 16 : i32
      %parallel_loop3A_204 = arith.constant 1 : i32
      scf.for %parallel_loop3A_288 = %parallel_loop3A to %parallel_loop3A_203 step %parallel_loop3A_204  : i32 {
        %parallel_loop3A_289 = arith.constant 1023 : i32
        %parallel_loop3A_290 = arith.muli %parallel_loop3A_288, %parallel_loop3A_289 : i32
        %parallel_loop3A_291 = arith.constant 0 : i32
        %parallel_loop3A_292 = arith.addi %parallel_loop3A_290, %parallel_loop3A_291 : i32
        %parallel_loop3A_293 = vector.broadcast %parallel_loop3A_292 : i32 to vector<16xi32>
        %parallel_loop3A_294 = arith.addi %parallel_loop3A_293, %add3A_15 : vector<16xi32>
        %parallel_loop3A_295 = arith.addi %parallel_loop3A_293, %add3A_18 : vector<16xi32>
        %parallel_loop3A_296 = arith.addi %parallel_loop3A_293, %add3A_21 : vector<16xi32>
        %parallel_loop3A_297 = arith.addi %parallel_loop3A_293, %add3A_24 : vector<16xi32>
        %parallel_loop3A_298 = arith.addi %parallel_loop3A_293, %add3A_27 : vector<16xi32>
        %parallel_loop3A_299 = arith.addi %parallel_loop3A_293, %add3A_30 : vector<16xi32>
        %parallel_loop3A_300 = arith.constant 85 : i32
        %parallel_loop3A_301 = arith.addi %parallel_loop3A_290, %parallel_loop3A_300 : i32
        %parallel_loop3A_302 = vector.broadcast %parallel_loop3A_301 : i32 to vector<16xi32>
        %parallel_loop3A_303 = arith.addi %parallel_loop3A_302, %add3A_15 : vector<16xi32>
        %parallel_loop3A_304 = arith.addi %parallel_loop3A_302, %add3A_18 : vector<16xi32>
        %parallel_loop3A_305 = arith.addi %parallel_loop3A_302, %add3A_21 : vector<16xi32>
        %parallel_loop3A_306 = arith.addi %parallel_loop3A_302, %add3A_24 : vector<16xi32>
        %parallel_loop3A_307 = arith.addi %parallel_loop3A_302, %add3A_27 : vector<16xi32>
        %parallel_loop3A_308 = arith.addi %parallel_loop3A_302, %add3A_30 : vector<16xi32>
        %parallel_loop3A_309 = arith.constant 170 : i32
        %parallel_loop3A_310 = arith.addi %parallel_loop3A_290, %parallel_loop3A_309 : i32
        %parallel_loop3A_311 = vector.broadcast %parallel_loop3A_310 : i32 to vector<16xi32>
        %parallel_loop3A_312 = arith.addi %parallel_loop3A_311, %add3A_15 : vector<16xi32>
        %parallel_loop3A_313 = arith.addi %parallel_loop3A_311, %add3A_18 : vector<16xi32>
        %parallel_loop3A_314 = arith.addi %parallel_loop3A_311, %add3A_21 : vector<16xi32>
        %parallel_loop3A_315 = arith.addi %parallel_loop3A_311, %add3A_24 : vector<16xi32>
        %parallel_loop3A_316 = arith.addi %parallel_loop3A_311, %add3A_27 : vector<16xi32>
        %parallel_loop3A_317 = arith.addi %parallel_loop3A_311, %add3A_30 : vector<16xi32>
        %parallel_loop3A_318 = arith.constant 255 : i32
        %parallel_loop3A_319 = arith.addi %parallel_loop3A_290, %parallel_loop3A_318 : i32
        %parallel_loop3A_320 = vector.broadcast %parallel_loop3A_319 : i32 to vector<16xi32>
        %parallel_loop3A_321 = arith.addi %parallel_loop3A_320, %add3A_15 : vector<16xi32>
        %parallel_loop3A_322 = arith.addi %parallel_loop3A_320, %add3A_18 : vector<16xi32>
        %parallel_loop3A_323 = arith.addi %parallel_loop3A_320, %add3A_21 : vector<16xi32>
        %parallel_loop3A_324 = arith.addi %parallel_loop3A_320, %add3A_24 : vector<16xi32>
        %parallel_loop3A_325 = arith.addi %parallel_loop3A_320, %add3A_27 : vector<16xi32>
        %parallel_loop3A_326 = arith.addi %parallel_loop3A_320, %add3A_30 : vector<16xi32>
        %parallel_loop3A_327 = arith.addi %parallel_loop3A_320, %add3A_33 : vector<16xi32>
        %parallel_loop3A_328 = arith.addi %parallel_loop3A_320, %add3A_36 : vector<16xi32>
        %parallel_loop3A_329 = arith.addi %parallel_loop3A_320, %add3A_39 : vector<16xi32>
        %parallel_loop3A_330 = arith.addi %parallel_loop3A_320, %add3A_42 : vector<16xi32>
        %parallel_loop3A_331 = arith.addi %parallel_loop3A_320, %add3A_45 : vector<16xi32>
        %parallel_loop3A_332 = arith.addi %parallel_loop3A_320, %add3A_48 : vector<16xi32>
        %parallel_loop3A_333 = arith.addi %parallel_loop3A_320, %add3A_51 : vector<16xi32>
        %parallel_loop3A_334 = arith.addi %parallel_loop3A_320, %add3A_54 : vector<16xi32>
        %parallel_loop3A_335 = arith.addi %parallel_loop3A_320, %add3A_57 : vector<16xi32>
        %parallel_loop3A_336 = arith.addi %parallel_loop3A_320, %add3A_60 : vector<16xi32>
        %parallel_loop3A_337 = arith.constant 511 : i32
        %parallel_loop3A_338 = arith.addi %parallel_loop3A_290, %parallel_loop3A_337 : i32
        %parallel_loop3A_339 = vector.broadcast %parallel_loop3A_338 : i32 to vector<16xi32>
        %parallel_loop3A_340 = arith.addi %parallel_loop3A_339, %add3A_15 : vector<16xi32>
        %parallel_loop3A_341 = arith.addi %parallel_loop3A_339, %add3A_18 : vector<16xi32>
        %parallel_loop3A_342 = arith.addi %parallel_loop3A_339, %add3A_21 : vector<16xi32>
        %parallel_loop3A_343 = arith.addi %parallel_loop3A_339, %add3A_24 : vector<16xi32>
        %parallel_loop3A_344 = arith.addi %parallel_loop3A_339, %add3A_27 : vector<16xi32>
        %parallel_loop3A_345 = arith.addi %parallel_loop3A_339, %add3A_30 : vector<16xi32>
        %parallel_loop3A_346 = arith.addi %parallel_loop3A_339, %add3A_33 : vector<16xi32>
        %parallel_loop3A_347 = arith.addi %parallel_loop3A_339, %add3A_36 : vector<16xi32>
        %parallel_loop3A_348 = arith.addi %parallel_loop3A_339, %add3A_39 : vector<16xi32>
        %parallel_loop3A_349 = arith.addi %parallel_loop3A_339, %add3A_42 : vector<16xi32>
        %parallel_loop3A_350 = arith.addi %parallel_loop3A_339, %add3A_45 : vector<16xi32>
        %parallel_loop3A_351 = arith.addi %parallel_loop3A_339, %add3A_48 : vector<16xi32>
        %parallel_loop3A_352 = arith.addi %parallel_loop3A_339, %add3A_51 : vector<16xi32>
        %parallel_loop3A_353 = arith.addi %parallel_loop3A_339, %add3A_54 : vector<16xi32>
        %parallel_loop3A_354 = arith.addi %parallel_loop3A_339, %add3A_57 : vector<16xi32>
        %parallel_loop3A_355 = arith.addi %parallel_loop3A_339, %add3A_60 : vector<16xi32>
        %parallel_loop3A_356 = arith.constant 767 : i32
        %parallel_loop3A_357 = arith.addi %parallel_loop3A_290, %parallel_loop3A_356 : i32
        %parallel_loop3A_358 = vector.broadcast %parallel_loop3A_357 : i32 to vector<16xi32>
        %parallel_loop3A_359 = arith.addi %parallel_loop3A_358, %add3A_15 : vector<16xi32>
        %parallel_loop3A_360 = arith.addi %parallel_loop3A_358, %add3A_18 : vector<16xi32>
        %parallel_loop3A_361 = arith.addi %parallel_loop3A_358, %add3A_21 : vector<16xi32>
        %parallel_loop3A_362 = arith.addi %parallel_loop3A_358, %add3A_24 : vector<16xi32>
        %parallel_loop3A_363 = arith.addi %parallel_loop3A_358, %add3A_27 : vector<16xi32>
        %parallel_loop3A_364 = arith.addi %parallel_loop3A_358, %add3A_30 : vector<16xi32>
        %parallel_loop3A_365 = arith.addi %parallel_loop3A_358, %add3A_33 : vector<16xi32>
        %parallel_loop3A_366 = arith.addi %parallel_loop3A_358, %add3A_36 : vector<16xi32>
        %parallel_loop3A_367 = arith.addi %parallel_loop3A_358, %add3A_39 : vector<16xi32>
        %parallel_loop3A_368 = arith.addi %parallel_loop3A_358, %add3A_42 : vector<16xi32>
        %parallel_loop3A_369 = arith.addi %parallel_loop3A_358, %add3A_45 : vector<16xi32>
        %parallel_loop3A_370 = arith.addi %parallel_loop3A_358, %add3A_48 : vector<16xi32>
        %parallel_loop3A_371 = arith.addi %parallel_loop3A_358, %add3A_51 : vector<16xi32>
        %parallel_loop3A_372 = arith.addi %parallel_loop3A_358, %add3A_54 : vector<16xi32>
        %parallel_loop3A_373 = arith.addi %parallel_loop3A_358, %add3A_57 : vector<16xi32>
        %parallel_loop3A_374 = arith.addi %parallel_loop3A_358, %add3A_60 : vector<16xi32>
        %parallel_loop3A_375 = arith.index_cast %parallel_loop3A_288 : i32 to index
        %parallel_loop3A_376 = arith.constant 0 : index
        %parallel_loop3A_377 = tpu.vector_load %arg20[%parallel_loop3A_375, %parallel_loop3A_376] {strides = array<i32>} : memref<16x96xf32, #tpu.memory_space<vmem>>, vector<16xf32>,
        %parallel_loop3A_378 = arith.index_cast %parallel_loop3A_288 : i32 to index
        %parallel_loop3A_379 = arith.constant 16 : index
        %parallel_loop3A_380 = tpu.vector_load %arg20[%parallel_loop3A_378, %parallel_loop3A_379] {strides = array<i32>} : memref<16x96xf32, #tpu.memory_space<vmem>>, vector<16xf32>,
        %parallel_loop3A_381 = arith.index_cast %parallel_loop3A_288 : i32 to index
        %parallel_loop3A_382 = arith.constant 32 : index
        %parallel_loop3A_383 = tpu.vector_load %arg20[%parallel_loop3A_381, %parallel_loop3A_382] {strides = array<i32>} : memref<16x96xf32, #tpu.memory_space<vmem>>, vector<16xf32>,
        %parallel_loop3A_384 = arith.index_cast %parallel_loop3A_288 : i32 to index
        %parallel_loop3A_385 = arith.constant 48 : index
        %parallel_loop3A_386 = tpu.vector_load %arg20[%parallel_loop3A_384, %parallel_loop3A_385] {strides = array<i32>} : memref<16x96xf32, #tpu.memory_space<vmem>>, vector<16xf32>,
        %parallel_loop3A_387 = arith.index_cast %parallel_loop3A_288 : i32 to index
        %parallel_loop3A_388 = arith.constant 64 : index
        %parallel_loop3A_389 = tpu.vector_load %arg20[%parallel_loop3A_387, %parallel_loop3A_388] {strides = array<i32>} : memref<16x96xf32, #tpu.memory_space<vmem>>, vector<16xf32>,
        %parallel_loop3A_390 = arith.index_cast %parallel_loop3A_288 : i32 to index
        %parallel_loop3A_391 = arith.constant 80 : index
        %parallel_loop3A_392 = tpu.vector_load %arg20[%parallel_loop3A_390, %parallel_loop3A_391] {strides = array<i32>} : memref<16x96xf32, #tpu.memory_space<vmem>>, vector<16xf32>,
        %parallel_loop3A_393 = arith.index_cast %parallel_loop3A_288 : i32 to index
        %parallel_loop3A_394 = arith.constant 0 : index
        %parallel_loop3A_395 = tpu.vector_load %arg21[%parallel_loop3A_393, %parallel_loop3A_394] {strides = array<i32>} : memref<16x96xf32, #tpu.memory_space<vmem>>, vector<16xf32>,
        %parallel_loop3A_396 = arith.index_cast %parallel_loop3A_288 : i32 to index
        %parallel_loop3A_397 = arith.constant 16 : index
        %parallel_loop3A_398 = tpu.vector_load %arg21[%parallel_loop3A_396, %parallel_loop3A_397] {strides = array<i32>} : memref<16x96xf32, #tpu.memory_space<vmem>>, vector<16xf32>,
        tpu.vector_store_idx %arg32[%parallel_loop3A_294], %parallel_loop3A_377 : memref<16368xf32, #tpu.memory_space<vmem>>[vector<16xi32>], vector<16xf32>,
        tpu.vector_store_idx %arg32[%parallel_loop3A_295], %parallel_loop3A_380 : memref<16368xf32, #tpu.memory_space<vmem>>[vector<16xi32>], vector<16xf32>,
        tpu.vector_store_idx %arg32[%parallel_loop3A_296], %parallel_loop3A_383 : memref<16368xf32, #tpu.memory_space<vmem>>[vector<16xi32>], vector<16xf32>,
        tpu.vector_store_idx %arg32[%parallel_loop3A_297], %parallel_loop3A_386 : memref<16368xf32, #tpu.memory_space<vmem>>[vector<16xi32>], vector<16xf32>,
        tpu.vector_store_idx %arg32[%parallel_loop3A_298], %parallel_loop3A_389 : memref<16368xf32, #tpu.memory_space<vmem>>[vector<16xi32>], vector<16xf32>,
        tpu.vector_store_idx %arg32[%parallel_loop3A_299], %parallel_loop3A_392 : memref<16368xf32, #tpu.memory_space<vmem>>[vector<16xi32>], vector<16xf32>,
        tpu.vector_store_idx %arg32[%parallel_loop3A_303], %parallel_loop3A_395 : memref<16368xf32, #tpu.memory_space<vmem>>[vector<16xi32>], vector<16xf32>,
        tpu.vector_store_idx %arg32[%parallel_loop3A_304], %parallel_loop3A_398 : memref<16368xf32, #tpu.memory_space<vmem>>[vector<16xi32>], vector<16xf32>,
        %parallel_loop3A_399 = arith.index_cast %parallel_loop3A_288 : i32 to index
        %parallel_loop3A_400 = arith.constant 32 : index
        %parallel_loop3A_401 = tpu.vector_load %arg21[%parallel_loop3A_399, %parallel_loop3A_400] {strides = array<i32>} : memref<16x96xf32, #tpu.memory_space<vmem>>, vector<16xf32>,
        %parallel_loop3A_402 = arith.index_cast %parallel_loop3A_288 : i32 to index
        %parallel_loop3A_403 = arith.constant 48 : index
        %parallel_loop3A_404 = tpu.vector_load %arg21[%parallel_loop3A_402, %parallel_loop3A_403] {strides = array<i32>} : memref<16x96xf32, #tpu.memory_space<vmem>>, vector<16xf32>,
        %parallel_loop3A_405 = arith.index_cast %parallel_loop3A_288 : i32 to index
        %parallel_loop3A_406 = arith.constant 64 : index
        %parallel_loop3A_407 = tpu.vector_load %arg21[%parallel_loop3A_405, %parallel_loop3A_406] {strides = array<i32>} : memref<16x96xf32, #tpu.memory_space<vmem>>, vector<16xf32>,
        %parallel_loop3A_408 = arith.index_cast %parallel_loop3A_288 : i32 to index
        %parallel_loop3A_409 = arith.constant 80 : index
        %parallel_loop3A_410 = tpu.vector_load %arg21[%parallel_loop3A_408, %parallel_loop3A_409] {strides = array<i32>} : memref<16x96xf32, #tpu.memory_space<vmem>>, vector<16xf32>,
        %parallel_loop3A_411 = arith.index_cast %parallel_loop3A_288 : i32 to index
        %parallel_loop3A_412 = arith.constant 0 : index
        %parallel_loop3A_413 = tpu.vector_load %arg22[%parallel_loop3A_411, %parallel_loop3A_412] {strides = array<i32>} : memref<16x96xf32, #tpu.memory_space<vmem>>, vector<16xf32>,
        %parallel_loop3A_414 = arith.index_cast %parallel_loop3A_288 : i32 to index
        %parallel_loop3A_415 = arith.constant 16 : index
        %parallel_loop3A_416 = tpu.vector_load %arg22[%parallel_loop3A_414, %parallel_loop3A_415] {strides = array<i32>} : memref<16x96xf32, #tpu.memory_space<vmem>>, vector<16xf32>,
        %parallel_loop3A_417 = arith.index_cast %parallel_loop3A_288 : i32 to index
        %parallel_loop3A_418 = arith.constant 32 : index
        %parallel_loop3A_419 = tpu.vector_load %arg22[%parallel_loop3A_417, %parallel_loop3A_418] {strides = array<i32>} : memref<16x96xf32, #tpu.memory_space<vmem>>, vector<16xf32>,
        %parallel_loop3A_420 = arith.index_cast %parallel_loop3A_288 : i32 to index
        %parallel_loop3A_421 = arith.constant 48 : index
        %parallel_loop3A_422 = tpu.vector_load %arg22[%parallel_loop3A_420, %parallel_loop3A_421] {strides = array<i32>} : memref<16x96xf32, #tpu.memory_space<vmem>>, vector<16xf32>,
        tpu.vector_store_idx %arg32[%parallel_loop3A_305], %parallel_loop3A_401 : memref<16368xf32, #tpu.memory_space<vmem>>[vector<16xi32>], vector<16xf32>,
        tpu.vector_store_idx %arg32[%parallel_loop3A_306], %parallel_loop3A_404 : memref<16368xf32, #tpu.memory_space<vmem>>[vector<16xi32>], vector<16xf32>,
        tpu.vector_store_idx %arg32[%parallel_loop3A_307], %parallel_loop3A_407 : memref<16368xf32, #tpu.memory_space<vmem>>[vector<16xi32>], vector<16xf32>,
        tpu.vector_store_idx %arg32[%parallel_loop3A_308], %parallel_loop3A_410 : memref<16368xf32, #tpu.memory_space<vmem>>[vector<16xi32>], vector<16xf32>,
        tpu.vector_store_idx %arg32[%parallel_loop3A_312], %parallel_loop3A_413 : memref<16368xf32, #tpu.memory_space<vmem>>[vector<16xi32>], vector<16xf32>,
        tpu.vector_store_idx %arg32[%parallel_loop3A_313], %parallel_loop3A_416 : memref<16368xf32, #tpu.memory_space<vmem>>[vector<16xi32>], vector<16xf32>,
        tpu.vector_store_idx %arg32[%parallel_loop3A_314], %parallel_loop3A_419 : memref<16368xf32, #tpu.memory_space<vmem>>[vector<16xi32>], vector<16xf32>,
        tpu.vector_store_idx %arg32[%parallel_loop3A_315], %parallel_loop3A_422 : memref<16368xf32, #tpu.memory_space<vmem>>[vector<16xi32>], vector<16xf32>,
        %parallel_loop3A_423 = arith.index_cast %parallel_loop3A_288 : i32 to index
        %parallel_loop3A_424 = arith.constant 64 : index
        %parallel_loop3A_425 = tpu.vector_load %arg22[%parallel_loop3A_423, %parallel_loop3A_424] {strides = array<i32>} : memref<16x96xf32, #tpu.memory_space<vmem>>, vector<16xf32>,
        %parallel_loop3A_426 = arith.index_cast %parallel_loop3A_288 : i32 to index
        %parallel_loop3A_427 = arith.constant 80 : index
        %parallel_loop3A_428 = tpu.vector_load %arg22[%parallel_loop3A_426, %parallel_loop3A_427] {strides = array<i32>} : memref<16x96xf32, #tpu.memory_space<vmem>>, vector<16xf32>,
        %parallel_loop3A_429 = arith.index_cast %parallel_loop3A_288 : i32 to index
        %parallel_loop3A_430 = arith.constant 0 : index
        %parallel_loop3A_431 = tpu.vector_load %arg23[%parallel_loop3A_429, %parallel_loop3A_430] {strides = array<i32>} : memref<16x256xf32, #tpu.memory_space<vmem>>, vector<16xf32>,
        %parallel_loop3A_432 = arith.index_cast %parallel_loop3A_288 : i32 to index
        %parallel_loop3A_433 = arith.constant 16 : index
        %parallel_loop3A_434 = tpu.vector_load %arg23[%parallel_loop3A_432, %parallel_loop3A_433] {strides = array<i32>} : memref<16x256xf32, #tpu.memory_space<vmem>>, vector<16xf32>,
        %parallel_loop3A_435 = arith.index_cast %parallel_loop3A_288 : i32 to index
        %parallel_loop3A_436 = arith.constant 32 : index
        %parallel_loop3A_437 = tpu.vector_load %arg23[%parallel_loop3A_435, %parallel_loop3A_436] {strides = array<i32>} : memref<16x256xf32, #tpu.memory_space<vmem>>, vector<16xf32>,
        %parallel_loop3A_438 = arith.index_cast %parallel_loop3A_288 : i32 to index
        %parallel_loop3A_439 = arith.constant 48 : index
        %parallel_loop3A_440 = tpu.vector_load %arg23[%parallel_loop3A_438, %parallel_loop3A_439] {strides = array<i32>} : memref<16x256xf32, #tpu.memory_space<vmem>>, vector<16xf32>,
        %parallel_loop3A_441 = arith.index_cast %parallel_loop3A_288 : i32 to index
        %parallel_loop3A_442 = arith.constant 64 : index
        %parallel_loop3A_443 = tpu.vector_load %arg23[%parallel_loop3A_441, %parallel_loop3A_442] {strides = array<i32>} : memref<16x256xf32, #tpu.memory_space<vmem>>, vector<16xf32>,
        %parallel_loop3A_444 = arith.index_cast %parallel_loop3A_288 : i32 to index
        %parallel_loop3A_445 = arith.constant 80 : index
        %parallel_loop3A_446 = tpu.vector_load %arg23[%parallel_loop3A_444, %parallel_loop3A_445] {strides = array<i32>} : memref<16x256xf32, #tpu.memory_space<vmem>>, vector<16xf32>,
        tpu.vector_store_idx %arg32[%parallel_loop3A_316], %parallel_loop3A_425 : memref<16368xf32, #tpu.memory_space<vmem>>[vector<16xi32>], vector<16xf32>,
        tpu.vector_store_idx %arg32[%parallel_loop3A_317], %parallel_loop3A_428 : memref<16368xf32, #tpu.memory_space<vmem>>[vector<16xi32>], vector<16xf32>,
        tpu.vector_store_idx %arg32[%parallel_loop3A_321], %parallel_loop3A_431 : memref<16368xf32, #tpu.memory_space<vmem>>[vector<16xi32>], vector<16xf32>,
        tpu.vector_store_idx %arg32[%parallel_loop3A_322], %parallel_loop3A_434 : memref<16368xf32, #tpu.memory_space<vmem>>[vector<16xi32>], vector<16xf32>,
        tpu.vector_store_idx %arg32[%parallel_loop3A_323], %parallel_loop3A_437 : memref<16368xf32, #tpu.memory_space<vmem>>[vector<16xi32>], vector<16xf32>,
        tpu.vector_store_idx %arg32[%parallel_loop3A_324], %parallel_loop3A_440 : memref<16368xf32, #tpu.memory_space<vmem>>[vector<16xi32>], vector<16xf32>,
        tpu.vector_store_idx %arg32[%parallel_loop3A_325], %parallel_loop3A_443 : memref<16368xf32, #tpu.memory_space<vmem>>[vector<16xi32>], vector<16xf32>,
        tpu.vector_store_idx %arg32[%parallel_loop3A_326], %parallel_loop3A_446 : memref<16368xf32, #tpu.memory_space<vmem>>[vector<16xi32>], vector<16xf32>,
        %parallel_loop3A_447 = arith.index_cast %parallel_loop3A_288 : i32 to index
        %parallel_loop3A_448 = arith.constant 96 : index
        %parallel_loop3A_449 = tpu.vector_load %arg23[%parallel_loop3A_447, %parallel_loop3A_448] {strides = array<i32>} : memref<16x256xf32, #tpu.memory_space<vmem>>, vector<16xf32>,
        %parallel_loop3A_450 = arith.index_cast %parallel_loop3A_288 : i32 to index
        %parallel_loop3A_451 = arith.constant 112 : index
        %parallel_loop3A_452 = tpu.vector_load %arg23[%parallel_loop3A_450, %parallel_loop3A_451] {strides = array<i32>} : memref<16x256xf32, #tpu.memory_space<vmem>>, vector<16xf32>,
        %parallel_loop3A_453 = arith.index_cast %parallel_loop3A_288 : i32 to index
        %parallel_loop3A_454 = arith.constant 128 : index
        %parallel_loop3A_455 = tpu.vector_load %arg23[%parallel_loop3A_453, %parallel_loop3A_454] {strides = array<i32>} : memref<16x256xf32, #tpu.memory_space<vmem>>, vector<16xf32>,
        %parallel_loop3A_456 = arith.index_cast %parallel_loop3A_288 : i32 to index
        %parallel_loop3A_457 = arith.constant 144 : index
        %parallel_loop3A_458 = tpu.vector_load %arg23[%parallel_loop3A_456, %parallel_loop3A_457] {strides = array<i32>} : memref<16x256xf32, #tpu.memory_space<vmem>>, vector<16xf32>,
        %parallel_loop3A_459 = arith.index_cast %parallel_loop3A_288 : i32 to index
        %parallel_loop3A_460 = arith.constant 160 : index
        %parallel_loop3A_461 = tpu.vector_load %arg23[%parallel_loop3A_459, %parallel_loop3A_460] {strides = array<i32>} : memref<16x256xf32, #tpu.memory_space<vmem>>, vector<16xf32>,
        %parallel_loop3A_462 = arith.index_cast %parallel_loop3A_288 : i32 to index
        %parallel_loop3A_463 = arith.constant 176 : index
        %parallel_loop3A_464 = tpu.vector_load %arg23[%parallel_loop3A_462, %parallel_loop3A_463] {strides = array<i32>} : memref<16x256xf32, #tpu.memory_space<vmem>>, vector<16xf32>,
        %parallel_loop3A_465 = arith.index_cast %parallel_loop3A_288 : i32 to index
        %parallel_loop3A_466 = arith.constant 192 : index
        %parallel_loop3A_467 = tpu.vector_load %arg23[%parallel_loop3A_465, %parallel_loop3A_466] {strides = array<i32>} : memref<16x256xf32, #tpu.memory_space<vmem>>, vector<16xf32>,
        %parallel_loop3A_468 = arith.index_cast %parallel_loop3A_288 : i32 to index
        %parallel_loop3A_469 = arith.constant 208 : index
        %parallel_loop3A_470 = tpu.vector_load %arg23[%parallel_loop3A_468, %parallel_loop3A_469] {strides = array<i32>} : memref<16x256xf32, #tpu.memory_space<vmem>>, vector<16xf32>,
        tpu.vector_store_idx %arg32[%parallel_loop3A_327], %parallel_loop3A_449 : memref<16368xf32, #tpu.memory_space<vmem>>[vector<16xi32>], vector<16xf32>,
        tpu.vector_store_idx %arg32[%parallel_loop3A_328], %parallel_loop3A_452 : memref<16368xf32, #tpu.memory_space<vmem>>[vector<16xi32>], vector<16xf32>,
        tpu.vector_store_idx %arg32[%parallel_loop3A_329], %parallel_loop3A_455 : memref<16368xf32, #tpu.memory_space<vmem>>[vector<16xi32>], vector<16xf32>,
        tpu.vector_store_idx %arg32[%parallel_loop3A_330], %parallel_loop3A_458 : memref<16368xf32, #tpu.memory_space<vmem>>[vector<16xi32>], vector<16xf32>,
        tpu.vector_store_idx %arg32[%parallel_loop3A_331], %parallel_loop3A_461 : memref<16368xf32, #tpu.memory_space<vmem>>[vector<16xi32>], vector<16xf32>,
        tpu.vector_store_idx %arg32[%parallel_loop3A_332], %parallel_loop3A_464 : memref<16368xf32, #tpu.memory_space<vmem>>[vector<16xi32>], vector<16xf32>,
        tpu.vector_store_idx %arg32[%parallel_loop3A_333], %parallel_loop3A_467 : memref<16368xf32, #tpu.memory_space<vmem>>[vector<16xi32>], vector<16xf32>,
        tpu.vector_store_idx %arg32[%parallel_loop3A_334], %parallel_loop3A_470 : memref<16368xf32, #tpu.memory_space<vmem>>[vector<16xi32>], vector<16xf32>,
        %parallel_loop3A_471 = arith.index_cast %parallel_loop3A_288 : i32 to index
        %parallel_loop3A_472 = arith.constant 224 : index
        %parallel_loop3A_473 = tpu.vector_load %arg23[%parallel_loop3A_471, %parallel_loop3A_472] {strides = array<i32>} : memref<16x256xf32, #tpu.memory_space<vmem>>, vector<16xf32>,
        %parallel_loop3A_474 = arith.index_cast %parallel_loop3A_288 : i32 to index
        %parallel_loop3A_475 = arith.constant 240 : index
        %parallel_loop3A_476 = tpu.vector_load %arg23[%parallel_loop3A_474, %parallel_loop3A_475] {strides = array<i32>} : memref<16x256xf32, #tpu.memory_space<vmem>>, vector<16xf32>,
        %parallel_loop3A_477 = arith.index_cast %parallel_loop3A_288 : i32 to index
        %parallel_loop3A_478 = arith.constant 0 : index
        %parallel_loop3A_479 = tpu.vector_load %arg24[%parallel_loop3A_477, %parallel_loop3A_478] {strides = array<i32>} : memref<16x256xf32, #tpu.memory_space<vmem>>, vector<16xf32>,
        %parallel_loop3A_480 = arith.index_cast %parallel_loop3A_288 : i32 to index
        %parallel_loop3A_481 = arith.constant 16 : index
        %parallel_loop3A_482 = tpu.vector_load %arg24[%parallel_loop3A_480, %parallel_loop3A_481] {strides = array<i32>} : memref<16x256xf32, #tpu.memory_space<vmem>>, vector<16xf32>,
        %parallel_loop3A_483 = arith.index_cast %parallel_loop3A_288 : i32 to index
        %parallel_loop3A_484 = arith.constant 32 : index
        %parallel_loop3A_485 = tpu.vector_load %arg24[%parallel_loop3A_483, %parallel_loop3A_484] {strides = array<i32>} : memref<16x256xf32, #tpu.memory_space<vmem>>, vector<16xf32>,
        %parallel_loop3A_486 = arith.index_cast %parallel_loop3A_288 : i32 to index
        %parallel_loop3A_487 = arith.constant 48 : index
        %parallel_loop3A_488 = tpu.vector_load %arg24[%parallel_loop3A_486, %parallel_loop3A_487] {strides = array<i32>} : memref<16x256xf32, #tpu.memory_space<vmem>>, vector<16xf32>,
        %parallel_loop3A_489 = arith.index_cast %parallel_loop3A_288 : i32 to index
        %parallel_loop3A_490 = arith.constant 64 : index
        %parallel_loop3A_491 = tpu.vector_load %arg24[%parallel_loop3A_489, %parallel_loop3A_490] {strides = array<i32>} : memref<16x256xf32, #tpu.memory_space<vmem>>, vector<16xf32>,
        %parallel_loop3A_492 = arith.index_cast %parallel_loop3A_288 : i32 to index
        %parallel_loop3A_493 = arith.constant 80 : index
        %parallel_loop3A_494 = tpu.vector_load %arg24[%parallel_loop3A_492, %parallel_loop3A_493] {strides = array<i32>} : memref<16x256xf32, #tpu.memory_space<vmem>>, vector<16xf32>,
        tpu.vector_store_idx %arg32[%parallel_loop3A_335], %parallel_loop3A_473 : memref<16368xf32, #tpu.memory_space<vmem>>[vector<16xi32>], vector<16xf32>,
        tpu.vector_store_idx %arg32[%parallel_loop3A_336], %parallel_loop3A_476 : memref<16368xf32, #tpu.memory_space<vmem>>[vector<16xi32>], vector<16xf32>,
        tpu.vector_store_idx %arg32[%parallel_loop3A_340], %parallel_loop3A_479 : memref<16368xf32, #tpu.memory_space<vmem>>[vector<16xi32>], vector<16xf32>,
        tpu.vector_store_idx %arg32[%parallel_loop3A_341], %parallel_loop3A_482 : memref<16368xf32, #tpu.memory_space<vmem>>[vector<16xi32>], vector<16xf32>,
        tpu.vector_store_idx %arg32[%parallel_loop3A_342], %parallel_loop3A_485 : memref<16368xf32, #tpu.memory_space<vmem>>[vector<16xi32>], vector<16xf32>,
        tpu.vector_store_idx %arg32[%parallel_loop3A_343], %parallel_loop3A_488 : memref<16368xf32, #tpu.memory_space<vmem>>[vector<16xi32>], vector<16xf32>,
        tpu.vector_store_idx %arg32[%parallel_loop3A_344], %parallel_loop3A_491 : memref<16368xf32, #tpu.memory_space<vmem>>[vector<16xi32>], vector<16xf32>,
        tpu.vector_store_idx %arg32[%parallel_loop3A_345], %parallel_loop3A_494 : memref<16368xf32, #tpu.memory_space<vmem>>[vector<16xi32>], vector<16xf32>,
        %parallel_loop3A_495 = arith.index_cast %parallel_loop3A_288 : i32 to index
        %parallel_loop3A_496 = arith.constant 96 : index
        %parallel_loop3A_497 = tpu.vector_load %arg24[%parallel_loop3A_495, %parallel_loop3A_496] {strides = array<i32>} : memref<16x256xf32, #tpu.memory_space<vmem>>, vector<16xf32>,
        %parallel_loop3A_498 = arith.index_cast %parallel_loop3A_288 : i32 to index
        %parallel_loop3A_499 = arith.constant 112 : index
        %parallel_loop3A_500 = tpu.vector_load %arg24[%parallel_loop3A_498, %parallel_loop3A_499] {strides = array<i32>} : memref<16x256xf32, #tpu.memory_space<vmem>>, vector<16xf32>,
        %parallel_loop3A_501 = arith.index_cast %parallel_loop3A_288 : i32 to index
        %parallel_loop3A_502 = arith.constant 128 : index
        %parallel_loop3A_503 = tpu.vector_load %arg24[%parallel_loop3A_501, %parallel_loop3A_502] {strides = array<i32>} : memref<16x256xf32, #tpu.memory_space<vmem>>, vector<16xf32>,
        %parallel_loop3A_504 = arith.index_cast %parallel_loop3A_288 : i32 to index
        %parallel_loop3A_505 = arith.constant 144 : index
        %parallel_loop3A_506 = tpu.vector_load %arg24[%parallel_loop3A_504, %parallel_loop3A_505] {strides = array<i32>} : memref<16x256xf32, #tpu.memory_space<vmem>>, vector<16xf32>,
        %parallel_loop3A_507 = arith.index_cast %parallel_loop3A_288 : i32 to index
        %parallel_loop3A_508 = arith.constant 160 : index
        %parallel_loop3A_509 = tpu.vector_load %arg24[%parallel_loop3A_507, %parallel_loop3A_508] {strides = array<i32>} : memref<16x256xf32, #tpu.memory_space<vmem>>, vector<16xf32>,
        %parallel_loop3A_510 = arith.index_cast %parallel_loop3A_288 : i32 to index
        %parallel_loop3A_511 = arith.constant 176 : index
        %parallel_loop3A_512 = tpu.vector_load %arg24[%parallel_loop3A_510, %parallel_loop3A_511] {strides = array<i32>} : memref<16x256xf32, #tpu.memory_space<vmem>>, vector<16xf32>,
        %parallel_loop3A_513 = arith.index_cast %parallel_loop3A_288 : i32 to index
        %parallel_loop3A_514 = arith.constant 192 : index
        %parallel_loop3A_515 = tpu.vector_load %arg24[%parallel_loop3A_513, %parallel_loop3A_514] {strides = array<i32>} : memref<16x256xf32, #tpu.memory_space<vmem>>, vector<16xf32>,
        %parallel_loop3A_516 = arith.index_cast %parallel_loop3A_288 : i32 to index
        %parallel_loop3A_517 = arith.constant 208 : index
        %parallel_loop3A_518 = tpu.vector_load %arg24[%parallel_loop3A_516, %parallel_loop3A_517] {strides = array<i32>} : memref<16x256xf32, #tpu.memory_space<vmem>>, vector<16xf32>,
        tpu.vector_store_idx %arg32[%parallel_loop3A_346], %parallel_loop3A_497 : memref<16368xf32, #tpu.memory_space<vmem>>[vector<16xi32>], vector<16xf32>,
        tpu.vector_store_idx %arg32[%parallel_loop3A_347], %parallel_loop3A_500 : memref<16368xf32, #tpu.memory_space<vmem>>[vector<16xi32>], vector<16xf32>,
        tpu.vector_store_idx %arg32[%parallel_loop3A_348], %parallel_loop3A_503 : memref<16368xf32, #tpu.memory_space<vmem>>[vector<16xi32>], vector<16xf32>,
        tpu.vector_store_idx %arg32[%parallel_loop3A_349], %parallel_loop3A_506 : memref<16368xf32, #tpu.memory_space<vmem>>[vector<16xi32>], vector<16xf32>,
        tpu.vector_store_idx %arg32[%parallel_loop3A_350], %parallel_loop3A_509 : memref<16368xf32, #tpu.memory_space<vmem>>[vector<16xi32>], vector<16xf32>,
        tpu.vector_store_idx %arg32[%parallel_loop3A_351], %parallel_loop3A_512 : memref<16368xf32, #tpu.memory_space<vmem>>[vector<16xi32>], vector<16xf32>,
        tpu.vector_store_idx %arg32[%parallel_loop3A_352], %parallel_loop3A_515 : memref<16368xf32, #tpu.memory_space<vmem>>[vector<16xi32>], vector<16xf32>,
        tpu.vector_store_idx %arg32[%parallel_loop3A_353], %parallel_loop3A_518 : memref<16368xf32, #tpu.memory_space<vmem>>[vector<16xi32>], vector<16xf32>,
        %parallel_loop3A_519 = arith.index_cast %parallel_loop3A_288 : i32 to index
        %parallel_loop3A_520 = arith.constant 224 : index
        %parallel_loop3A_521 = tpu.vector_load %arg24[%parallel_loop3A_519, %parallel_loop3A_520] {strides = array<i32>} : memref<16x256xf32, #tpu.memory_space<vmem>>, vector<16xf32>,
        %parallel_loop3A_522 = arith.index_cast %parallel_loop3A_288 : i32 to index
        %parallel_loop3A_523 = arith.constant 240 : index
        %parallel_loop3A_524 = tpu.vector_load %arg24[%parallel_loop3A_522, %parallel_loop3A_523] {strides = array<i32>} : memref<16x256xf32, #tpu.memory_space<vmem>>, vector<16xf32>,
        %parallel_loop3A_525 = arith.index_cast %parallel_loop3A_288 : i32 to index
        %parallel_loop3A_526 = arith.constant 0 : index
        %parallel_loop3A_527 = tpu.vector_load %arg25[%parallel_loop3A_525, %parallel_loop3A_526] {strides = array<i32>} : memref<16x256xf32, #tpu.memory_space<vmem>>, vector<16xf32>,
        %parallel_loop3A_528 = arith.index_cast %parallel_loop3A_288 : i32 to index
        %parallel_loop3A_529 = arith.constant 16 : index
        %parallel_loop3A_530 = tpu.vector_load %arg25[%parallel_loop3A_528, %parallel_loop3A_529] {strides = array<i32>} : memref<16x256xf32, #tpu.memory_space<vmem>>, vector<16xf32>,
        %parallel_loop3A_531 = arith.index_cast %parallel_loop3A_288 : i32 to index
        %parallel_loop3A_532 = arith.constant 32 : index
        %parallel_loop3A_533 = tpu.vector_load %arg25[%parallel_loop3A_531, %parallel_loop3A_532] {strides = array<i32>} : memref<16x256xf32, #tpu.memory_space<vmem>>, vector<16xf32>,
        %parallel_loop3A_534 = arith.index_cast %parallel_loop3A_288 : i32 to index
        %parallel_loop3A_535 = arith.constant 48 : index
        %parallel_loop3A_536 = tpu.vector_load %arg25[%parallel_loop3A_534, %parallel_loop3A_535] {strides = array<i32>} : memref<16x256xf32, #tpu.memory_space<vmem>>, vector<16xf32>,
        %parallel_loop3A_537 = arith.index_cast %parallel_loop3A_288 : i32 to index
        %parallel_loop3A_538 = arith.constant 64 : index
        %parallel_loop3A_539 = tpu.vector_load %arg25[%parallel_loop3A_537, %parallel_loop3A_538] {strides = array<i32>} : memref<16x256xf32, #tpu.memory_space<vmem>>, vector<16xf32>,
        %parallel_loop3A_540 = arith.index_cast %parallel_loop3A_288 : i32 to index
        %parallel_loop3A_541 = arith.constant 80 : index
        %parallel_loop3A_542 = tpu.vector_load %arg25[%parallel_loop3A_540, %parallel_loop3A_541] {strides = array<i32>} : memref<16x256xf32, #tpu.memory_space<vmem>>, vector<16xf32>,
        tpu.vector_store_idx %arg32[%parallel_loop3A_354], %parallel_loop3A_521 : memref<16368xf32, #tpu.memory_space<vmem>>[vector<16xi32>], vector<16xf32>,
        tpu.vector_store_idx %arg32[%parallel_loop3A_355], %parallel_loop3A_524 : memref<16368xf32, #tpu.memory_space<vmem>>[vector<16xi32>], vector<16xf32>,
        tpu.vector_store_idx %arg32[%parallel_loop3A_359], %parallel_loop3A_527 : memref<16368xf32, #tpu.memory_space<vmem>>[vector<16xi32>], vector<16xf32>,
        tpu.vector_store_idx %arg32[%parallel_loop3A_360], %parallel_loop3A_530 : memref<16368xf32, #tpu.memory_space<vmem>>[vector<16xi32>], vector<16xf32>,
        tpu.vector_store_idx %arg32[%parallel_loop3A_361], %parallel_loop3A_533 : memref<16368xf32, #tpu.memory_space<vmem>>[vector<16xi32>], vector<16xf32>,
        tpu.vector_store_idx %arg32[%parallel_loop3A_362], %parallel_loop3A_536 : memref<16368xf32, #tpu.memory_space<vmem>>[vector<16xi32>], vector<16xf32>,
        tpu.vector_store_idx %arg32[%parallel_loop3A_363], %parallel_loop3A_539 : memref<16368xf32, #tpu.memory_space<vmem>>[vector<16xi32>], vector<16xf32>,
        tpu.vector_store_idx %arg32[%parallel_loop3A_364], %parallel_loop3A_542 : memref<16368xf32, #tpu.memory_space<vmem>>[vector<16xi32>], vector<16xf32>,
        %parallel_loop3A_543 = arith.index_cast %parallel_loop3A_288 : i32 to index
        %parallel_loop3A_544 = arith.constant 96 : index
        %parallel_loop3A_545 = tpu.vector_load %arg25[%parallel_loop3A_543, %parallel_loop3A_544] {strides = array<i32>} : memref<16x256xf32, #tpu.memory_space<vmem>>, vector<16xf32>,
        %parallel_loop3A_546 = arith.index_cast %parallel_loop3A_288 : i32 to index
        %parallel_loop3A_547 = arith.constant 112 : index
        %parallel_loop3A_548 = tpu.vector_load %arg25[%parallel_loop3A_546, %parallel_loop3A_547] {strides = array<i32>} : memref<16x256xf32, #tpu.memory_space<vmem>>, vector<16xf32>,
        %parallel_loop3A_549 = arith.index_cast %parallel_loop3A_288 : i32 to index
        %parallel_loop3A_550 = arith.constant 128 : index
        %parallel_loop3A_551 = tpu.vector_load %arg25[%parallel_loop3A_549, %parallel_loop3A_550] {strides = array<i32>} : memref<16x256xf32, #tpu.memory_space<vmem>>, vector<16xf32>,
        %parallel_loop3A_552 = arith.index_cast %parallel_loop3A_288 : i32 to index
        %parallel_loop3A_553 = arith.constant 144 : index
        %parallel_loop3A_554 = tpu.vector_load %arg25[%parallel_loop3A_552, %parallel_loop3A_553] {strides = array<i32>} : memref<16x256xf32, #tpu.memory_space<vmem>>, vector<16xf32>,
        %parallel_loop3A_555 = arith.index_cast %parallel_loop3A_288 : i32 to index
        %parallel_loop3A_556 = arith.constant 160 : index
        %parallel_loop3A_557 = tpu.vector_load %arg25[%parallel_loop3A_555, %parallel_loop3A_556] {strides = array<i32>} : memref<16x256xf32, #tpu.memory_space<vmem>>, vector<16xf32>,
        %parallel_loop3A_558 = arith.index_cast %parallel_loop3A_288 : i32 to index
        %parallel_loop3A_559 = arith.constant 176 : index
        %parallel_loop3A_560 = tpu.vector_load %arg25[%parallel_loop3A_558, %parallel_loop3A_559] {strides = array<i32>} : memref<16x256xf32, #tpu.memory_space<vmem>>, vector<16xf32>,
        %parallel_loop3A_561 = arith.index_cast %parallel_loop3A_288 : i32 to index
        %parallel_loop3A_562 = arith.constant 192 : index
        %parallel_loop3A_563 = tpu.vector_load %arg25[%parallel_loop3A_561, %parallel_loop3A_562] {strides = array<i32>} : memref<16x256xf32, #tpu.memory_space<vmem>>, vector<16xf32>,
        %parallel_loop3A_564 = arith.index_cast %parallel_loop3A_288 : i32 to index
        %parallel_loop3A_565 = arith.constant 208 : index
        %parallel_loop3A_566 = tpu.vector_load %arg25[%parallel_loop3A_564, %parallel_loop3A_565] {strides = array<i32>} : memref<16x256xf32, #tpu.memory_space<vmem>>, vector<16xf32>,
        tpu.vector_store_idx %arg32[%parallel_loop3A_365], %parallel_loop3A_545 : memref<16368xf32, #tpu.memory_space<vmem>>[vector<16xi32>], vector<16xf32>,
        tpu.vector_store_idx %arg32[%parallel_loop3A_366], %parallel_loop3A_548 : memref<16368xf32, #tpu.memory_space<vmem>>[vector<16xi32>], vector<16xf32>,
        tpu.vector_store_idx %arg32[%parallel_loop3A_367], %parallel_loop3A_551 : memref<16368xf32, #tpu.memory_space<vmem>>[vector<16xi32>], vector<16xf32>,
        tpu.vector_store_idx %arg32[%parallel_loop3A_368], %parallel_loop3A_554 : memref<16368xf32, #tpu.memory_space<vmem>>[vector<16xi32>], vector<16xf32>,
        tpu.vector_store_idx %arg32[%parallel_loop3A_369], %parallel_loop3A_557 : memref<16368xf32, #tpu.memory_space<vmem>>[vector<16xi32>], vector<16xf32>,
        tpu.vector_store_idx %arg32[%parallel_loop3A_370], %parallel_loop3A_560 : memref<16368xf32, #tpu.memory_space<vmem>>[vector<16xi32>], vector<16xf32>,
        tpu.vector_store_idx %arg32[%parallel_loop3A_371], %parallel_loop3A_563 : memref<16368xf32, #tpu.memory_space<vmem>>[vector<16xi32>], vector<16xf32>,
        tpu.vector_store_idx %arg32[%parallel_loop3A_372], %parallel_loop3A_566 : memref<16368xf32, #tpu.memory_space<vmem>>[vector<16xi32>], vector<16xf32>,
        %parallel_loop3A_567 = arith.index_cast %parallel_loop3A_288 : i32 to index
        %parallel_loop3A_568 = arith.constant 224 : index
        %parallel_loop3A_569 = tpu.vector_load %arg25[%parallel_loop3A_567, %parallel_loop3A_568] {strides = array<i32>} : memref<16x256xf32, #tpu.memory_space<vmem>>, vector<16xf32>,
        %parallel_loop3A_570 = arith.index_cast %parallel_loop3A_288 : i32 to index
        %parallel_loop3A_571 = arith.constant 240 : index
        %parallel_loop3A_572 = tpu.vector_load %arg25[%parallel_loop3A_570, %parallel_loop3A_571] {strides = array<i32>} : memref<16x256xf32, #tpu.memory_space<vmem>>, vector<16xf32>,
        tpu.vector_store_idx %arg32[%parallel_loop3A_373], %parallel_loop3A_569 : memref<16368xf32, #tpu.memory_space<vmem>>[vector<16xi32>], vector<16xf32>,
        tpu.vector_store_idx %arg32[%parallel_loop3A_374], %parallel_loop3A_572 : memref<16368xf32, #tpu.memory_space<vmem>>[vector<16xi32>], vector<16xf32>,
      } {sc.loop_unroll_factor = 1 : i64, sc.parallel_access}
      %mul3A_205 = arith.constant 16 : i32
      %mul3A_206 = arith.muli %add3A_142, %mul3A_205 : i32
      %add3A_207 = arith.addi %mul3A_2, %mul3A_206 : i32
      %mul3A_208 = arith.constant 1023 : i32
      %mul3A_209 = arith.muli %add3A_207, %mul3A_208 : i32
      %dma_start3A_210 = tpu.memref_slice %arg11[%mul3A_209] : memref<134086656xf32, #tpu.memory_space<hbm>> -> memref<16368xf32, #tpu.memory_space<hbm>>
      %dma_start3A_211 = tpu.memref_slice %arg11[%mul3A_209] : memref<134086656xf32, #tpu.memory_space<hbm>> -> memref<16368xf32, #tpu.memory_space<hbm>>
      tpu.enqueue_dma source(%arg32 : memref<16368xf32, #tpu.memory_space<vmem>>) target(%dma_start3A_211 : memref<16368xf32, #tpu.memory_space<hbm>>) target_semaphore(%arg36 : memref<!tpu.dma_semaphore, #tpu.memory_space<semaphore_mem>>)
      %add3A_212 = arith.constant 2 : i32
      %add3A_213 = arith.addi %add3A_142, %add3A_212 : i32
      %min3A = arith.constant 255 : i32
      %min3A_214 = arith.minsi %add3A_213, %min3A : i32
      %mul3A_215 = arith.constant 16 : i32
      %mul3A_216 = arith.muli %min3A_214, %mul3A_215 : i32
      %dma_start3A_217 = tpu.memref_slice %arg14[%mul3A_216] : memref<4096xi32, #tpu.memory_space<vmem>> -> memref<16xi32, #tpu.memory_space<vmem>>
      %dma_start3A_218 = arith.constant 0 : i32
      %dma_start3A_219 = arith.constant 0 : i32
      %dma_start3A_220 = tpu.memref_slice %arg5[%dma_start3A_218, %dma_start3A_219] : memref<1000x96xf32, #tpu.memory_space<hbm>> -> memref<1000x96xf32, #tpu.memory_space<hbm>>
      tpu.enqueue_indirect_dma source(%dma_start3A_220 : memref<1000x96xf32, #tpu.memory_space<hbm>>) target(%arg20 : memref<16x96xf32, #tpu.memory_space<vmem>>) offsets(%dma_start3A_217 : memref<16xi32, #tpu.memory_space<vmem>>) semaphore(%arg34 : memref<!tpu.dma_semaphore, #tpu.memory_space<semaphore_mem>>)
      %dma_start3A_221 = tpu.memref_slice %arg15[%mul3A_216] : memref<4096xi32, #tpu.memory_space<vmem>> -> memref<16xi32, #tpu.memory_space<vmem>>
      %dma_start3A_222 = arith.constant 0 : i32
      %dma_start3A_223 = arith.constant 0 : i32
      %dma_start3A_224 = tpu.memref_slice %arg6[%dma_start3A_222, %dma_start3A_223] : memref<1000x96xf32, #tpu.memory_space<hbm>> -> memref<1000x96xf32, #tpu.memory_space<hbm>>
      tpu.enqueue_indirect_dma source(%dma_start3A_224 : memref<1000x96xf32, #tpu.memory_space<hbm>>) target(%arg21 : memref<16x96xf32, #tpu.memory_space<vmem>>) offsets(%dma_start3A_221 : memref<16xi32, #tpu.memory_space<vmem>>) semaphore(%arg34 : memref<!tpu.dma_semaphore, #tpu.memory_space<semaphore_mem>>)
      %dma_start3A_225 = tpu.memref_slice %arg16[%mul3A_216] : memref<4096xi32, #tpu.memory_space<vmem>> -> memref<16xi32, #tpu.memory_space<vmem>>
      %dma_start3A_226 = arith.constant 0 : i32
      %dma_start3A_227 = arith.constant 0 : i32
      %dma_start3A_228 = tpu.memref_slice %arg7[%dma_start3A_226, %dma_start3A_227] : memref<1000x96xf32, #tpu.memory_space<hbm>> -> memref<1000x96xf32, #tpu.memory_space<hbm>>
      tpu.enqueue_indirect_dma source(%dma_start3A_228 : memref<1000x96xf32, #tpu.memory_space<hbm>>) target(%arg22 : memref<16x96xf32, #tpu.memory_space<vmem>>) offsets(%dma_start3A_225 : memref<16xi32, #tpu.memory_space<vmem>>) semaphore(%arg34 : memref<!tpu.dma_semaphore, #tpu.memory_space<semaphore_mem>>)
      %dma_start3A_229 = tpu.memref_slice %arg17[%mul3A_216] : memref<4096xi32, #tpu.memory_space<vmem>> -> memref<16xi32, #tpu.memory_space<vmem>>
      %dma_start3A_230 = arith.constant 0 : i32
      %dma_start3A_231 = arith.constant 0 : i32
      %dma_start3A_232 = tpu.memref_slice %arg8[%dma_start3A_230, %dma_start3A_231] : memref<360x256xf32, #tpu.memory_space<hbm>> -> memref<360x256xf32, #tpu.memory_space<hbm>>
      tpu.enqueue_indirect_dma source(%dma_start3A_232 : memref<360x256xf32, #tpu.memory_space<hbm>>) target(%arg23 : memref<16x256xf32, #tpu.memory_space<vmem>>) offsets(%dma_start3A_229 : memref<16xi32, #tpu.memory_space<vmem>>) semaphore(%arg34 : memref<!tpu.dma_semaphore, #tpu.memory_space<semaphore_mem>>)
      %dma_start3A_233 = tpu.memref_slice %arg18[%mul3A_216] : memref<4096xi32, #tpu.memory_space<vmem>> -> memref<16xi32, #tpu.memory_space<vmem>>
      %dma_start3A_234 = arith.constant 0 : i32
      %dma_start3A_235 = arith.constant 0 : i32
      %dma_start3A_236 = tpu.memref_slice %arg9[%dma_start3A_234, %dma_start3A_235] : memref<180x256xf32, #tpu.memory_space<hbm>> -> memref<180x256xf32, #tpu.memory_space<hbm>>
      tpu.enqueue_indirect_dma source(%dma_start3A_236 : memref<180x256xf32, #tpu.memory_space<hbm>>) target(%arg24 : memref<16x256xf32, #tpu.memory_space<vmem>>) offsets(%dma_start3A_233 : memref<16xi32, #tpu.memory_space<vmem>>) semaphore(%arg34 : memref<!tpu.dma_semaphore, #tpu.memory_space<semaphore_mem>>)
      %dma_start3A_237 = tpu.memref_slice %arg19[%mul3A_216] : memref<4096xi32, #tpu.memory_space<vmem>> -> memref<16xi32, #tpu.memory_space<vmem>>
      %dma_start3A_238 = arith.constant 0 : i32
      %dma_start3A_239 = arith.constant 0 : i32
      %dma_start3A_240 = tpu.memref_slice %arg10[%dma_start3A_238, %dma_start3A_239] : memref<1000x256xf32, #tpu.memory_space<hbm>> -> memref<1000x256xf32, #tpu.memory_space<hbm>>
      tpu.enqueue_indirect_dma source(%dma_start3A_240 : memref<1000x256xf32, #tpu.memory_space<hbm>>) target(%arg25 : memref<16x256xf32, #tpu.memory_space<vmem>>) offsets(%dma_start3A_237 : memref<16xi32, #tpu.memory_space<vmem>>) semaphore(%arg34 : memref<!tpu.dma_semaphore, #tpu.memory_space<semaphore_mem>>)
      %dma_wait3A_241 = arith.constant 0 : i32
      %dma_wait3A_242 = tpu.memref_slice %arg14[%dma_wait3A_241] : memref<4096xi32, #tpu.memory_space<vmem>> -> memref<16xi32, #tpu.memory_space<vmem>>
      %dma_wait3A_243 = arith.constant 0 : i32
      %dma_wait3A_244 = arith.constant 0 : i32
      %dma_wait3A_245 = tpu.memref_slice %arg5[%dma_wait3A_243, %dma_wait3A_244] : memref<1000x96xf32, #tpu.memory_space<hbm>> -> memref<1000x96xf32, #tpu.memory_space<hbm>>
      tpu.wait_indirect_dma semaphore(%arg35 : memref<!tpu.dma_semaphore, #tpu.memory_space<semaphore_mem>>) src(%dma_wait3A_245 : memref<1000x96xf32, #tpu.memory_space<hbm>>) dst(%arg26 : memref<16x96xf32, #tpu.memory_space<vmem>>)
      %dma_wait3A_246 = arith.constant 0 : i32
      %dma_wait3A_247 = tpu.memref_slice %arg15[%dma_wait3A_246] : memref<4096xi32, #tpu.memory_space<vmem>> -> memref<16xi32, #tpu.memory_space<vmem>>
      %dma_wait3A_248 = arith.constant 0 : i32
      %dma_wait3A_249 = arith.constant 0 : i32
      %dma_wait3A_250 = tpu.memref_slice %arg6[%dma_wait3A_248, %dma_wait3A_249] : memref<1000x96xf32, #tpu.memory_space<hbm>> -> memref<1000x96xf32, #tpu.memory_space<hbm>>
      tpu.wait_indirect_dma semaphore(%arg35 : memref<!tpu.dma_semaphore, #tpu.memory_space<semaphore_mem>>) src(%dma_wait3A_250 : memref<1000x96xf32, #tpu.memory_space<hbm>>) dst(%arg27 : memref<16x96xf32, #tpu.memory_space<vmem>>)
      %dma_wait3A_251 = arith.constant 0 : i32
      %dma_wait3A_252 = tpu.memref_slice %arg16[%dma_wait3A_251] : memref<4096xi32, #tpu.memory_space<vmem>> -> memref<16xi32, #tpu.memory_space<vmem>>
      %dma_wait3A_253 = arith.constant 0 : i32
      %dma_wait3A_254 = arith.constant 0 : i32
      %dma_wait3A_255 = tpu.memref_slice %arg7[%dma_wait3A_253, %dma_wait3A_254] : memref<1000x96xf32, #tpu.memory_space<hbm>> -> memref<1000x96xf32, #tpu.memory_space<hbm>>
      tpu.wait_indirect_dma semaphore(%arg35 : memref<!tpu.dma_semaphore, #tpu.memory_space<semaphore_mem>>) src(%dma_wait3A_255 : memref<1000x96xf32, #tpu.memory_space<hbm>>) dst(%arg28 : memref<16x96xf32, #tpu.memory_space<vmem>>)
      %dma_wait3A_256 = arith.constant 0 : i32
      %dma_wait3A_257 = tpu.memref_slice %arg17[%dma_wait3A_256] : memref<4096xi32, #tpu.memory_space<vmem>> -> memref<16xi32, #tpu.memory_space<vmem>>
      %dma_wait3A_258 = arith.constant 0 : i32
      %dma_wait3A_259 = arith.constant 0 : i32
      %dma_wait3A_260 = tpu.memref_slice %arg8[%dma_wait3A_258, %dma_wait3A_259] : memref<360x256xf32, #tpu.memory_space<hbm>> -> memref<360x256xf32, #tpu.memory_space<hbm>>
      tpu.wait_indirect_dma semaphore(%arg35 : memref<!tpu.dma_semaphore, #tpu.memory_space<semaphore_mem>>) src(%dma_wait3A_260 : memref<360x256xf32, #tpu.memory_space<hbm>>) dst(%arg29 : memref<16x256xf32, #tpu.memory_space<vmem>>)
      %dma_wait3A_261 = arith.constant 0 : i32
      %dma_wait3A_262 = tpu.memref_slice %arg18[%dma_wait3A_261] : memref<4096xi32, #tpu.memory_space<vmem>> -> memref<16xi32, #tpu.memory_space<vmem>>
      %dma_wait3A_263 = arith.constant 0 : i32
      %dma_wait3A_264 = arith.constant 0 : i32
      %dma_wait3A_265 = tpu.memref_slice %arg9[%dma_wait3A_263, %dma_wait3A_264] : memref<180x256xf32, #tpu.memory_space<hbm>> -> memref<180x256xf32, #tpu.memory_space<hbm>>
      tpu.wait_indirect_dma semaphore(%arg35 : memref<!tpu.dma_semaphore, #tpu.memory_space<semaphore_mem>>) src(%dma_wait3A_265 : memref<180x256xf32, #tpu.memory_space<hbm>>) dst(%arg30 : memref<16x256xf32, #tpu.memory_space<vmem>>)
      %dma_wait3A_266 = arith.constant 0 : i32
      %dma_wait3A_267 = tpu.memref_slice %arg19[%dma_wait3A_266] : memref<4096xi32, #tpu.memory_space<vmem>> -> memref<16xi32, #tpu.memory_space<vmem>>
      %dma_wait3A_268 = arith.constant 0 : i32
      %dma_wait3A_269 = arith.constant 0 : i32
      %dma_wait3A_270 = tpu.memref_slice %arg10[%dma_wait3A_268, %dma_wait3A_269] : memref<1000x256xf32, #tpu.memory_space<hbm>> -> memref<1000x256xf32, #tpu.memory_space<hbm>>
      tpu.wait_indirect_dma semaphore(%arg35 : memref<!tpu.dma_semaphore, #tpu.memory_space<semaphore_mem>>) src(%dma_wait3A_270 : memref<1000x256xf32, #tpu.memory_space<hbm>>) dst(%arg31 : memref<16x256xf32, #tpu.memory_space<vmem>>)
      %gt3A_271 = arith.constant 0 : i32
      %gt3A_272 = arith.cmpi sgt, %add3A_142, %gt3A_271 : i32
      %convert_element_type3A_273 = arith.extui %gt3A_272 : i1 to i32
      %cond3A_274 = arith.constant 0 : i32
      %cond3A_275 = arith.cmpi ne, %convert_element_type3A_273, %cond3A_274 : i32
      scf.if %cond3A_275 {
        %dma_wait3A_288 = arith.constant 0 : i32
        %dma_wait3A_289 = tpu.memref_slice %arg11[%dma_wait3A_288] : memref<134086656xf32, #tpu.memory_space<hbm>> -> memref<16368xf32, #tpu.memory_space<hbm>>
        %dma_wait3A_290 = arith.constant 0 : i32
        %dma_wait3A_291 = tpu.memref_slice %arg11[%dma_wait3A_290] : memref<134086656xf32, #tpu.memory_space<hbm>> -> memref<16368xf32, #tpu.memory_space<hbm>>
        tpu.wait_dma2 semaphore(%arg37 : memref<!tpu.dma_semaphore, #tpu.memory_space<semaphore_mem>>) src(%arg33 : memref<16368xf32, #tpu.memory_space<vmem>>) dst(%dma_wait3A_291 : memref<16368xf32, #tpu.memory_space<hbm>>)
      } else {
      }
      %parallel_loop3A_276 = arith.constant 0 : i32
      %parallel_loop3A_277 = arith.constant 16 : i32
      %parallel_loop3A_278 = arith.constant 1 : i32
      scf.for %parallel_loop3A_288 = %parallel_loop3A_276 to %parallel_loop3A_277 step %parallel_loop3A_278  : i32 {
        %parallel_loop3A_289 = arith.constant 1023 : i32
        %parallel_loop3A_290 = arith.muli %parallel_loop3A_288, %parallel_loop3A_289 : i32
        %parallel_loop3A_291 = arith.constant 0 : i32
        %parallel_loop3A_292 = arith.addi %parallel_loop3A_290, %parallel_loop3A_291 : i32
        %parallel_loop3A_293 = vector.broadcast %parallel_loop3A_292 : i32 to vector<16xi32>
        %parallel_loop3A_294 = arith.addi %parallel_loop3A_293, %add3A_15 : vector<16xi32>
        %parallel_loop3A_295 = arith.addi %parallel_loop3A_293, %add3A_18 : vector<16xi32>
        %parallel_loop3A_296 = arith.addi %parallel_loop3A_293, %add3A_21 : vector<16xi32>
        %parallel_loop3A_297 = arith.addi %parallel_loop3A_293, %add3A_24 : vector<16xi32>
        %parallel_loop3A_298 = arith.addi %parallel_loop3A_293, %add3A_27 : vector<16xi32>
        %parallel_loop3A_299 = arith.addi %parallel_loop3A_293, %add3A_30 : vector<16xi32>
        %parallel_loop3A_300 = arith.constant 85 : i32
        %parallel_loop3A_301 = arith.addi %parallel_loop3A_290, %parallel_loop3A_300 : i32
        %parallel_loop3A_302 = vector.broadcast %parallel_loop3A_301 : i32 to vector<16xi32>
        %parallel_loop3A_303 = arith.addi %parallel_loop3A_302, %add3A_15 : vector<16xi32>
        %parallel_loop3A_304 = arith.addi %parallel_loop3A_302, %add3A_18 : vector<16xi32>
        %parallel_loop3A_305 = arith.addi %parallel_loop3A_302, %add3A_21 : vector<16xi32>
        %parallel_loop3A_306 = arith.addi %parallel_loop3A_302, %add3A_24 : vector<16xi32>
        %parallel_loop3A_307 = arith.addi %parallel_loop3A_302, %add3A_27 : vector<16xi32>
        %parallel_loop3A_308 = arith.addi %parallel_loop3A_302, %add3A_30 : vector<16xi32>
        %parallel_loop3A_309 = arith.constant 170 : i32
        %parallel_loop3A_310 = arith.addi %parallel_loop3A_290, %parallel_loop3A_309 : i32
        %parallel_loop3A_311 = vector.broadcast %parallel_loop3A_310 : i32 to vector<16xi32>
        %parallel_loop3A_312 = arith.addi %parallel_loop3A_311, %add3A_15 : vector<16xi32>
        %parallel_loop3A_313 = arith.addi %parallel_loop3A_311, %add3A_18 : vector<16xi32>
        %parallel_loop3A_314 = arith.addi %parallel_loop3A_311, %add3A_21 : vector<16xi32>
        %parallel_loop3A_315 = arith.addi %parallel_loop3A_311, %add3A_24 : vector<16xi32>
        %parallel_loop3A_316 = arith.addi %parallel_loop3A_311, %add3A_27 : vector<16xi32>
        %parallel_loop3A_317 = arith.addi %parallel_loop3A_311, %add3A_30 : vector<16xi32>
        %parallel_loop3A_318 = arith.constant 255 : i32
        %parallel_loop3A_319 = arith.addi %parallel_loop3A_290, %parallel_loop3A_318 : i32
        %parallel_loop3A_320 = vector.broadcast %parallel_loop3A_319 : i32 to vector<16xi32>
        %parallel_loop3A_321 = arith.addi %parallel_loop3A_320, %add3A_15 : vector<16xi32>
        %parallel_loop3A_322 = arith.addi %parallel_loop3A_320, %add3A_18 : vector<16xi32>
        %parallel_loop3A_323 = arith.addi %parallel_loop3A_320, %add3A_21 : vector<16xi32>
        %parallel_loop3A_324 = arith.addi %parallel_loop3A_320, %add3A_24 : vector<16xi32>
        %parallel_loop3A_325 = arith.addi %parallel_loop3A_320, %add3A_27 : vector<16xi32>
        %parallel_loop3A_326 = arith.addi %parallel_loop3A_320, %add3A_30 : vector<16xi32>
        %parallel_loop3A_327 = arith.addi %parallel_loop3A_320, %add3A_33 : vector<16xi32>
        %parallel_loop3A_328 = arith.addi %parallel_loop3A_320, %add3A_36 : vector<16xi32>
        %parallel_loop3A_329 = arith.addi %parallel_loop3A_320, %add3A_39 : vector<16xi32>
        %parallel_loop3A_330 = arith.addi %parallel_loop3A_320, %add3A_42 : vector<16xi32>
        %parallel_loop3A_331 = arith.addi %parallel_loop3A_320, %add3A_45 : vector<16xi32>
        %parallel_loop3A_332 = arith.addi %parallel_loop3A_320, %add3A_48 : vector<16xi32>
        %parallel_loop3A_333 = arith.addi %parallel_loop3A_320, %add3A_51 : vector<16xi32>
        %parallel_loop3A_334 = arith.addi %parallel_loop3A_320, %add3A_54 : vector<16xi32>
        %parallel_loop3A_335 = arith.addi %parallel_loop3A_320, %add3A_57 : vector<16xi32>
        %parallel_loop3A_336 = arith.addi %parallel_loop3A_320, %add3A_60 : vector<16xi32>
        %parallel_loop3A_337 = arith.constant 511 : i32
        %parallel_loop3A_338 = arith.addi %parallel_loop3A_290, %parallel_loop3A_337 : i32
        %parallel_loop3A_339 = vector.broadcast %parallel_loop3A_338 : i32 to vector<16xi32>
        %parallel_loop3A_340 = arith.addi %parallel_loop3A_339, %add3A_15 : vector<16xi32>
        %parallel_loop3A_341 = arith.addi %parallel_loop3A_339, %add3A_18 : vector<16xi32>
        %parallel_loop3A_342 = arith.addi %parallel_loop3A_339, %add3A_21 : vector<16xi32>
        %parallel_loop3A_343 = arith.addi %parallel_loop3A_339, %add3A_24 : vector<16xi32>
        %parallel_loop3A_344 = arith.addi %parallel_loop3A_339, %add3A_27 : vector<16xi32>
        %parallel_loop3A_345 = arith.addi %parallel_loop3A_339, %add3A_30 : vector<16xi32>
        %parallel_loop3A_346 = arith.addi %parallel_loop3A_339, %add3A_33 : vector<16xi32>
        %parallel_loop3A_347 = arith.addi %parallel_loop3A_339, %add3A_36 : vector<16xi32>
        %parallel_loop3A_348 = arith.addi %parallel_loop3A_339, %add3A_39 : vector<16xi32>
        %parallel_loop3A_349 = arith.addi %parallel_loop3A_339, %add3A_42 : vector<16xi32>
        %parallel_loop3A_350 = arith.addi %parallel_loop3A_339, %add3A_45 : vector<16xi32>
        %parallel_loop3A_351 = arith.addi %parallel_loop3A_339, %add3A_48 : vector<16xi32>
        %parallel_loop3A_352 = arith.addi %parallel_loop3A_339, %add3A_51 : vector<16xi32>
        %parallel_loop3A_353 = arith.addi %parallel_loop3A_339, %add3A_54 : vector<16xi32>
        %parallel_loop3A_354 = arith.addi %parallel_loop3A_339, %add3A_57 : vector<16xi32>
        %parallel_loop3A_355 = arith.addi %parallel_loop3A_339, %add3A_60 : vector<16xi32>
        %parallel_loop3A_356 = arith.constant 767 : i32
        %parallel_loop3A_357 = arith.addi %parallel_loop3A_290, %parallel_loop3A_356 : i32
        %parallel_loop3A_358 = vector.broadcast %parallel_loop3A_357 : i32 to vector<16xi32>
        %parallel_loop3A_359 = arith.addi %parallel_loop3A_358, %add3A_15 : vector<16xi32>
        %parallel_loop3A_360 = arith.addi %parallel_loop3A_358, %add3A_18 : vector<16xi32>
        %parallel_loop3A_361 = arith.addi %parallel_loop3A_358, %add3A_21 : vector<16xi32>
        %parallel_loop3A_362 = arith.addi %parallel_loop3A_358, %add3A_24 : vector<16xi32>
        %parallel_loop3A_363 = arith.addi %parallel_loop3A_358, %add3A_27 : vector<16xi32>
        %parallel_loop3A_364 = arith.addi %parallel_loop3A_358, %add3A_30 : vector<16xi32>
        %parallel_loop3A_365 = arith.addi %parallel_loop3A_358, %add3A_33 : vector<16xi32>
        %parallel_loop3A_366 = arith.addi %parallel_loop3A_358, %add3A_36 : vector<16xi32>
        %parallel_loop3A_367 = arith.addi %parallel_loop3A_358, %add3A_39 : vector<16xi32>
        %parallel_loop3A_368 = arith.addi %parallel_loop3A_358, %add3A_42 : vector<16xi32>
        %parallel_loop3A_369 = arith.addi %parallel_loop3A_358, %add3A_45 : vector<16xi32>
        %parallel_loop3A_370 = arith.addi %parallel_loop3A_358, %add3A_48 : vector<16xi32>
        %parallel_loop3A_371 = arith.addi %parallel_loop3A_358, %add3A_51 : vector<16xi32>
        %parallel_loop3A_372 = arith.addi %parallel_loop3A_358, %add3A_54 : vector<16xi32>
        %parallel_loop3A_373 = arith.addi %parallel_loop3A_358, %add3A_57 : vector<16xi32>
        %parallel_loop3A_374 = arith.addi %parallel_loop3A_358, %add3A_60 : vector<16xi32>
        %parallel_loop3A_375 = arith.index_cast %parallel_loop3A_288 : i32 to index
        %parallel_loop3A_376 = arith.constant 0 : index
        %parallel_loop3A_377 = tpu.vector_load %arg26[%parallel_loop3A_375, %parallel_loop3A_376] {strides = array<i32>} : memref<16x96xf32, #tpu.memory_space<vmem>>, vector<16xf32>,
        %parallel_loop3A_378 = arith.index_cast %parallel_loop3A_288 : i32 to index
        %parallel_loop3A_379 = arith.constant 16 : index
        %parallel_loop3A_380 = tpu.vector_load %arg26[%parallel_loop3A_378, %parallel_loop3A_379] {strides = array<i32>} : memref<16x96xf32, #tpu.memory_space<vmem>>, vector<16xf32>,
        %parallel_loop3A_381 = arith.index_cast %parallel_loop3A_288 : i32 to index
        %parallel_loop3A_382 = arith.constant 32 : index
        %parallel_loop3A_383 = tpu.vector_load %arg26[%parallel_loop3A_381, %parallel_loop3A_382] {strides = array<i32>} : memref<16x96xf32, #tpu.memory_space<vmem>>, vector<16xf32>,
        %parallel_loop3A_384 = arith.index_cast %parallel_loop3A_288 : i32 to index
        %parallel_loop3A_385 = arith.constant 48 : index
        %parallel_loop3A_386 = tpu.vector_load %arg26[%parallel_loop3A_384, %parallel_loop3A_385] {strides = array<i32>} : memref<16x96xf32, #tpu.memory_space<vmem>>, vector<16xf32>,
        %parallel_loop3A_387 = arith.index_cast %parallel_loop3A_288 : i32 to index
        %parallel_loop3A_388 = arith.constant 64 : index
        %parallel_loop3A_389 = tpu.vector_load %arg26[%parallel_loop3A_387, %parallel_loop3A_388] {strides = array<i32>} : memref<16x96xf32, #tpu.memory_space<vmem>>, vector<16xf32>,
        %parallel_loop3A_390 = arith.index_cast %parallel_loop3A_288 : i32 to index
        %parallel_loop3A_391 = arith.constant 80 : index
        %parallel_loop3A_392 = tpu.vector_load %arg26[%parallel_loop3A_390, %parallel_loop3A_391] {strides = array<i32>} : memref<16x96xf32, #tpu.memory_space<vmem>>, vector<16xf32>,
        %parallel_loop3A_393 = arith.index_cast %parallel_loop3A_288 : i32 to index
        %parallel_loop3A_394 = arith.constant 0 : index
        %parallel_loop3A_395 = tpu.vector_load %arg27[%parallel_loop3A_393, %parallel_loop3A_394] {strides = array<i32>} : memref<16x96xf32, #tpu.memory_space<vmem>>, vector<16xf32>,
        %parallel_loop3A_396 = arith.index_cast %parallel_loop3A_288 : i32 to index
        %parallel_loop3A_397 = arith.constant 16 : index
        %parallel_loop3A_398 = tpu.vector_load %arg27[%parallel_loop3A_396, %parallel_loop3A_397] {strides = array<i32>} : memref<16x96xf32, #tpu.memory_space<vmem>>, vector<16xf32>,
        tpu.vector_store_idx %arg33[%parallel_loop3A_294], %parallel_loop3A_377 : memref<16368xf32, #tpu.memory_space<vmem>>[vector<16xi32>], vector<16xf32>,
        tpu.vector_store_idx %arg33[%parallel_loop3A_295], %parallel_loop3A_380 : memref<16368xf32, #tpu.memory_space<vmem>>[vector<16xi32>], vector<16xf32>,
        tpu.vector_store_idx %arg33[%parallel_loop3A_296], %parallel_loop3A_383 : memref<16368xf32, #tpu.memory_space<vmem>>[vector<16xi32>], vector<16xf32>,
        tpu.vector_store_idx %arg33[%parallel_loop3A_297], %parallel_loop3A_386 : memref<16368xf32, #tpu.memory_space<vmem>>[vector<16xi32>], vector<16xf32>,
        tpu.vector_store_idx %arg33[%parallel_loop3A_298], %parallel_loop3A_389 : memref<16368xf32, #tpu.memory_space<vmem>>[vector<16xi32>], vector<16xf32>,
        tpu.vector_store_idx %arg33[%parallel_loop3A_299], %parallel_loop3A_392 : memref<16368xf32, #tpu.memory_space<vmem>>[vector<16xi32>], vector<16xf32>,
        tpu.vector_store_idx %arg33[%parallel_loop3A_303], %parallel_loop3A_395 : memref<16368xf32, #tpu.memory_space<vmem>>[vector<16xi32>], vector<16xf32>,
        tpu.vector_store_idx %arg33[%parallel_loop3A_304], %parallel_loop3A_398 : memref<16368xf32, #tpu.memory_space<vmem>>[vector<16xi32>], vector<16xf32>,
        %parallel_loop3A_399 = arith.index_cast %parallel_loop3A_288 : i32 to index
        %parallel_loop3A_400 = arith.constant 32 : index
        %parallel_loop3A_401 = tpu.vector_load %arg27[%parallel_loop3A_399, %parallel_loop3A_400] {strides = array<i32>} : memref<16x96xf32, #tpu.memory_space<vmem>>, vector<16xf32>,
        %parallel_loop3A_402 = arith.index_cast %parallel_loop3A_288 : i32 to index
        %parallel_loop3A_403 = arith.constant 48 : index
        %parallel_loop3A_404 = tpu.vector_load %arg27[%parallel_loop3A_402, %parallel_loop3A_403] {strides = array<i32>} : memref<16x96xf32, #tpu.memory_space<vmem>>, vector<16xf32>,
        %parallel_loop3A_405 = arith.index_cast %parallel_loop3A_288 : i32 to index
        %parallel_loop3A_406 = arith.constant 64 : index
        %parallel_loop3A_407 = tpu.vector_load %arg27[%parallel_loop3A_405, %parallel_loop3A_406] {strides = array<i32>} : memref<16x96xf32, #tpu.memory_space<vmem>>, vector<16xf32>,
        %parallel_loop3A_408 = arith.index_cast %parallel_loop3A_288 : i32 to index
        %parallel_loop3A_409 = arith.constant 80 : index
        %parallel_loop3A_410 = tpu.vector_load %arg27[%parallel_loop3A_408, %parallel_loop3A_409] {strides = array<i32>} : memref<16x96xf32, #tpu.memory_space<vmem>>, vector<16xf32>,
        %parallel_loop3A_411 = arith.index_cast %parallel_loop3A_288 : i32 to index
        %parallel_loop3A_412 = arith.constant 0 : index
        %parallel_loop3A_413 = tpu.vector_load %arg28[%parallel_loop3A_411, %parallel_loop3A_412] {strides = array<i32>} : memref<16x96xf32, #tpu.memory_space<vmem>>, vector<16xf32>,
        %parallel_loop3A_414 = arith.index_cast %parallel_loop3A_288 : i32 to index
        %parallel_loop3A_415 = arith.constant 16 : index
        %parallel_loop3A_416 = tpu.vector_load %arg28[%parallel_loop3A_414, %parallel_loop3A_415] {strides = array<i32>} : memref<16x96xf32, #tpu.memory_space<vmem>>, vector<16xf32>,
        %parallel_loop3A_417 = arith.index_cast %parallel_loop3A_288 : i32 to index
        %parallel_loop3A_418 = arith.constant 32 : index
        %parallel_loop3A_419 = tpu.vector_load %arg28[%parallel_loop3A_417, %parallel_loop3A_418] {strides = array<i32>} : memref<16x96xf32, #tpu.memory_space<vmem>>, vector<16xf32>,
        %parallel_loop3A_420 = arith.index_cast %parallel_loop3A_288 : i32 to index
        %parallel_loop3A_421 = arith.constant 48 : index
        %parallel_loop3A_422 = tpu.vector_load %arg28[%parallel_loop3A_420, %parallel_loop3A_421] {strides = array<i32>} : memref<16x96xf32, #tpu.memory_space<vmem>>, vector<16xf32>,
        tpu.vector_store_idx %arg33[%parallel_loop3A_305], %parallel_loop3A_401 : memref<16368xf32, #tpu.memory_space<vmem>>[vector<16xi32>], vector<16xf32>,
        tpu.vector_store_idx %arg33[%parallel_loop3A_306], %parallel_loop3A_404 : memref<16368xf32, #tpu.memory_space<vmem>>[vector<16xi32>], vector<16xf32>,
        tpu.vector_store_idx %arg33[%parallel_loop3A_307], %parallel_loop3A_407 : memref<16368xf32, #tpu.memory_space<vmem>>[vector<16xi32>], vector<16xf32>,
        tpu.vector_store_idx %arg33[%parallel_loop3A_308], %parallel_loop3A_410 : memref<16368xf32, #tpu.memory_space<vmem>>[vector<16xi32>], vector<16xf32>,
        tpu.vector_store_idx %arg33[%parallel_loop3A_312], %parallel_loop3A_413 : memref<16368xf32, #tpu.memory_space<vmem>>[vector<16xi32>], vector<16xf32>,
        tpu.vector_store_idx %arg33[%parallel_loop3A_313], %parallel_loop3A_416 : memref<16368xf32, #tpu.memory_space<vmem>>[vector<16xi32>], vector<16xf32>,
        tpu.vector_store_idx %arg33[%parallel_loop3A_314], %parallel_loop3A_419 : memref<16368xf32, #tpu.memory_space<vmem>>[vector<16xi32>], vector<16xf32>,
        tpu.vector_store_idx %arg33[%parallel_loop3A_315], %parallel_loop3A_422 : memref<16368xf32, #tpu.memory_space<vmem>>[vector<16xi32>], vector<16xf32>,
        %parallel_loop3A_423 = arith.index_cast %parallel_loop3A_288 : i32 to index
        %parallel_loop3A_424 = arith.constant 64 : index
        %parallel_loop3A_425 = tpu.vector_load %arg28[%parallel_loop3A_423, %parallel_loop3A_424] {strides = array<i32>} : memref<16x96xf32, #tpu.memory_space<vmem>>, vector<16xf32>,
        %parallel_loop3A_426 = arith.index_cast %parallel_loop3A_288 : i32 to index
        %parallel_loop3A_427 = arith.constant 80 : index
        %parallel_loop3A_428 = tpu.vector_load %arg28[%parallel_loop3A_426, %parallel_loop3A_427] {strides = array<i32>} : memref<16x96xf32, #tpu.memory_space<vmem>>, vector<16xf32>,
        %parallel_loop3A_429 = arith.index_cast %parallel_loop3A_288 : i32 to index
        %parallel_loop3A_430 = arith.constant 0 : index
        %parallel_loop3A_431 = tpu.vector_load %arg29[%parallel_loop3A_429, %parallel_loop3A_430] {strides = array<i32>} : memref<16x256xf32, #tpu.memory_space<vmem>>, vector<16xf32>,
        %parallel_loop3A_432 = arith.index_cast %parallel_loop3A_288 : i32 to index
        %parallel_loop3A_433 = arith.constant 16 : index
        %parallel_loop3A_434 = tpu.vector_load %arg29[%parallel_loop3A_432, %parallel_loop3A_433] {strides = array<i32>} : memref<16x256xf32, #tpu.memory_space<vmem>>, vector<16xf32>,
        %parallel_loop3A_435 = arith.index_cast %parallel_loop3A_288 : i32 to index
        %parallel_loop3A_436 = arith.constant 32 : index
        %parallel_loop3A_437 = tpu.vector_load %arg29[%parallel_loop3A_435, %parallel_loop3A_436] {strides = array<i32>} : memref<16x256xf32, #tpu.memory_space<vmem>>, vector<16xf32>,
        %parallel_loop3A_438 = arith.index_cast %parallel_loop3A_288 : i32 to index
        %parallel_loop3A_439 = arith.constant 48 : index
        %parallel_loop3A_440 = tpu.vector_load %arg29[%parallel_loop3A_438, %parallel_loop3A_439] {strides = array<i32>} : memref<16x256xf32, #tpu.memory_space<vmem>>, vector<16xf32>,
        %parallel_loop3A_441 = arith.index_cast %parallel_loop3A_288 : i32 to index
        %parallel_loop3A_442 = arith.constant 64 : index
        %parallel_loop3A_443 = tpu.vector_load %arg29[%parallel_loop3A_441, %parallel_loop3A_442] {strides = array<i32>} : memref<16x256xf32, #tpu.memory_space<vmem>>, vector<16xf32>,
        %parallel_loop3A_444 = arith.index_cast %parallel_loop3A_288 : i32 to index
        %parallel_loop3A_445 = arith.constant 80 : index
        %parallel_loop3A_446 = tpu.vector_load %arg29[%parallel_loop3A_444, %parallel_loop3A_445] {strides = array<i32>} : memref<16x256xf32, #tpu.memory_space<vmem>>, vector<16xf32>,
        tpu.vector_store_idx %arg33[%parallel_loop3A_316], %parallel_loop3A_425 : memref<16368xf32, #tpu.memory_space<vmem>>[vector<16xi32>], vector<16xf32>,
        tpu.vector_store_idx %arg33[%parallel_loop3A_317], %parallel_loop3A_428 : memref<16368xf32, #tpu.memory_space<vmem>>[vector<16xi32>], vector<16xf32>,
        tpu.vector_store_idx %arg33[%parallel_loop3A_321], %parallel_loop3A_431 : memref<16368xf32, #tpu.memory_space<vmem>>[vector<16xi32>], vector<16xf32>,
        tpu.vector_store_idx %arg33[%parallel_loop3A_322], %parallel_loop3A_434 : memref<16368xf32, #tpu.memory_space<vmem>>[vector<16xi32>], vector<16xf32>,
        tpu.vector_store_idx %arg33[%parallel_loop3A_323], %parallel_loop3A_437 : memref<16368xf32, #tpu.memory_space<vmem>>[vector<16xi32>], vector<16xf32>,
        tpu.vector_store_idx %arg33[%parallel_loop3A_324], %parallel_loop3A_440 : memref<16368xf32, #tpu.memory_space<vmem>>[vector<16xi32>], vector<16xf32>,
        tpu.vector_store_idx %arg33[%parallel_loop3A_325], %parallel_loop3A_443 : memref<16368xf32, #tpu.memory_space<vmem>>[vector<16xi32>], vector<16xf32>,
        tpu.vector_store_idx %arg33[%parallel_loop3A_326], %parallel_loop3A_446 : memref<16368xf32, #tpu.memory_space<vmem>>[vector<16xi32>], vector<16xf32>,
        %parallel_loop3A_447 = arith.index_cast %parallel_loop3A_288 : i32 to index
        %parallel_loop3A_448 = arith.constant 96 : index
        %parallel_loop3A_449 = tpu.vector_load %arg29[%parallel_loop3A_447, %parallel_loop3A_448] {strides = array<i32>} : memref<16x256xf32, #tpu.memory_space<vmem>>, vector<16xf32>,
        %parallel_loop3A_450 = arith.index_cast %parallel_loop3A_288 : i32 to index
        %parallel_loop3A_451 = arith.constant 112 : index
        %parallel_loop3A_452 = tpu.vector_load %arg29[%parallel_loop3A_450, %parallel_loop3A_451] {strides = array<i32>} : memref<16x256xf32, #tpu.memory_space<vmem>>, vector<16xf32>,
        %parallel_loop3A_453 = arith.index_cast %parallel_loop3A_288 : i32 to index
        %parallel_loop3A_454 = arith.constant 128 : index
        %parallel_loop3A_455 = tpu.vector_load %arg29[%parallel_loop3A_453, %parallel_loop3A_454] {strides = array<i32>} : memref<16x256xf32, #tpu.memory_space<vmem>>, vector<16xf32>,
        %parallel_loop3A_456 = arith.index_cast %parallel_loop3A_288 : i32 to index
        %parallel_loop3A_457 = arith.constant 144 : index
        %parallel_loop3A_458 = tpu.vector_load %arg29[%parallel_loop3A_456, %parallel_loop3A_457] {strides = array<i32>} : memref<16x256xf32, #tpu.memory_space<vmem>>, vector<16xf32>,
        %parallel_loop3A_459 = arith.index_cast %parallel_loop3A_288 : i32 to index
        %parallel_loop3A_460 = arith.constant 160 : index
        %parallel_loop3A_461 = tpu.vector_load %arg29[%parallel_loop3A_459, %parallel_loop3A_460] {strides = array<i32>} : memref<16x256xf32, #tpu.memory_space<vmem>>, vector<16xf32>,
        %parallel_loop3A_462 = arith.index_cast %parallel_loop3A_288 : i32 to index
        %parallel_loop3A_463 = arith.constant 176 : index
        %parallel_loop3A_464 = tpu.vector_load %arg29[%parallel_loop3A_462, %parallel_loop3A_463] {strides = array<i32>} : memref<16x256xf32, #tpu.memory_space<vmem>>, vector<16xf32>,
        %parallel_loop3A_465 = arith.index_cast %parallel_loop3A_288 : i32 to index
        %parallel_loop3A_466 = arith.constant 192 : index
        %parallel_loop3A_467 = tpu.vector_load %arg29[%parallel_loop3A_465, %parallel_loop3A_466] {strides = array<i32>} : memref<16x256xf32, #tpu.memory_space<vmem>>, vector<16xf32>,
        %parallel_loop3A_468 = arith.index_cast %parallel_loop3A_288 : i32 to index
        %parallel_loop3A_469 = arith.constant 208 : index
        %parallel_loop3A_470 = tpu.vector_load %arg29[%parallel_loop3A_468, %parallel_loop3A_469] {strides = array<i32>} : memref<16x256xf32, #tpu.memory_space<vmem>>, vector<16xf32>,
        tpu.vector_store_idx %arg33[%parallel_loop3A_327], %parallel_loop3A_449 : memref<16368xf32, #tpu.memory_space<vmem>>[vector<16xi32>], vector<16xf32>,
        tpu.vector_store_idx %arg33[%parallel_loop3A_328], %parallel_loop3A_452 : memref<16368xf32, #tpu.memory_space<vmem>>[vector<16xi32>], vector<16xf32>,
        tpu.vector_store_idx %arg33[%parallel_loop3A_329], %parallel_loop3A_455 : memref<16368xf32, #tpu.memory_space<vmem>>[vector<16xi32>], vector<16xf32>,
        tpu.vector_store_idx %arg33[%parallel_loop3A_330], %parallel_loop3A_458 : memref<16368xf32, #tpu.memory_space<vmem>>[vector<16xi32>], vector<16xf32>,
        tpu.vector_store_idx %arg33[%parallel_loop3A_331], %parallel_loop3A_461 : memref<16368xf32, #tpu.memory_space<vmem>>[vector<16xi32>], vector<16xf32>,
        tpu.vector_store_idx %arg33[%parallel_loop3A_332], %parallel_loop3A_464 : memref<16368xf32, #tpu.memory_space<vmem>>[vector<16xi32>], vector<16xf32>,
        tpu.vector_store_idx %arg33[%parallel_loop3A_333], %parallel_loop3A_467 : memref<16368xf32, #tpu.memory_space<vmem>>[vector<16xi32>], vector<16xf32>,
        tpu.vector_store_idx %arg33[%parallel_loop3A_334], %parallel_loop3A_470 : memref<16368xf32, #tpu.memory_space<vmem>>[vector<16xi32>], vector<16xf32>,
        %parallel_loop3A_471 = arith.index_cast %parallel_loop3A_288 : i32 to index
        %parallel_loop3A_472 = arith.constant 224 : index
        %parallel_loop3A_473 = tpu.vector_load %arg29[%parallel_loop3A_471, %parallel_loop3A_472] {strides = array<i32>} : memref<16x256xf32, #tpu.memory_space<vmem>>, vector<16xf32>,
        %parallel_loop3A_474 = arith.index_cast %parallel_loop3A_288 : i32 to index
        %parallel_loop3A_475 = arith.constant 240 : index
        %parallel_loop3A_476 = tpu.vector_load %arg29[%parallel_loop3A_474, %parallel_loop3A_475] {strides = array<i32>} : memref<16x256xf32, #tpu.memory_space<vmem>>, vector<16xf32>,
        %parallel_loop3A_477 = arith.index_cast %parallel_loop3A_288 : i32 to index
        %parallel_loop3A_478 = arith.constant 0 : index
        %parallel_loop3A_479 = tpu.vector_load %arg30[%parallel_loop3A_477, %parallel_loop3A_478] {strides = array<i32>} : memref<16x256xf32, #tpu.memory_space<vmem>>, vector<16xf32>,
        %parallel_loop3A_480 = arith.index_cast %parallel_loop3A_288 : i32 to index
        %parallel_loop3A_481 = arith.constant 16 : index
        %parallel_loop3A_482 = tpu.vector_load %arg30[%parallel_loop3A_480, %parallel_loop3A_481] {strides = array<i32>} : memref<16x256xf32, #tpu.memory_space<vmem>>, vector<16xf32>,
        %parallel_loop3A_483 = arith.index_cast %parallel_loop3A_288 : i32 to index
        %parallel_loop3A_484 = arith.constant 32 : index
        %parallel_loop3A_485 = tpu.vector_load %arg30[%parallel_loop3A_483, %parallel_loop3A_484] {strides = array<i32>} : memref<16x256xf32, #tpu.memory_space<vmem>>, vector<16xf32>,
        %parallel_loop3A_486 = arith.index_cast %parallel_loop3A_288 : i32 to index
        %parallel_loop3A_487 = arith.constant 48 : index
        %parallel_loop3A_488 = tpu.vector_load %arg30[%parallel_loop3A_486, %parallel_loop3A_487] {strides = array<i32>} : memref<16x256xf32, #tpu.memory_space<vmem>>, vector<16xf32>,
        %parallel_loop3A_489 = arith.index_cast %parallel_loop3A_288 : i32 to index
        %parallel_loop3A_490 = arith.constant 64 : index
        %parallel_loop3A_491 = tpu.vector_load %arg30[%parallel_loop3A_489, %parallel_loop3A_490] {strides = array<i32>} : memref<16x256xf32, #tpu.memory_space<vmem>>, vector<16xf32>,
        %parallel_loop3A_492 = arith.index_cast %parallel_loop3A_288 : i32 to index
        %parallel_loop3A_493 = arith.constant 80 : index
        %parallel_loop3A_494 = tpu.vector_load %arg30[%parallel_loop3A_492, %parallel_loop3A_493] {strides = array<i32>} : memref<16x256xf32, #tpu.memory_space<vmem>>, vector<16xf32>,
        tpu.vector_store_idx %arg33[%parallel_loop3A_335], %parallel_loop3A_473 : memref<16368xf32, #tpu.memory_space<vmem>>[vector<16xi32>], vector<16xf32>,
        tpu.vector_store_idx %arg33[%parallel_loop3A_336], %parallel_loop3A_476 : memref<16368xf32, #tpu.memory_space<vmem>>[vector<16xi32>], vector<16xf32>,
        tpu.vector_store_idx %arg33[%parallel_loop3A_340], %parallel_loop3A_479 : memref<16368xf32, #tpu.memory_space<vmem>>[vector<16xi32>], vector<16xf32>,
        tpu.vector_store_idx %arg33[%parallel_loop3A_341], %parallel_loop3A_482 : memref<16368xf32, #tpu.memory_space<vmem>>[vector<16xi32>], vector<16xf32>,
        tpu.vector_store_idx %arg33[%parallel_loop3A_342], %parallel_loop3A_485 : memref<16368xf32, #tpu.memory_space<vmem>>[vector<16xi32>], vector<16xf32>,
        tpu.vector_store_idx %arg33[%parallel_loop3A_343], %parallel_loop3A_488 : memref<16368xf32, #tpu.memory_space<vmem>>[vector<16xi32>], vector<16xf32>,
        tpu.vector_store_idx %arg33[%parallel_loop3A_344], %parallel_loop3A_491 : memref<16368xf32, #tpu.memory_space<vmem>>[vector<16xi32>], vector<16xf32>,
        tpu.vector_store_idx %arg33[%parallel_loop3A_345], %parallel_loop3A_494 : memref<16368xf32, #tpu.memory_space<vmem>>[vector<16xi32>], vector<16xf32>,
        %parallel_loop3A_495 = arith.index_cast %parallel_loop3A_288 : i32 to index
        %parallel_loop3A_496 = arith.constant 96 : index
        %parallel_loop3A_497 = tpu.vector_load %arg30[%parallel_loop3A_495, %parallel_loop3A_496] {strides = array<i32>} : memref<16x256xf32, #tpu.memory_space<vmem>>, vector<16xf32>,
        %parallel_loop3A_498 = arith.index_cast %parallel_loop3A_288 : i32 to index
        %parallel_loop3A_499 = arith.constant 112 : index
        %parallel_loop3A_500 = tpu.vector_load %arg30[%parallel_loop3A_498, %parallel_loop3A_499] {strides = array<i32>} : memref<16x256xf32, #tpu.memory_space<vmem>>, vector<16xf32>,
        %parallel_loop3A_501 = arith.index_cast %parallel_loop3A_288 : i32 to index
        %parallel_loop3A_502 = arith.constant 128 : index
        %parallel_loop3A_503 = tpu.vector_load %arg30[%parallel_loop3A_501, %parallel_loop3A_502] {strides = array<i32>} : memref<16x256xf32, #tpu.memory_space<vmem>>, vector<16xf32>,
        %parallel_loop3A_504 = arith.index_cast %parallel_loop3A_288 : i32 to index
        %parallel_loop3A_505 = arith.constant 144 : index
        %parallel_loop3A_506 = tpu.vector_load %arg30[%parallel_loop3A_504, %parallel_loop3A_505] {strides = array<i32>} : memref<16x256xf32, #tpu.memory_space<vmem>>, vector<16xf32>,
        %parallel_loop3A_507 = arith.index_cast %parallel_loop3A_288 : i32 to index
        %parallel_loop3A_508 = arith.constant 160 : index
        %parallel_loop3A_509 = tpu.vector_load %arg30[%parallel_loop3A_507, %parallel_loop3A_508] {strides = array<i32>} : memref<16x256xf32, #tpu.memory_space<vmem>>, vector<16xf32>,
        %parallel_loop3A_510 = arith.index_cast %parallel_loop3A_288 : i32 to index
        %parallel_loop3A_511 = arith.constant 176 : index
        %parallel_loop3A_512 = tpu.vector_load %arg30[%parallel_loop3A_510, %parallel_loop3A_511] {strides = array<i32>} : memref<16x256xf32, #tpu.memory_space<vmem>>, vector<16xf32>,
        %parallel_loop3A_513 = arith.index_cast %parallel_loop3A_288 : i32 to index
        %parallel_loop3A_514 = arith.constant 192 : index
        %parallel_loop3A_515 = tpu.vector_load %arg30[%parallel_loop3A_513, %parallel_loop3A_514] {strides = array<i32>} : memref<16x256xf32, #tpu.memory_space<vmem>>, vector<16xf32>,
        %parallel_loop3A_516 = arith.index_cast %parallel_loop3A_288 : i32 to index
        %parallel_loop3A_517 = arith.constant 208 : index
        %parallel_loop3A_518 = tpu.vector_load %arg30[%parallel_loop3A_516, %parallel_loop3A_517] {strides = array<i32>} : memref<16x256xf32, #tpu.memory_space<vmem>>, vector<16xf32>,
        tpu.vector_store_idx %arg33[%parallel_loop3A_346], %parallel_loop3A_497 : memref<16368xf32, #tpu.memory_space<vmem>>[vector<16xi32>], vector<16xf32>,
        tpu.vector_store_idx %arg33[%parallel_loop3A_347], %parallel_loop3A_500 : memref<16368xf32, #tpu.memory_space<vmem>>[vector<16xi32>], vector<16xf32>,
        tpu.vector_store_idx %arg33[%parallel_loop3A_348], %parallel_loop3A_503 : memref<16368xf32, #tpu.memory_space<vmem>>[vector<16xi32>], vector<16xf32>,
        tpu.vector_store_idx %arg33[%parallel_loop3A_349], %parallel_loop3A_506 : memref<16368xf32, #tpu.memory_space<vmem>>[vector<16xi32>], vector<16xf32>,
        tpu.vector_store_idx %arg33[%parallel_loop3A_350], %parallel_loop3A_509 : memref<16368xf32, #tpu.memory_space<vmem>>[vector<16xi32>], vector<16xf32>,
        tpu.vector_store_idx %arg33[%parallel_loop3A_351], %parallel_loop3A_512 : memref<16368xf32, #tpu.memory_space<vmem>>[vector<16xi32>], vector<16xf32>,
        tpu.vector_store_idx %arg33[%parallel_loop3A_352], %parallel_loop3A_515 : memref<16368xf32, #tpu.memory_space<vmem>>[vector<16xi32>], vector<16xf32>,
        tpu.vector_store_idx %arg33[%parallel_loop3A_353], %parallel_loop3A_518 : memref<16368xf32, #tpu.memory_space<vmem>>[vector<16xi32>], vector<16xf32>,
        %parallel_loop3A_519 = arith.index_cast %parallel_loop3A_288 : i32 to index
        %parallel_loop3A_520 = arith.constant 224 : index
        %parallel_loop3A_521 = tpu.vector_load %arg30[%parallel_loop3A_519, %parallel_loop3A_520] {strides = array<i32>} : memref<16x256xf32, #tpu.memory_space<vmem>>, vector<16xf32>,
        %parallel_loop3A_522 = arith.index_cast %parallel_loop3A_288 : i32 to index
        %parallel_loop3A_523 = arith.constant 240 : index
        %parallel_loop3A_524 = tpu.vector_load %arg30[%parallel_loop3A_522, %parallel_loop3A_523] {strides = array<i32>} : memref<16x256xf32, #tpu.memory_space<vmem>>, vector<16xf32>,
        %parallel_loop3A_525 = arith.index_cast %parallel_loop3A_288 : i32 to index
        %parallel_loop3A_526 = arith.constant 0 : index
        %parallel_loop3A_527 = tpu.vector_load %arg31[%parallel_loop3A_525, %parallel_loop3A_526] {strides = array<i32>} : memref<16x256xf32, #tpu.memory_space<vmem>>, vector<16xf32>,
        %parallel_loop3A_528 = arith.index_cast %parallel_loop3A_288 : i32 to index
        %parallel_loop3A_529 = arith.constant 16 : index
        %parallel_loop3A_530 = tpu.vector_load %arg31[%parallel_loop3A_528, %parallel_loop3A_529] {strides = array<i32>} : memref<16x256xf32, #tpu.memory_space<vmem>>, vector<16xf32>,
        %parallel_loop3A_531 = arith.index_cast %parallel_loop3A_288 : i32 to index
        %parallel_loop3A_532 = arith.constant 32 : index
        %parallel_loop3A_533 = tpu.vector_load %arg31[%parallel_loop3A_531, %parallel_loop3A_532] {strides = array<i32>} : memref<16x256xf32, #tpu.memory_space<vmem>>, vector<16xf32>,
        %parallel_loop3A_534 = arith.index_cast %parallel_loop3A_288 : i32 to index
        %parallel_loop3A_535 = arith.constant 48 : index
        %parallel_loop3A_536 = tpu.vector_load %arg31[%parallel_loop3A_534, %parallel_loop3A_535] {strides = array<i32>} : memref<16x256xf32, #tpu.memory_space<vmem>>, vector<16xf32>,
        %parallel_loop3A_537 = arith.index_cast %parallel_loop3A_288 : i32 to index
        %parallel_loop3A_538 = arith.constant 64 : index
        %parallel_loop3A_539 = tpu.vector_load %arg31[%parallel_loop3A_537, %parallel_loop3A_538] {strides = array<i32>} : memref<16x256xf32, #tpu.memory_space<vmem>>, vector<16xf32>,
        %parallel_loop3A_540 = arith.index_cast %parallel_loop3A_288 : i32 to index
        %parallel_loop3A_541 = arith.constant 80 : index
        %parallel_loop3A_542 = tpu.vector_load %arg31[%parallel_loop3A_540, %parallel_loop3A_541] {strides = array<i32>} : memref<16x256xf32, #tpu.memory_space<vmem>>, vector<16xf32>,
        tpu.vector_store_idx %arg33[%parallel_loop3A_354], %parallel_loop3A_521 : memref<16368xf32, #tpu.memory_space<vmem>>[vector<16xi32>], vector<16xf32>,
        tpu.vector_store_idx %arg33[%parallel_loop3A_355], %parallel_loop3A_524 : memref<16368xf32, #tpu.memory_space<vmem>>[vector<16xi32>], vector<16xf32>,
        tpu.vector_store_idx %arg33[%parallel_loop3A_359], %parallel_loop3A_527 : memref<16368xf32, #tpu.memory_space<vmem>>[vector<16xi32>], vector<16xf32>,
        tpu.vector_store_idx %arg33[%parallel_loop3A_360], %parallel_loop3A_530 : memref<16368xf32, #tpu.memory_space<vmem>>[vector<16xi32>], vector<16xf32>,
        tpu.vector_store_idx %arg33[%parallel_loop3A_361], %parallel_loop3A_533 : memref<16368xf32, #tpu.memory_space<vmem>>[vector<16xi32>], vector<16xf32>,
        tpu.vector_store_idx %arg33[%parallel_loop3A_362], %parallel_loop3A_536 : memref<16368xf32, #tpu.memory_space<vmem>>[vector<16xi32>], vector<16xf32>,
        tpu.vector_store_idx %arg33[%parallel_loop3A_363], %parallel_loop3A_539 : memref<16368xf32, #tpu.memory_space<vmem>>[vector<16xi32>], vector<16xf32>,
        tpu.vector_store_idx %arg33[%parallel_loop3A_364], %parallel_loop3A_542 : memref<16368xf32, #tpu.memory_space<vmem>>[vector<16xi32>], vector<16xf32>,
        %parallel_loop3A_543 = arith.index_cast %parallel_loop3A_288 : i32 to index
        %parallel_loop3A_544 = arith.constant 96 : index
        %parallel_loop3A_545 = tpu.vector_load %arg31[%parallel_loop3A_543, %parallel_loop3A_544] {strides = array<i32>} : memref<16x256xf32, #tpu.memory_space<vmem>>, vector<16xf32>,
        %parallel_loop3A_546 = arith.index_cast %parallel_loop3A_288 : i32 to index
        %parallel_loop3A_547 = arith.constant 112 : index
        %parallel_loop3A_548 = tpu.vector_load %arg31[%parallel_loop3A_546, %parallel_loop3A_547] {strides = array<i32>} : memref<16x256xf32, #tpu.memory_space<vmem>>, vector<16xf32>,
        %parallel_loop3A_549 = arith.index_cast %parallel_loop3A_288 : i32 to index
        %parallel_loop3A_550 = arith.constant 128 : index
        %parallel_loop3A_551 = tpu.vector_load %arg31[%parallel_loop3A_549, %parallel_loop3A_550] {strides = array<i32>} : memref<16x256xf32, #tpu.memory_space<vmem>>, vector<16xf32>,
        %parallel_loop3A_552 = arith.index_cast %parallel_loop3A_288 : i32 to index
        %parallel_loop3A_553 = arith.constant 144 : index
        %parallel_loop3A_554 = tpu.vector_load %arg31[%parallel_loop3A_552, %parallel_loop3A_553] {strides = array<i32>} : memref<16x256xf32, #tpu.memory_space<vmem>>, vector<16xf32>,
        %parallel_loop3A_555 = arith.index_cast %parallel_loop3A_288 : i32 to index
        %parallel_loop3A_556 = arith.constant 160 : index
        %parallel_loop3A_557 = tpu.vector_load %arg31[%parallel_loop3A_555, %parallel_loop3A_556] {strides = array<i32>} : memref<16x256xf32, #tpu.memory_space<vmem>>, vector<16xf32>,
        %parallel_loop3A_558 = arith.index_cast %parallel_loop3A_288 : i32 to index
        %parallel_loop3A_559 = arith.constant 176 : index
        %parallel_loop3A_560 = tpu.vector_load %arg31[%parallel_loop3A_558, %parallel_loop3A_559] {strides = array<i32>} : memref<16x256xf32, #tpu.memory_space<vmem>>, vector<16xf32>,
        %parallel_loop3A_561 = arith.index_cast %parallel_loop3A_288 : i32 to index
        %parallel_loop3A_562 = arith.constant 192 : index
        %parallel_loop3A_563 = tpu.vector_load %arg31[%parallel_loop3A_561, %parallel_loop3A_562] {strides = array<i32>} : memref<16x256xf32, #tpu.memory_space<vmem>>, vector<16xf32>,
        %parallel_loop3A_564 = arith.index_cast %parallel_loop3A_288 : i32 to index
        %parallel_loop3A_565 = arith.constant 208 : index
        %parallel_loop3A_566 = tpu.vector_load %arg31[%parallel_loop3A_564, %parallel_loop3A_565] {strides = array<i32>} : memref<16x256xf32, #tpu.memory_space<vmem>>, vector<16xf32>,
        tpu.vector_store_idx %arg33[%parallel_loop3A_365], %parallel_loop3A_545 : memref<16368xf32, #tpu.memory_space<vmem>>[vector<16xi32>], vector<16xf32>,
        tpu.vector_store_idx %arg33[%parallel_loop3A_366], %parallel_loop3A_548 : memref<16368xf32, #tpu.memory_space<vmem>>[vector<16xi32>], vector<16xf32>,
        tpu.vector_store_idx %arg33[%parallel_loop3A_367], %parallel_loop3A_551 : memref<16368xf32, #tpu.memory_space<vmem>>[vector<16xi32>], vector<16xf32>,
        tpu.vector_store_idx %arg33[%parallel_loop3A_368], %parallel_loop3A_554 : memref<16368xf32, #tpu.memory_space<vmem>>[vector<16xi32>], vector<16xf32>,
        tpu.vector_store_idx %arg33[%parallel_loop3A_369], %parallel_loop3A_557 : memref<16368xf32, #tpu.memory_space<vmem>>[vector<16xi32>], vector<16xf32>,
        tpu.vector_store_idx %arg33[%parallel_loop3A_370], %parallel_loop3A_560 : memref<16368xf32, #tpu.memory_space<vmem>>[vector<16xi32>], vector<16xf32>,
        tpu.vector_store_idx %arg33[%parallel_loop3A_371], %parallel_loop3A_563 : memref<16368xf32, #tpu.memory_space<vmem>>[vector<16xi32>], vector<16xf32>,
        tpu.vector_store_idx %arg33[%parallel_loop3A_372], %parallel_loop3A_566 : memref<16368xf32, #tpu.memory_space<vmem>>[vector<16xi32>], vector<16xf32>,
        %parallel_loop3A_567 = arith.index_cast %parallel_loop3A_288 : i32 to index
        %parallel_loop3A_568 = arith.constant 224 : index
        %parallel_loop3A_569 = tpu.vector_load %arg31[%parallel_loop3A_567, %parallel_loop3A_568] {strides = array<i32>} : memref<16x256xf32, #tpu.memory_space<vmem>>, vector<16xf32>,
        %parallel_loop3A_570 = arith.index_cast %parallel_loop3A_288 : i32 to index
        %parallel_loop3A_571 = arith.constant 240 : index
        %parallel_loop3A_572 = tpu.vector_load %arg31[%parallel_loop3A_570, %parallel_loop3A_571] {strides = array<i32>} : memref<16x256xf32, #tpu.memory_space<vmem>>, vector<16xf32>,
        tpu.vector_store_idx %arg33[%parallel_loop3A_373], %parallel_loop3A_569 : memref<16368xf32, #tpu.memory_space<vmem>>[vector<16xi32>], vector<16xf32>,
        tpu.vector_store_idx %arg33[%parallel_loop3A_374], %parallel_loop3A_572 : memref<16368xf32, #tpu.memory_space<vmem>>[vector<16xi32>], vector<16xf32>,
      } {sc.loop_unroll_factor = 1 : i64, sc.parallel_access}
      %add3A_279 = arith.constant 1 : i32
      %add3A_280 = arith.addi %add3A_142, %add3A_279 : i32
      %mul3A_281 = arith.constant 16 : i32
      %mul3A_282 = arith.muli %add3A_280, %mul3A_281 : i32
      %add3A_283 = arith.addi %mul3A_2, %mul3A_282 : i32
      %mul3A_284 = arith.constant 1023 : i32
      %mul3A_285 = arith.muli %add3A_283, %mul3A_284 : i32
      %dma_start3A_286 = tpu.memref_slice %arg11[%mul3A_285] : memref<134086656xf32, #tpu.memory_space<hbm>> -> memref<16368xf32, #tpu.memory_space<hbm>>
      %dma_start3A_287 = tpu.memref_slice %arg11[%mul3A_285] : memref<134086656xf32, #tpu.memory_space<hbm>> -> memref<16368xf32, #tpu.memory_space<hbm>>
      tpu.enqueue_dma source(%arg33 : memref<16368xf32, #tpu.memory_space<vmem>>) target(%dma_start3A_287 : memref<16368xf32, #tpu.memory_space<hbm>>) target_semaphore(%arg37 : memref<!tpu.dma_semaphore, #tpu.memory_space<semaphore_mem>>)
    }
    %scan3A_100 = arith.constant 128 : i32
    %dma_wait3A = arith.constant 0 : i32
    %dma_wait3A_101 = tpu.memref_slice %arg14[%dma_wait3A] : memref<4096xi32, #tpu.memory_space<vmem>> -> memref<16xi32, #tpu.memory_space<vmem>>
    %dma_wait3A_102 = arith.constant 0 : i32
    %dma_wait3A_103 = arith.constant 0 : i32
    %dma_wait3A_104 = tpu.memref_slice %arg5[%dma_wait3A_102, %dma_wait3A_103] : memref<1000x96xf32, #tpu.memory_space<hbm>> -> memref<1000x96xf32, #tpu.memory_space<hbm>>
    tpu.wait_indirect_dma semaphore(%arg34 : memref<!tpu.dma_semaphore, #tpu.memory_space<semaphore_mem>>) src(%dma_wait3A_104 : memref<1000x96xf32, #tpu.memory_space<hbm>>) dst(%arg20 : memref<16x96xf32, #tpu.memory_space<vmem>>)
    %dma_wait3A_105 = arith.constant 0 : i32
    %dma_wait3A_106 = tpu.memref_slice %arg15[%dma_wait3A_105] : memref<4096xi32, #tpu.memory_space<vmem>> -> memref<16xi32, #tpu.memory_space<vmem>>
    %dma_wait3A_107 = arith.constant 0 : i32
    %dma_wait3A_108 = arith.constant 0 : i32
    %dma_wait3A_109 = tpu.memref_slice %arg6[%dma_wait3A_107, %dma_wait3A_108] : memref<1000x96xf32, #tpu.memory_space<hbm>> -> memref<1000x96xf32, #tpu.memory_space<hbm>>
    tpu.wait_indirect_dma semaphore(%arg34 : memref<!tpu.dma_semaphore, #tpu.memory_space<semaphore_mem>>) src(%dma_wait3A_109 : memref<1000x96xf32, #tpu.memory_space<hbm>>) dst(%arg21 : memref<16x96xf32, #tpu.memory_space<vmem>>)
    %dma_wait3A_110 = arith.constant 0 : i32
    %dma_wait3A_111 = tpu.memref_slice %arg16[%dma_wait3A_110] : memref<4096xi32, #tpu.memory_space<vmem>> -> memref<16xi32, #tpu.memory_space<vmem>>
    %dma_wait3A_112 = arith.constant 0 : i32
    %dma_wait3A_113 = arith.constant 0 : i32
    %dma_wait3A_114 = tpu.memref_slice %arg7[%dma_wait3A_112, %dma_wait3A_113] : memref<1000x96xf32, #tpu.memory_space<hbm>> -> memref<1000x96xf32, #tpu.memory_space<hbm>>
    tpu.wait_indirect_dma semaphore(%arg34 : memref<!tpu.dma_semaphore, #tpu.memory_space<semaphore_mem>>) src(%dma_wait3A_114 : memref<1000x96xf32, #tpu.memory_space<hbm>>) dst(%arg22 : memref<16x96xf32, #tpu.memory_space<vmem>>)
    %dma_wait3A_115 = arith.constant 0 : i32
    %dma_wait3A_116 = tpu.memref_slice %arg17[%dma_wait3A_115] : memref<4096xi32, #tpu.memory_space<vmem>> -> memref<16xi32, #tpu.memory_space<vmem>>
    %dma_wait3A_117 = arith.constant 0 : i32
    %dma_wait3A_118 = arith.constant 0 : i32
    %dma_wait3A_119 = tpu.memref_slice %arg8[%dma_wait3A_117, %dma_wait3A_118] : memref<360x256xf32, #tpu.memory_space<hbm>> -> memref<360x256xf32, #tpu.memory_space<hbm>>
    tpu.wait_indirect_dma semaphore(%arg34 : memref<!tpu.dma_semaphore, #tpu.memory_space<semaphore_mem>>) src(%dma_wait3A_119 : memref<360x256xf32, #tpu.memory_space<hbm>>) dst(%arg23 : memref<16x256xf32, #tpu.memory_space<vmem>>)
    %dma_wait3A_120 = arith.constant 0 : i32
    %dma_wait3A_121 = tpu.memref_slice %arg18[%dma_wait3A_120] : memref<4096xi32, #tpu.memory_space<vmem>> -> memref<16xi32, #tpu.memory_space<vmem>>
    %dma_wait3A_122 = arith.constant 0 : i32
    %dma_wait3A_123 = arith.constant 0 : i32
    %dma_wait3A_124 = tpu.memref_slice %arg9[%dma_wait3A_122, %dma_wait3A_123] : memref<180x256xf32, #tpu.memory_space<hbm>> -> memref<180x256xf32, #tpu.memory_space<hbm>>
    tpu.wait_indirect_dma semaphore(%arg34 : memref<!tpu.dma_semaphore, #tpu.memory_space<semaphore_mem>>) src(%dma_wait3A_124 : memref<180x256xf32, #tpu.memory_space<hbm>>) dst(%arg24 : memref<16x256xf32, #tpu.memory_space<vmem>>)
    %dma_wait3A_125 = arith.constant 0 : i32
    %dma_wait3A_126 = tpu.memref_slice %arg19[%dma_wait3A_125] : memref<4096xi32, #tpu.memory_space<vmem>> -> memref<16xi32, #tpu.memory_space<vmem>>
    %dma_wait3A_127 = arith.constant 0 : i32
    %dma_wait3A_128 = arith.constant 0 : i32
    %dma_wait3A_129 = tpu.memref_slice %arg10[%dma_wait3A_127, %dma_wait3A_128] : memref<1000x256xf32, #tpu.memory_space<hbm>> -> memref<1000x256xf32, #tpu.memory_space<hbm>>
    tpu.wait_indirect_dma semaphore(%arg34 : memref<!tpu.dma_semaphore, #tpu.memory_space<semaphore_mem>>) src(%dma_wait3A_129 : memref<1000x256xf32, #tpu.memory_space<hbm>>) dst(%arg25 : memref<16x256xf32, #tpu.memory_space<vmem>>)
    %dma_wait3A_130 = arith.constant 0 : i32
    %dma_wait3A_131 = tpu.memref_slice %arg11[%dma_wait3A_130] : memref<134086656xf32, #tpu.memory_space<hbm>> -> memref<16368xf32, #tpu.memory_space<hbm>>
    %dma_wait3A_132 = arith.constant 0 : i32
    %dma_wait3A_133 = tpu.memref_slice %arg11[%dma_wait3A_132] : memref<134086656xf32, #tpu.memory_space<hbm>> -> memref<16368xf32, #tpu.memory_space<hbm>>
    tpu.wait_dma2 semaphore(%arg36 : memref<!tpu.dma_semaphore, #tpu.memory_space<semaphore_mem>>) src(%arg32 : memref<16368xf32, #tpu.memory_space<vmem>>) dst(%dma_wait3A_133 : memref<16368xf32, #tpu.memory_space<hbm>>)
    %dma_wait3A_134 = arith.constant 0 : i32
    %dma_wait3A_135 = tpu.memref_slice %arg11[%dma_wait3A_134] : memref<134086656xf32, #tpu.memory_space<hbm>> -> memref<16368xf32, #tpu.memory_space<hbm>>
    %dma_wait3A_136 = arith.constant 0 : i32
    %dma_wait3A_137 = tpu.memref_slice %arg11[%dma_wait3A_136] : memref<134086656xf32, #tpu.memory_space<hbm>> -> memref<16368xf32, #tpu.memory_space<hbm>>
    tpu.wait_dma2 semaphore(%arg37 : memref<!tpu.dma_semaphore, #tpu.memory_space<semaphore_mem>>) src(%arg33 : memref<16368xf32, #tpu.memory_space<vmem>>) dst(%dma_wait3A_137 : memref<16368xf32, #tpu.memory_space<hbm>>)
    return
  }
}

</mosaic_0001>

<sc_bundles>
// kernel: kernel.3.cloned.1.call-start
scs
__scs_entry_jumppad:
0x0: {  	(pc) =	sbr.rel $0x88, $3  }
0x1: {  	(tag) =	ssettag $0x0;
	lr =	simm.s32 $0x1  }
0x2: {  	[smem:$0x3F98] =	sst lr;
	_ =	strace $0xD0000000  }
0x3: {  	_ = 	snop  }
0x4: {  	_ = 	snop  }
0x5: {  	_ = 	snop  }
0x6: {  	_ = 	snop  }
0x7: {  	_ = 	snop  }
__scs_overlays_trampoline_lowered:
0x8: {  	[smem:$0x3FA7] =	sst s0  }
0x9: {  	[smem:$0x3FA8] =	sst s1  }
0xa: {  	[smem:$0x3FA9] =	sst s2  }
0xb: {  	[smem:$0x3FAA] =	sst s3  }
0xc: {  	[smem:$0x3FAB] =	sst s4  }
0xd: {  	[smem:$0x3FAC] =	sst s5  }
0xe: {  	[smem:$0x3FAD] =	sst s6  }
0xf: {  	[smem:$0x3FAE] =	sst s7  }
0x10: {  	[smem:$0x3FAF] =	sst s8  }
0x11: {  	[smem:$0x3FB0] =	sst s9;
	s0 =	simm.s32 @!p0 $0x0  }
0x12: {  	s1 =	sld [smem:$0x3F96];
	s0 =	simm.s32 @p0 $0x1  }
0x13: {  	[smem:$0x3FB1] =	sst s0;
	s0 =	simm.s32 @!p1 $0x0  }
0x14: {  	s2 =	sld [smem:$0x3F95];
	s0 =	simm.s32 @p1 $0x1  }
0x15: {  	[smem:$0x3FB2] =	sst s0;
	s0 =	simm.s32 @!p2 $0x0  }
0x16: {  	s3 =	sld [smem:$0x3FDB];
	s0 =	simm.s32 @p2 $0x1  }
0x17: {  	s4 =	simm.s32 $0x1BF5;
	[smem:$0x3FB4] =	sst s0  }
0x18: {  	s0 =	sld [smem:$0x3F97];
	_ =	swait.ge [sflag:s4], $0x0  }
0x19: {  	s7 =	sld [smem:$0x3F98]  }
0x1a: {  	s8 =	sadd.s32 $0xFFFFE003, lr  }
0x1b: {  	s9 =	sadd.s32 $0xFFFFFEF7, lr;
	s5 =	simm.s32 $0xFFFFFFFF;
	p2 =	slt.u32 s8, $0xFFFFF086  }
0x1c: {  	p1 =	slt.u32 s9, $0xF7A;
	s5 =	simm.s32 @!p2 $0x0  }
0x1d: {  	s5 =	simm.s32 @p1 $0x1;
	p0 =	seq.s32 s7, s2  }
0x1e: {  	s7 =	smul.u32 @!p0 $0xF7A, s2;
	p2 =	seq.s32 @!p0 s5, $0x0  }
0x1f: {  	s9 =	smul.u32 $0xF7A, s1;
	s8 =	simm.s32 @!p0 $0x1BF5;
	p2 =	por !p2, p0  }
0x20: {  	[sflag:s8] =	ssyncset.s32 @!p0 $0xFFFFF086;
	s6 =	sadd.s32 @!p0 s3, s7;
	s7 =	simm.s32 @!p0 $0x108  }
0x21: {  	s3 =	sadd.s32 s3, s9;
	s6 =	sadd.s32 @!p0 $0x88, s6;
	s7 =	simm.s32 @p2 $0x1082  }
0x22: {  	[simem:s7], [sflag:s8] =	dma.local @!p0 [hbm:s6], $0xF7A  }
0x23: {  	s9 =	sor.u32 $0xD0000000, s2;
	s6 =	simm.s32 $0x108;
	_ =	swait.ge @!p0 [sflag:s8], $0x0  }
0x24: {  	s3 =	sadd.s32 $0x88, s3;
	s6 =	simm.s32 @!p1 $0x1082;
	[sflag:s4] =	ssyncset.s32 $0xFFFFF086  }
0x25: {  	[simem:s6], [sflag:s4] =	dma.local [hbm:s3], $0xF7A  }
0x26: {  	[smem:$0x3F98] =	sst s1;
	(tag) =	ssettag s2;
	_ =	strace s9  }
0x27: {  	s1 =	sld [smem:$0x3FA8]  }
0x28: {  	s2 =	sld [smem:$0x3FA9]  }
0x29: {  	s4 =	sld [smem:$0x3FAB]  }
0x2a: {  	p0 =	seq.s32 s5, $0x0;
	s5 =	sld [smem:$0x3FAC]  }
0x2b: {  	s6 =	sld [smem:$0x3FAD]  }
0x2c: {  	s7 =	sld [smem:$0x3FAE]  }
0x2d: {  	s3 =	simm.s32 $0x108;
	s8 =	sld [smem:$0x3FAF]  }
0x2e: {  	s3 =	simm.s32 @!p0 $0x1082;
	s9 =	sld [smem:$0x3FB0]  }
0x2f: {  	lr =	sadd.s32 s0, s3;
	s0 =	sld [smem:$0x3FA7]  }
0x30: {  	s3 =	sld [smem:$0x3FAA]  }
0x31: {  	[smem:$0x3FB3] =	sst s10  }
0x32: {  	s10 =	sld [smem:$0x3FB1];
	_ =	sdelay $0x3  }
0x33: {  	p0 =	seq.s32 s10, $0x1;
	s10 =	sld [smem:$0x3FB3];
	_ =	sdelay $0x3  }
0x34: {  	[smem:$0x3FB3] =	sst s10  }
0x35: {  	s10 =	sld [smem:$0x3FB2];
	_ =	sdelay $0x3  }
0x36: {  	p1 =	seq.s32 s10, $0x1;
	s10 =	sld [smem:$0x3FB3];
	_ =	sdelay $0x3  }
0x37: {  	[smem:$0x3FB3] =	sst s10  }
0x38: {  	s10 =	sld [smem:$0x3FB4]  }
0x39: {  	_ = 	snop;
	(pc) =	sbr.ind lr, $3  }
0x3a: {  	_ = 	snop  }
0x3b: {  	_ = 	snop  }
0x3c: {  	p2 =	seq.s32 s10, $0x1;
	s10 =	sld [smem:$0x3FB3]  }
0x3d: {  	_ =	shalt  }
0x3e: {  	_ =	shalt  }
0x3f: {  	_ =	shalt  }
0x40: {  	_ =	shalt  }
0x41: {  	_ =	shalt  }
0x42: {  	_ =	shalt  }
0x43: {  	_ =	shalt  }
0x44: {  	_ =	shalt  }
0x45: {  	_ =	shalt  }
0x46: {  	_ =	shalt  }
0x47: {  	_ =	shalt  }
0x48: {  	_ =	shalt  }
0x49: {  	_ =	shalt  }
0x4a: {  	_ =	shalt  }
0x4b: {  	_ =	shalt  }
0x4c: {  	_ =	shalt  }
0x4d: {  	_ =	shalt  }
0x4e: {  	_ =	shalt  }
0x4f: {  	_ =	shalt  }
0x50: {  	_ =	shalt  }
0x51: {  	_ =	shalt  }
0x52: {  	_ =	shalt  }
0x53: {  	_ =	shalt  }
0x54: {  	_ =	shalt  }
0x55: {  	_ =	shalt  }
0x56: {  	_ =	shalt  }
0x57: {  	_ =	shalt  }
0x58: {  	_ =	shalt  }
0x59: {  	_ =	shalt  }
0x5a: {  	_ =	shalt  }
0x5b: {  	_ =	shalt  }
0x5c: {  	_ =	shalt  }
0x5d: {  	_ =	shalt  }
0x5e: {  	_ =	shalt  }
0x5f: {  	_ =	shalt  }
0x60: {  	_ =	shalt  }
0x61: {  	_ =	shalt  }
0x62: {  	_ =	shalt  }
0x63: {  	_ =	shalt  }
0x64: {  	_ =	shalt  }
0x65: {  	_ =	shalt  }
0x66: {  	_ =	shalt  }
0x67: {  	_ =	shalt  }
0x68: {  	_ =	shalt  }
0x69: {  	_ =	shalt  }
0x6a: {  	_ =	shalt  }
0x6b: {  	_ =	shalt  }
0x6c: {  	_ =	shalt  }
0x6d: {  	_ =	shalt  }
0x6e: {  	_ =	shalt  }
0x6f: {  	_ =	shalt  }
0x70: {  	_ =	shalt  }
0x71: {  	_ =	shalt  }
0x72: {  	_ =	shalt  }
0x73: {  	_ =	shalt  }
0x74: {  	_ =	shalt  }
0x75: {  	_ =	shalt  }
0x76: {  	_ =	shalt  }
0x77: {  	_ =	shalt  }
0x78: {  	_ =	shalt  }
0x79: {  	_ =	shalt  }
0x7a: {  	_ =	shalt  }
0x7b: {  	_ =	shalt  }
0x7c: {  	_ =	shalt  }
0x7d: {  	_ =	shalt  }
0x7e: {  	_ =	shalt  }
0x7f: {  	_ =	shalt  }
0x80: {  	_ =	shalt  }
0x81: {  	_ =	shalt  }
0x82: {  	_ =	shalt  }
0x83: {  	_ =	shalt  }
0x84: {  	_ =	shalt  }
0x85: {  	_ =	shalt  }
0x86: {  	_ =	shalt  }
0x87: {  	_ =	shalt  }
.Lfunc_end0:
.L_simem_size_0:
called_computation.1_lowered:
.L_overlay_start_0:
0x88: {  	s2 =	sld [smem:$0x3FD9]  }
0x89: {  	s3 =	sld [smem:$0x3FFE];
	_ =	sdelay $0x1  }
0x8a: {  	s1 =	srdreg.scid  }
0x8b: {  	s0 =	sand.u32 $0x1, s1  }
0x8c: {  	s17 =	sshll.u32 s0, $0xA;
	s2 =	sadd.s32 s3, s2  }
0x8d: {  	s2 =	sadd.s32 s2, s17  }
0x8e: {  	[smem:$0x3FBF] =	sst s2  }
0x8f: {  	_ = 	snop  }
0x90: {  	s2 =	sld [smem:$0x3FD0];
	(tm) =	ssettm $0x1  }
0x91: {  	s18 =	sld [smem:$0x3FFB];
	_ =	sdelay $0x3  }
0x92: {  	_ =	strace s18  }
0x93: {  	s3 =	sld [smem:$0x3FFC];
	_ =	sdelay $0x3  }
0x94: {  	_ =	strace s3  }
0x95: {  	s3 =	sld [smem:$0x3FFD];
	_ =	sdelay $0x3  }
0x96: {  	_ =	strace s3  }
0x97: {  	_ =	strace $0x8FFFFFFF  }
0x98: {  	s19 =	sld [smem:$0x3FDB];
	_ =	sdelay $0x1  }
0x99: {  	s4 =	simm.s32 $_scs_section_size  }
0x9a: {  	s5 =	simm.s32 $_size__tile_overlayer_lowered;
	s6 =	simm.s32 $_tile_overlayer_lowered  }
0x9b: {  	s22 =	simm.s32 $0x1BFF;
	s21 =	sshll.u32 s6, $0x1;
	s3 =	sadd.s32 s4, s19  }
0x9c: {  	s7 =	simm.s32 $0x0;
	s20 =	sshll.u32 s5, $0x1;
	s5 =	sadd.s32 s21, s3  }
0x9d: {  	[timem:s7], [sflag:s22] =	dma.local [hbm:s5], s20  }
0x9e: {  	_ =	swait.ge [sflag:s22], s20  }
0x9f: {  	s4 =	ssub.s32 $0x0, s20;
	[sflag:s22] =	ssyncset.done $0x0  }
0xa0: {  	[sflag:s22] =	ssyncadd.s32 s4;
	_ =	sdelay $0x1  }
0xa1: {  	s23 =	simm.s32 $0x1B8B  }
0xa2: {  	_ =	swait.ge [sflag:s23], $0x1  }
0xa3: {  	[sflag:s23] =	ssyncset.done $0x0  }
0xa4: {  	s25 =	simm.s32 $0x1B8E;
	s24 =	sld [smem:$0x3FFE];
	[sflag:s23] =	ssyncadd.s32 $0xFFFFFFFF  }
0xa5: {  	s26 =	simm.s32 $execute0_lowered;
	[smem:$0x3FD2] =	sst s25  }
0xa6: {  	s5 =	sshll.u32 s26, $0x1;
	_ =	strace $0x80000046;
	[dreg:$0x1] =	wrdreg $0xFFFFFFFF  }
0xa7: {  	s28 =	simm.s32 $_size_execute0_lowered;
	s3 =	sadd.s32 s3, s5;
	[dreg:$0x0] =	wrdreg $0x0  }
0xa8: {  	s5 =	sshll.u32 s28, $0x1;
	[dreg:$0x2] =	wrdreg s3  }
0xa9: {  	[dreg:$0x3] =	wrdreg s5  }
0xaa: {  	[dreg:$0x4] =	wrdreg $0xC0  }
0xab: {  	_ =	task [dreg:s7], $0x5FFFF  }
0xac: {  	[dreg:$0x1] =	wrdreg $0xFFFFFFFF  }
0xad: {  	[dreg:$0x0] =	wrdreg $0x60  }
0xae: {  	[dreg:$0x2] =	wrdreg s24  }
0xaf: {  	[dreg:$0x3] =	wrdreg s2  }
0xb0: {  	[dreg:$0x4] =	wrdreg $0x9  }
0xb1: {  	_ =	task.clear_ibuf [dreg:s7], $0x5FFFF;
	_ =	strace $0x90000046  }
0xb2: {  	s29 =	simm.s32 $0x9;
	_ =	strace $0x80000048  }
0xb3: {  	_ =	swait.ge [sflag:s29], $0x1  }
0xb4: {  	[sflag:s29] =	ssyncadd.s32 $0xFFFFFFFF  }
0xb5: {  	_ =	strace $0x90000048  }
0xb6: {  	_ =	sfence  }
0xb7: {  	s30 =	sld [smem:$0x0];
	_ =	sdelay $0x2  }
0xb8: {  	s31 =	sshll.u32 s1, $0xD;
	s1 =	sshrl.u32 s1, $0x2  }
0xb9: {  	s3 =	sand.u32 $0x4000, s31;
	s1 =	sadd.s32 s1, s30  }
0xba: {  	s0 =	sor.u32 s3, s0;
	s1 =	sshll.u32 s1, $0x11  }
0xbb: {  	s0 =	sor.u32 s1, s0  }
0xbc: {  	s0 =	sadd.s32 $0x8F2B, s0  }
0xbd: {  	[sflag:s0] =	ssyncadd.remote.s32 $0x1  }
0xbe: {  	_ =	sfence.sel $0xFFFF  }
0xbf: {  	[dreg:$0x0] =	wrdreg $0xFFFFFFFF;
	(pc) =	sbr.abs _section_cstart, $3  }
0xc0: {  	[dreg:$0x1] =	wrdreg $0xFFFFFFFF  }
0xc1: {  	_ =	task.clear_ibuf [dreg:s7], $0x2FFFF;
	_ =	strace $0x9FFFFFFF  }
0xc2: {  	(tm) =	ssettm $0x7FFFFFFF  }
0xc3: {  	_ =	shalt  }
tec
execute0_lowered:
.L_overlay_start_1:
0x0: {  	(tag) =	ssettag $0x1  }
0x1: {  	s0 =	rddreg [dreg:$0x0];
	s1 =	srdreg.scid  }
0x2: {  	s2 =	stileid.u32;
	s30 =	rddreg [dreg:$0x1];
	s3 =	simm.s32 $0x0  }
0x3: {  	s16 =	simm.s32 $0x3000;
	s18 =	simm.s32 $0x10;
	s9 =	simm.s32 $0x5000  }
0x4: {  	s12 =	simm.s32 $0x6000;
	s13 =	simm.s32 $0x7000;
	s14 =	simm.s32 $0x8000  }
0x5: {  	s15 =	simm.s32 $0x9000;
	s28 =	simm.s32 $0x2;
	s11 =	simm.s32 $0x173F0  }
0x6: {  	s1 =	sand.u32 $0x1, s1;
	[smem:$0x7FF] =	sst s3;
	s7 =	sadd.s32 $0x8000, s0  }
0x7: {  	v0 =	vimm.s32 $0x52741630;
	s20 =	sadd.s32 $0xB000, s0;
	_ =	strace $0x80000047;
	[dreg:$0x3] =	wrdreg s7  }
0x8: {  	v3 =	vimm.s32 $0x63052741;
	s2 =	sshll.u32 s2, $0x1;
	s21 =	sadd.s32 $0x2200, s0;
	v2 =	vunpack.c.l.s4.s8 v0;
	[dreg:$0x4] =	wrdreg s20  }
0x9: {  	s31 =	sadd.s32 $0x5000, s0;
	s8 =	sadd.s32 $0xA00, s0;
	v0 =	vlaneseq.u32;
	v5 =	vunpack.c.l.s4.s8 v3;
	v3 =	vimm.s32 $0x74163052;
	[dreg:$0x5] =	wrdreg s21  }
0xa: {  	s2 =	sor.u32 s1, s2;
	s1 =	ssub.s32 $0x2, s1;
	[dreg:$0x6] =	wrdreg s8;
	v1 =	vmul.u32 $0x3, v0;
	v4 =	vand.u32 $0x3, v0;
	v7 =	vunpack.c.l.s4.s8 v3  }
0xb: {  	v3 =	vmul.u32 $0x2, v0;
	v10 =	vor.u32 $0x10, v0;
	v11 =	vor.u32 $0x20, v0;
	s4 =	smul.u32 $0x600, s2;
	s5 =	sshll.u32 s2, $0xA;
	s6 =	sshll.u32 s2, $0x9  }
0xc: {  	v12 =	vor.u32 $0x30, v0;
	v13 =	vor.u32 $0x40, v0;
	v14 =	vor.u32 $0x50, v0;
	s24 =	sshll.u32 s2, $0xC;
	s5 =	sadd.s32 s5, s0;
	s6 =	sadd.s32 s6, s0  }
0xd: {  	v15 =	vor.u32 $0x60, v0;
	v16 =	vor.u32 $0x70, v0;
	v17 =	vor.u32 $0x80, v0;
	[dreg:$0x8] =	wrdreg s24;
	s4 =	sadd.s32 s4, s0;
	s0 =	sadd.s32 $0xE000, s0  }
0xe: {  	s8 =	simm.s32 $0xA000;
	v18 =	vor.u32 $0x90, v0;
	v19 =	vor.u32 $0xA0, v0;
	v20 =	vor.u32 $0xB0, v0;
	s26 =	sadd.s32 $0x25E00, s5;
	[dreg:$0x7] =	wrdreg s0  }
0xf: {  	v21 =	vor.u32 $0xC0, v0;
	v22 =	vor.u32 $0xD0, v0;
	v23 =	vor.u32 $0xE0, v0;
	s22 =	sshrl.u32 s1, $0x1;
	s29 =	sadd.s32 $0x15E00, s6;
	[dreg:$0xa] =	wrdreg s26  }
0x10: {  	v24 =	vor.u32 $0xF0, v0;
	v2 =	vunpack.c.0.s8.s32 v2;
	v8 =	vmul.u32 $0x2, v4;
	s23 =	ssub.s32 s1, s22;
	s25 =	sadd.s32 $0x19E00, s4;
	[dreg:$0xb] =	wrdreg s29  }
0x11: {  	v5 =	vunpack.c.0.s8.s32 v5;
	s2 =	simm.s32 $0x0;
	v4 =	vadd.s32 $0x1, v1;
	v6 =	vadd.s32 $0x2, v1;
	s0 =	smax.u32 s23, $0x1;
	[dreg:$0x9] =	wrdreg s25  }
0x12: {  	v7 =	vunpack.c.0.s8.s32 v7;
	v9 =	vor.u32 $0x1, v3;
	v8 =	vor.u32 $0xFFFFFFF8, v8;
	s23 =	simm.s32 $0x1;
	[dreg:$0xc] =	wrdreg s0;
	s25 =	simm.s32 $0x13400  }
.LBB2_1:
0x13: {  	[dreg:$0xd] =	wrdreg s2  }
0x14: {  	s0 =	rddreg [dreg:$0x9];
	s1 =	simm.s32 $0x5  }
0x15: {  	[tilespmem:s3], [sflag:$0x5] =	stream.linear.gather [hbm4b:s0+s3], $0x3000, $0x38;
	[tilespmem:$0x1B3E0] =	vst v63  }
0x16: {  	_ =	swait.ge [sflag:s1], $0x3000  }
0x17: {  	[sflag:s1] =	ssyncset.done $0x0  }
0x18: {  	s24 =	rddreg [dreg:$0xa];
	[sflag:s1] =	ssyncadd.s32 $0xFFFFD000  }
0x19: {  	[tilespmem:s16], [sflag:$0x5] =	stream.linear.gather [hbm4b:s24+s3], $0x2000, $0x38;
	[tilespmem:$0x1B3E0] =	vst v63  }
0x1a: {  	v25 =	vadd.s32 s3, v1;
	_ =	swait.ge [sflag:s1], $0x2000  }
0x1b: {  	v25 =	vand.u32 $0x7FF8, v25;
	[sflag:s1] =	ssyncset.done $0x0  }
0x1c: {  	v25 =	vor.u32 v2, v25;
	s26 =	rddreg [dreg:$0xb];
	[sflag:s1] =	ssyncadd.s32 $0xFFFFE000  }
0x1d: {  	[tilespmem:s8], [sflag:$0x5] =	stream.linear.gather [hbm4b:s26+s3], $0x1000, $0x38;
	[tilespmem:$0x1B3E0] =	vst v63  }
0x1e: {  	_ =	swait.ge [sflag:s1], $0x1000  }
0x1f: {  	[sflag:s1] =	ssyncset.done $0x0  }
0x20: {  	v26 =	vadd.s32 s3, v4;
	[sflag:s1] =	ssyncadd.s32 $0xFFFFF000  }
0x21: {  	v26 =	vand.u32 $0x7FF8, v26;
	v25 =	vld.idx.msk [tilespmem:v25+s3+$0x0], $0xffff  }
0x22: {  	v26 =	vor.u32 v5, v26;
	_ =	sdelay $0x3  }
0x23: {  	[tilespmem:s9+$0x0] =	vst v25;
	v25 =	vadd.s32 s3, v6  }
0x24: {  	v26 =	vld.idx.msk [tilespmem:v26+s3+$0x0], $0xffff;
	v25 =	vand.u32 $0x7FF8, v25  }
0x25: {  	v25 =	vor.u32 v7, v25;
	_ =	sdelay $0x3  }
0x26: {  	[tilespmem:s12+$0x0] =	vst v26  }
0x27: {  	v26 =	vor.u32 s3, v3;
	v25 =	vld.idx.msk [tilespmem:v25+s3+$0x0], $0xffff  }
0x28: {  	v26 =	vand.u32 v8, v26;
	_ =	sdelay $0x3  }
0x29: {  	[tilespmem:s13+$0x0] =	vst v25  }
0x2a: {  	v25 =	vld.idx.msk [tilespmem:v26+s16+$0x0], $0xffff  }
0x2b: {  	v26 =	vor.u32 s3, v9;
	_ =	sdelay $0x2  }
0x2c: {  	s29 =	simm.s32 $0x30  }
0x2d: {  	[tilespmem:s14+$0x0] =	vst v25;
	v25 =	vadd.s32 s29, v1  }
0x2e: {  	v26 =	vld.idx.msk [tilespmem:v26+s16+$0x0], $0xffff;
	v25 =	vand.u32 $0x7FF8, v25  }
0x2f: {  	v25 =	vor.u32 v2, v25;
	_ =	sdelay $0x3  }
0x30: {  	[tilespmem:s15+$0x0] =	vst v26;
	v26 =	vadd.s32 s29, v4  }
0x31: {  	v25 =	vld.idx.msk [tilespmem:v25+s3+$0x0], $0xffff;
	v26 =	vand.u32 $0x7FF8, v26  }
0x32: {  	v26 =	vor.u32 v5, v26;
	_ =	sdelay $0x2  }
0x33: {  	s0 =	simm.s32 $0x5010  }
0x34: {  	[tilespmem:s0+$0x0] =	vst v25;
	v25 =	vadd.s32 s29, v6  }
0x35: {  	v26 =	vld.idx.msk [tilespmem:v26+s3+$0x0], $0xffff;
	v25 =	vand.u32 $0x7FF8, v25  }
0x36: {  	v25 =	vor.u32 v7, v25;
	_ =	sdelay $0x2  }
0x37: {  	s1 =	simm.s32 $0x6010  }
0x38: {  	s2 =	simm.s32 $0x20;
	[tilespmem:s1+$0x0] =	vst v26  }
0x39: {  	v26 =	vor.u32 s2, v3;
	v25 =	vld.idx.msk [tilespmem:v25+s3+$0x0], $0xffff  }
0x3a: {  	v26 =	vand.u32 v8, v26;
	_ =	sdelay $0x2  }
0x3b: {  	s4 =	simm.s32 $0x7010  }
0x3c: {  	[tilespmem:s4+$0x0] =	vst v25  }
0x3d: {  	v25 =	vld.idx.msk [tilespmem:v26+s16+$0x0], $0xffff  }
0x3e: {  	v27 =	vor.u32 s2, v9;
	_ =	sdelay $0x2  }
0x3f: {  	s5 =	simm.s32 $0x8010  }
0x40: {  	s6 =	simm.s32 $0x60;
	[tilespmem:s5+$0x0] =	vst v25  }
0x41: {  	s10 =	simm.s32 $0x90;
	s7 =	simm.s32 $0x9000;
	v26 =	vadd.s32 s6, v1;
	v25 =	vld.idx.msk [tilespmem:v27+s16+$0x0], $0xffff  }
.LBB2_2:
0x42: {  	p0 =	sne.s32 s10, $0x2FD0;
	v26 =	vand.u32 $0x7FF8, v26  }
0x43: {  	v26 =	vor.u32 v2, v26;
	_ =	sdelay $0x2  }
0x44: {  	s7 =	sadd.s32 $0x10, s7  }
0x45: {  	[tilespmem:s7+$0x0] =	vst v25  }
0x46: {  	v25 =	vld.idx.msk [tilespmem:v26+s3+$0x0], $0xffff;
	v26 =	vadd.s32 s6, v4  }
0x47: {  	v26 =	vand.u32 $0x7FF8, v26  }
0x48: {  	v26 =	vor.u32 v5, v26;
	_ =	sdelay $0x2  }
0x49: {  	s0 =	sadd.s32 $0x10, s0  }
0x4a: {  	[tilespmem:s0+$0x0] =	vst v25  }
0x4b: {  	v25 =	vld.idx.msk [tilespmem:v26+s3+$0x0], $0xffff;
	v26 =	vadd.s32 s6, v6;
	s6 =	smov.u32 s10  }
0x4c: {  	v26 =	vand.u32 $0x7FF8, v26  }
0x4d: {  	v26 =	vor.u32 v7, v26;
	_ =	sdelay $0x2  }
0x4e: {  	s1 =	sadd.s32 $0x10, s1  }
0x4f: {  	[tilespmem:s1+$0x0] =	vst v25  }
0x50: {  	s2 =	sadd.s32 $0x20, s2;
	v25 =	vld.idx.msk [tilespmem:v26+s3+$0x0], $0xffff  }
0x51: {  	v26 =	vor.u32 s2, v3  }
0x52: {  	v26 =	vand.u32 v8, v26;
	_ =	sdelay $0x2  }
0x53: {  	s4 =	sadd.s32 $0x10, s4  }
0x54: {  	[tilespmem:s4+$0x0] =	vst v25  }
0x55: {  	v25 =	vld.idx.msk [tilespmem:v26+s16+$0x0], $0xffff;
	_ =	sdelay $0x1  }
0x56: {  	v27 =	vor.u32 s2, v9  }
.Ltmp0:
0x57: {  	(pc) =	sbr.rel @p0 .LBB2_2-.Ltmp0, $4  }
0x58: {  	_ = 	snop  }
0x59: {  	s5 =	sadd.s32 $0x10, s5  }
0x5a: {  	[tilespmem:s5+$0x0] =	vst v25  }
0x5b: {  	s10 =	sadd.s32 $0x30, s10;
	v26 =	vadd.s32 s6, v1;
	v25 =	vld.idx.msk [tilespmem:v27+s16+$0x0], $0xffff  }
0x5c: {  	v26 =	vand.u32 $0x7FF8, v26  }
0x5d: {  	v26 =	vor.u32 v2, v26;
	_ =	sdelay $0x2  }
0x5e: {  	s7 =	sadd.s32 $0x10, s7  }
0x5f: {  	[tilespmem:s7+$0x0] =	vst v25;
	v25 =	vadd.s32 s6, v4  }
0x60: {  	v25 =	vand.u32 $0x7FF8, v25;
	v26 =	vld.idx.msk [tilespmem:v26+s3+$0x0], $0xffff  }
0x61: {  	v25 =	vor.u32 v5, v25;
	_ =	sdelay $0x2  }
0x62: {  	s0 =	sadd.s32 $0x10, s0  }
0x63: {  	[tilespmem:s0+$0x0] =	vst v26;
	v26 =	vadd.s32 s6, v6  }
0x64: {  	v25 =	vld.idx.msk [tilespmem:v25+s3+$0x0], $0xffff;
	v26 =	vand.u32 $0x7FF8, v26  }
0x65: {  	v26 =	vor.u32 v7, v26;
	_ =	sdelay $0x2  }
0x66: {  	s1 =	sadd.s32 $0x10, s1  }
0x67: {  	s2 =	sadd.s32 $0x20, s2;
	[tilespmem:s1+$0x0] =	vst v25  }
0x68: {  	v25 =	vld.idx.msk [tilespmem:v26+s3+$0x0], $0xffff;
	v26 =	vor.u32 s2, v3  }
0x69: {  	v26 =	vand.u32 v8, v26;
	_ =	sdelay $0x2  }
0x6a: {  	s4 =	sadd.s32 $0x10, s4  }
0x6b: {  	[tilespmem:s4+$0x0] =	vst v25  }
0x6c: {  	v25 =	vld.idx.msk [tilespmem:v26+s16+$0x0], $0xffff  }
0x6d: {  	v26 =	vor.u32 s2, v9;
	_ =	sdelay $0x2  }
0x6e: {  	s5 =	sadd.s32 $0x10, s5  }
0x6f: {  	[tilespmem:s5+$0x0] =	vst v25  }
0x70: {  	v25 =	vld.idx.msk [tilespmem:v26+s16+$0x0], $0xffff;
	_ =	sdelay $0x3  }
0x71: {  	s6 =	sadd.s32 $0x10, s7  }
0x72: {  	s7 =	simm.s32 $0xB000;
	[tilespmem:s6+$0x0] =	vst v25  }
0x73: {  	[tilespmem:s7], [sflag:$0x1] =	stream.indirect.gather [hbm4b:s31+s18], $0x60, s9, s18, $0xb8;
	[tilespmem:$0x1B3E0] =	vst v63  }
0x74: {  	s10 =	simm.s32 $0xB600;
	s9 =	rddreg [dreg:$0x3]  }
0x75: {  	[tilespmem:s10], [sflag:$0x1] =	stream.indirect.gather [hbm4b:s9+s18], $0x60, s12, s18, $0xb8;
	[tilespmem:$0x1B3E0] =	vst v63  }
0x76: {  	s17 =	rddreg [dreg:$0x4];
	s19 =	simm.s32 $0xBC00  }
0x77: {  	[tilespmem:s19], [sflag:$0x1] =	stream.indirect.gather [hbm4b:s17+s18], $0x60, s13, s18, $0xb8;
	[tilespmem:$0x1B3E0] =	vst v63  }
0x78: {  	s20 =	rddreg [dreg:$0x5];
	s21 =	simm.s32 $0xC200  }
0x79: {  	[tilespmem:s21], [sflag:$0x1] =	stream.indirect.gather [hbm4b:s20+s18], $0x100, s14, s18, $0xb8;
	[tilespmem:$0x1B3E0] =	vst v63  }
0x7a: {  	s22 =	rddreg [dreg:$0x6];
	s24 =	simm.s32 $0xD200  }
0x7b: {  	[tilespmem:s24], [sflag:$0x1] =	stream.indirect.gather [hbm4b:s22+s18], $0x100, s15, s18, $0xb8;
	[tilespmem:$0x1B3E0] =	vst v63  }
0x7c: {  	s26 =	rddreg [dreg:$0x7];
	s29 =	simm.s32 $0xE200;
	s12 =	simm.s32 $0x0  }
0x7d: {  	[tilespmem:s29], [sflag:$0x1] =	stream.indirect.gather [hbm4b:s26+s18], $0x100, s8, s18, $0xb8;
	[tilespmem:$0x1B3E0] =	vst v63  }
.LBB2_4:
0x7e: {  	s15 =	sshll.u32 s12, $0x5  }
0x7f: {  	s1 =	simm.s32 $0xF200;
	s0 =	sadd.s32 $0x5010, s15  }
0x80: {  	[tilespmem:s1], [sflag:$0x2] =	stream.indirect.gather [hbm4b:s31+s18], $0x60, s0, s18, $0xb8;
	[tilespmem:$0x1B3E0] =	vst v63  }
0x81: {  	s21 =	rddreg [dreg:$0x3];
	s2 =	simm.s32 $0xF800;
	s20 =	sadd.s32 $0x6010, s15  }
0x82: {  	[tilespmem:s2], [sflag:$0x2] =	stream.indirect.gather [hbm4b:s21+s18], $0x60, s20, s18, $0xb8;
	[tilespmem:$0x1B3E0] =	vst v63  }
0x83: {  	s24 =	rddreg [dreg:$0x4];
	s26 =	simm.s32 $0xFE00;
	s22 =	sadd.s32 $0x7010, s15  }
0x84: {  	[tilespmem:s26], [sflag:$0x2] =	stream.indirect.gather [hbm4b:s24+s18], $0x60, s22, s18, $0xb8;
	[tilespmem:$0x1B3E0] =	vst v63  }
0x85: {  	s4 =	rddreg [dreg:$0x5];
	s5 =	simm.s32 $0x10400;
	s2 =	sadd.s32 $0x8010, s15  }
0x86: {  	[tilespmem:s5], [sflag:$0x2] =	stream.indirect.gather [hbm4b:s4+s18], $0x100, s2, s18, $0xb8;
	[tilespmem:$0x1B3E0] =	vst v63  }
0x87: {  	s7 =	rddreg [dreg:$0x6];
	s8 =	simm.s32 $0x11400;
	s6 =	sadd.s32 $0x9010, s15  }
0x88: {  	[tilespmem:s8], [sflag:$0x2] =	stream.indirect.gather [hbm4b:s7+s18], $0x100, s6, s18, $0xb8;
	[tilespmem:$0x1B3E0] =	vst v63  }
0x89: {  	s14 =	rddreg [dreg:$0x7];
	s17 =	simm.s32 $0x12400;
	s10 =	sadd.s32 $0xA010, s15  }
0x8a: {  	[tilespmem:s17], [sflag:$0x2] =	stream.indirect.gather [hbm4b:s14+s18], $0x100, s10, s18, $0xb8;
	[tilespmem:$0x1B3E0] =	vst v63  }
0x8b: {  	_ =	swait.ge [sflag:s23], $0x600  }
0x8c: {  	[sflag:s23] =	ssyncset.done $0x0  }
0x8d: {  	[sflag:s23] =	ssyncadd.s32 $0xFFFFFA00  }
0x8e: {  	_ =	swait.ge [sflag:s23], $0x600  }
0x8f: {  	[sflag:s23] =	ssyncset.done $0x0  }
0x90: {  	[sflag:s23] =	ssyncadd.s32 $0xFFFFFA00  }
0x91: {  	_ =	swait.ge [sflag:s23], $0x600  }
0x92: {  	[sflag:s23] =	ssyncset.done $0x0  }
0x93: {  	[sflag:s23] =	ssyncadd.s32 $0xFFFFFA00  }
0x94: {  	_ =	swait.ge [sflag:s23], $0x1000  }
0x95: {  	[sflag:s23] =	ssyncset.done $0x0  }
0x96: {  	[sflag:s23] =	ssyncadd.s32 $0xFFFFF000  }
0x97: {  	_ =	swait.ge [sflag:s23], $0x1000  }
0x98: {  	[sflag:s23] =	ssyncset.done $0x0  }
0x99: {  	[sflag:s23] =	ssyncadd.s32 $0xFFFFF000  }
0x9a: {  	_ =	swait.ge [sflag:s23], $0x1000  }
0x9b: {  	p0 =	seq.s32 s12, $0x0;
	[sflag:s23] =	ssyncset.done $0x0  }
0x9c: {  	s0 =	simm.s32 @!p0 $0x3;
	[sflag:s23] =	ssyncadd.s32 $0xFFFFF000  }
0x9d: {  	_ =	swait.ge @!p0 [sflag:s0], $0x3FF0  }
0x9e: {  	[sflag:s0] =	ssyncset.done @!p0 $0x0  }
0x9f: {  	s19 =	simm.s32 $0xB630;
	[sflag:s0] =	ssyncadd.s32 @!p0 $0xFFFFC010  }
0xa0: {  	v25 =	vld [tilespmem:s19+$0xFFFFFFE0]  }
0xa1: {  	s20 =	simm.s32 $0xB030;
	s21 =	simm.s32 $0x0;
	v26 =	vld [tilespmem:s19+$0xFFFFFFD0]  }
0xa2: {  	v28 =	vadd.s32 s21, v0;
	v29 =	vld [tilespmem:s20+$0xFFFFFFD0]  }
0xa3: {  	v30 =	vadd.s32 s21, v10;
	v31 =	vld [tilespmem:s20+$0xFFFFFFE0]  }
0xa4: {  	v32 =	vadd.s32 s21, v11;
	v33 =	vld [tilespmem:s20+$0xFFFFFFF0]  }
0xa5: {  	v34 =	vadd.s32 s21, v12;
	v35 =	vld [tilespmem:s20+$0x0]  }
0xa6: {  	v36 =	vadd.s32 s21, v13;
	v37 =	vld [tilespmem:s20+$0x10]  }
0xa7: {  	v38 =	vadd.s32 s21, v14;
	s22 =	simm.s32 $0x55;
	v27 =	vld [tilespmem:s20+$0x20];
	[tilespmem:v28+s25+$0x0] =	vst.idx.msk $0xffff, v29  }
0xa8: {  	v28 =	vadd.s32 s22, v0;
	[tilespmem:v30+s25+$0x0] =	vst.idx.msk $0xffff, v31  }
0xa9: {  	v29 =	vadd.s32 s22, v10;
	[tilespmem:v32+s25+$0x0] =	vst.idx.msk $0xffff, v33  }
0xaa: {  	[tilespmem:v34+s25+$0x0] =	vst.idx.msk $0xffff, v35  }
0xab: {  	[tilespmem:v36+s25+$0x0] =	vst.idx.msk $0xffff, v37  }
0xac: {  	[tilespmem:v38+s25+$0x0] =	vst.idx.msk $0xffff, v27  }
0xad: {  	[tilespmem:v28+s25+$0x0] =	vst.idx.msk $0xffff, v26  }
0xae: {  	s24 =	simm.s32 $0xBC30;
	[tilespmem:v29+s25+$0x0] =	vst.idx.msk $0xffff, v25  }
0xaf: {  	v25 =	vld [tilespmem:s24+$0xFFFFFFD0]  }
0xb0: {  	v26 =	vld [tilespmem:s19+$0x0]  }
0xb1: {  	v28 =	vadd.s32 s22, v11;
	v29 =	vld [tilespmem:s19+$0xFFFFFFF0]  }
0xb2: {  	v31 =	vadd.s32 s22, v12;
	v27 =	vld [tilespmem:s19+$0x20]  }
0xb3: {  	v40 =	vadd.s32 s22, v13;
	v32 =	vld [tilespmem:s19+$0x10]  }
0xb4: {  	s26 =	simm.s32 $0xAA;
	v41 =	vadd.s32 s22, v14;
	v30 =	vld [tilespmem:s24+$0x0]  }
0xb5: {  	v42 =	vadd.s32 s26, v0;
	v35 =	vld [tilespmem:s24+$0xFFFFFFF0]  }
0xb6: {  	v43 =	vadd.s32 s26, v10;
	v37 =	vld [tilespmem:s24+$0xFFFFFFE0];
	[tilespmem:v28+s25+$0x0] =	vst.idx.msk $0xffff, v29  }
0xb7: {  	v28 =	vadd.s32 s26, v11;
	[tilespmem:v31+s25+$0x0] =	vst.idx.msk $0xffff, v26  }
0xb8: {  	v26 =	vadd.s32 s26, v12;
	[tilespmem:v40+s25+$0x0] =	vst.idx.msk $0xffff, v32  }
0xb9: {  	[tilespmem:v41+s25+$0x0] =	vst.idx.msk $0xffff, v27  }
0xba: {  	[tilespmem:v42+s25+$0x0] =	vst.idx.msk $0xffff, v25  }
0xbb: {  	[tilespmem:v43+s25+$0x0] =	vst.idx.msk $0xffff, v37  }
0xbc: {  	[tilespmem:v28+s25+$0x0] =	vst.idx.msk $0xffff, v35  }
0xbd: {  	s4 =	simm.s32 $0xC280;
	[tilespmem:v26+s25+$0x0] =	vst.idx.msk $0xffff, v30  }
0xbe: {  	v25 =	vld [tilespmem:s4+$0xFFFFFF80]  }
0xbf: {  	v26 =	vld [tilespmem:s4+$0xFFFFFF90]  }
0xc0: {  	v28 =	vadd.s32 s26, v13;
	v29 =	vld [tilespmem:s24+$0x10]  }
0xc1: {  	s5 =	simm.s32 $0xFF;
	v30 =	vadd.s32 s26, v14;
	v31 =	vld [tilespmem:s24+$0x20]  }
0xc2: {  	v44 =	vadd.s32 s5, v0;
	v27 =	vld [tilespmem:s4+$0xFFFFFFD0]  }
0xc3: {  	v45 =	vadd.s32 s5, v10;
	v33 =	vld [tilespmem:s4+$0xFFFFFFB0]  }
0xc4: {  	v46 =	vadd.s32 s5, v11;
	v37 =	vld [tilespmem:s4+$0xFFFFFFA0]  }
0xc5: {  	v47 =	vadd.s32 s5, v12;
	v35 =	vld [tilespmem:s4+$0xFFFFFFC0];
	[tilespmem:v28+s25+$0x0] =	vst.idx.msk $0xffff, v29  }
0xc6: {  	v28 =	vadd.s32 s5, v13;
	[tilespmem:v30+s25+$0x0] =	vst.idx.msk $0xffff, v31  }
0xc7: {  	v29 =	vadd.s32 s5, v14;
	[tilespmem:v44+s25+$0x0] =	vst.idx.msk $0xffff, v25  }
0xc8: {  	[tilespmem:v45+s25+$0x0] =	vst.idx.msk $0xffff, v26  }
0xc9: {  	[tilespmem:v46+s25+$0x0] =	vst.idx.msk $0xffff, v37  }
0xca: {  	[tilespmem:v47+s25+$0x0] =	vst.idx.msk $0xffff, v33  }
0xcb: {  	s6 =	simm.s32 $0xB090;
	[tilespmem:v28+s25+$0x0] =	vst.idx.msk $0xffff, v35  }
0xcc: {  	v52 =	vld [tilespmem:s6+$0x10];
	[tilespmem:v29+s25+$0x0] =	vst.idx.msk $0xffff, v27  }
0xcd: {  	v25 =	vld [tilespmem:s4+$0x10]  }
0xce: {  	v26 =	vld [tilespmem:s4+$0x40]  }
0xcf: {  	v28 =	vadd.s32 s5, v15;
	v29 =	vld [tilespmem:s4+$0xFFFFFFE0]  }
0xd0: {  	v30 =	vadd.s32 s5, v16;
	v31 =	vld [tilespmem:s4+$0xFFFFFFF0]  }
0xd1: {  	v48 =	vadd.s32 s5, v17;
	v33 =	vld [tilespmem:s4+$0x0]  }
0xd2: {  	v49 =	vadd.s32 s5, v18;
	v27 =	vld [tilespmem:s4+$0x50]  }
0xd3: {  	v50 =	vadd.s32 s5, v19;
	v35 =	vld [tilespmem:s4+$0x20]  }
0xd4: {  	v51 =	vadd.s32 s5, v20;
	v37 =	vld [tilespmem:s4+$0x30];
	[tilespmem:v28+s25+$0x0] =	vst.idx.msk $0xffff, v29  }
0xd5: {  	v54 =	vld [tilespmem:s6+$0xFFFFFFD0];
	v28 =	vadd.s32 s5, v21;
	[tilespmem:v30+s25+$0x0] =	vst.idx.msk $0xffff, v31  }
0xd6: {  	v42 =	vld [tilespmem:s6+$0xFFFFFFE0];
	v29 =	vadd.s32 s5, v22;
	[tilespmem:v48+s25+$0x0] =	vst.idx.msk $0xffff, v33  }
0xd7: {  	s0 =	simm.s32 $0xB690;
	v44 =	vld [tilespmem:s6+$0xFFFFFFF0];
	[tilespmem:v49+s25+$0x0] =	vst.idx.msk $0xffff, v25  }
0xd8: {  	v30 =	vld [tilespmem:s0+$0xFFFFFFE0];
	[tilespmem:v50+s25+$0x0] =	vst.idx.msk $0xffff, v35  }
0xd9: {  	v31 =	vld [tilespmem:s0+$0xFFFFFFD0];
	[tilespmem:v51+s25+$0x0] =	vst.idx.msk $0xffff, v37  }
0xda: {  	v25 =	vld [tilespmem:s6+$0x20];
	[tilespmem:v28+s25+$0x0] =	vst.idx.msk $0xffff, v26  }
0xdb: {  	s8 =	simm.s32 $0x3FF;
	v26 =	vld [tilespmem:s6+$0x0];
	[tilespmem:v29+s25+$0x0] =	vst.idx.msk $0xffff, v27  }
0xdc: {  	v53 =	vadd.s32 s8, v0;
	v27 =	vld [tilespmem:s4+$0x60]  }
0xdd: {  	s7 =	simm.s32 $0xD280;
	v41 =	vadd.s32 s8, v10;
	v28 =	vld [tilespmem:s4+$0x70]  }
0xde: {  	v55 =	vadd.s32 s5, v23;
	v29 =	vld [tilespmem:s7+$0xFFFFFF80]  }
0xdf: {  	v40 =	vadd.s32 s5, v24;
	v33 =	vld [tilespmem:s7+$0xFFFFFF90]  }
0xe0: {  	v43 =	vadd.s32 s8, v11;
	v34 =	vld [tilespmem:s7+$0xFFFFFFA0]  }
0xe1: {  	v45 =	vadd.s32 s8, v12;
	[tilespmem:v53+s25+$0x0] =	vst.idx.msk $0xffff, v54;
	v37 =	vld [tilespmem:s7+$0xFFFFFFC0]  }
0xe2: {  	v57 =	vadd.s32 s8, v13;
	[tilespmem:v41+s25+$0x0] =	vst.idx.msk $0xffff, v42;
	v39 =	vld [tilespmem:s7+$0xFFFFFFD0]  }
0xe3: {  	s10 =	simm.s32 $0x454;
	v56 =	vld [tilespmem:s7+$0xFFFFFFB0];
	[tilespmem:v55+s25+$0x0] =	vst.idx.msk $0xffff, v27;
	v27 =	vadd.s32 s8, v14  }
0xe4: {  	[tilespmem:v40+s25+$0x0] =	vst.idx.msk $0xffff, v28;
	v28 =	vadd.s32 s10, v0  }
0xe5: {  	s14 =	simm.s32 $0x1FF;
	v58 =	vadd.s32 s10, v10;
	[tilespmem:v43+s25+$0x0] =	vst.idx.msk $0xffff, v44  }
0xe6: {  	v59 =	vadd.s32 s14, v0;
	[tilespmem:v45+s25+$0x0] =	vst.idx.msk $0xffff, v26  }
0xe7: {  	v60 =	vadd.s32 s14, v10;
	[tilespmem:v57+s25+$0x0] =	vst.idx.msk $0xffff, v52  }
0xe8: {  	s29 =	simm.s32 $0xB6F0;
	v61 =	vadd.s32 s14, v11;
	[tilespmem:v27+s25+$0x0] =	vst.idx.msk $0xffff, v25  }
0xe9: {  	v62 =	vadd.s32 s14, v12;
	v26 =	vld [tilespmem:s29+$0xFFFFFFE0];
	[tilespmem:v28+s25+$0x0] =	vst.idx.msk $0xffff, v31  }
0xea: {  	s17 =	simm.s32 $0xBC90;
	v25 =	vld [tilespmem:s29+$0xFFFFFFD0];
	v28 =	vadd.s32 s14, v13;
	[tilespmem:v58+s25+$0x0] =	vst.idx.msk $0xffff, v30  }
0xeb: {  	[tilespmem:v59+s25+$0x0] =	vst.idx.msk $0xffff, v29;
	v29 =	vadd.s32 s14, v14;
	v30 =	vld [tilespmem:s17+$0xFFFFFFD0]  }
0xec: {  	[tilespmem:v60+s25+$0x0] =	vst.idx.msk $0xffff, v33;
	v31 =	vld [tilespmem:s0+$0x0]  }
0xed: {  	[tilespmem:v61+s25+$0x0] =	vst.idx.msk $0xffff, v34;
	v63 =	vld [tilespmem:s0+$0x20]  }
0xee: {  	[tilespmem:v62+s25+$0x0] =	vst.idx.msk $0xffff, v56;
	v33 =	vld [tilespmem:s17+$0x0]  }
0xef: {  	v48 =	vld [tilespmem:s0+$0xFFFFFFF0];
	[tilespmem:v28+s25+$0x0] =	vst.idx.msk $0xffff, v37  }
0xf0: {  	v52 =	vld [tilespmem:s17+$0xFFFFFFF0];
	[tilespmem:v29+s25+$0x0] =	vst.idx.msk $0xffff, v39;
	v29 =	vadd.s32 s10, v11  }
0xf1: {  	v49 =	vadd.s32 s10, v12;
	v42 =	vld [tilespmem:s17+$0xFFFFFFE0]  }
0xf2: {  	v50 =	vadd.s32 s10, v13;
	v28 =	vld [tilespmem:s0+$0x10]  }
0xf3: {  	s19 =	simm.s32 $0x4A9;
	v51 =	vadd.s32 s10, v14;
	v36 =	vld [tilespmem:s7+$0xFFFFFFE0]  }
0xf4: {  	v53 =	vadd.s32 s19, v0;
	v38 =	vld [tilespmem:s7+$0xFFFFFFF0]  }
0xf5: {  	v58 =	vadd.s32 s14, v15;
	v55 =	vld [tilespmem:s7+$0x0];
	[tilespmem:v29+s25+$0x0] =	vst.idx.msk $0xffff, v48  }
0xf6: {  	v54 =	vadd.s32 s19, v10;
	v57 =	vld [tilespmem:s7+$0x20];
	[tilespmem:v49+s25+$0x0] =	vst.idx.msk $0xffff, v31  }
0xf7: {  	v59 =	vld [tilespmem:s7+$0x30];
	v29 =	vadd.s32 s19, v11;
	[tilespmem:v50+s25+$0x0] =	vst.idx.msk $0xffff, v28  }
0xf8: {  	v56 =	vadd.s32 s19, v12;
	v62 =	vld [tilespmem:s7+$0x50];
	[tilespmem:v51+s25+$0x0] =	vst.idx.msk $0xffff, v63  }
0xf9: {  	v60 =	vadd.s32 s14, v16;
	v31 =	vld [tilespmem:s7+$0x10];
	[tilespmem:v53+s25+$0x0] =	vst.idx.msk $0xffff, v30  }
0xfa: {  	s9 =	smov.u32 s30;
	s30 =	simm.s32 $0xB0F0;
	v61 =	vadd.s32 s14, v17;
	v30 =	vld [tilespmem:s7+$0x40];
	[tilespmem:v58+s25+$0x0] =	vst.idx.msk $0xffff, v36  }
0xfb: {  	v27 =	vld [tilespmem:s30+$0x20];
	v63 =	vadd.s32 s14, v18;
	[tilespmem:v54+s25+$0x0] =	vst.idx.msk $0xffff, v42  }
0xfc: {  	v48 =	vadd.s32 s14, v19;
	v28 =	vld [tilespmem:s30+$0x10];
	[tilespmem:v29+s25+$0x0] =	vst.idx.msk $0xffff, v52  }
0xfd: {  	s22 =	simm.s32 $0xC380;
	v49 =	vadd.s32 s14, v20;
	v29 =	vld [tilespmem:s30+$0x0];
	[tilespmem:v56+s25+$0x0] =	vst.idx.msk $0xffff, v33  }
0xfe: {  	v50 =	vadd.s32 s14, v21;
	[tilespmem:v60+s25+$0x0] =	vst.idx.msk $0xffff, v38;
	v35 =	vld [tilespmem:s22+$0xFFFFFF80]  }
0xff: {  	v51 =	vadd.s32 s14, v22;
	[tilespmem:v61+s25+$0x0] =	vst.idx.msk $0xffff, v55;
	v44 =	vld [tilespmem:s22+$0xFFFFFF90]  }
0x100: {  	v52 =	vadd.s32 s19, v13;
	v53 =	vld [tilespmem:s17+$0x10];
	[tilespmem:v63+s25+$0x0] =	vst.idx.msk $0xffff, v31  }
0x101: {  	s2 =	simm.s32 $0x4FE;
	v31 =	vadd.s32 s19, v14;
	v54 =	vld [tilespmem:s17+$0x20];
	[tilespmem:v48+s25+$0x0] =	vst.idx.msk $0xffff, v57  }
0x102: {  	v55 =	vadd.s32 s2, v0;
	v39 =	vld [tilespmem:s22+$0xFFFFFFD0];
	[tilespmem:v49+s25+$0x0] =	vst.idx.msk $0xffff, v59  }
0x103: {  	v56 =	vld [tilespmem:s22+$0xFFFFFFB0];
	v57 =	vadd.s32 s2, v10;
	[tilespmem:v50+s25+$0x0] =	vst.idx.msk $0xffff, v30  }
0x104: {  	v59 =	vld [tilespmem:s22+$0xFFFFFFA0];
	v30 =	vadd.s32 s2, v11;
	[tilespmem:v51+s25+$0x0] =	vst.idx.msk $0xffff, v62  }
0x105: {  	v60 =	vadd.s32 s2, v12;
	v58 =	vld [tilespmem:s22+$0xFFFFFFC0];
	[tilespmem:v52+s25+$0x0] =	vst.idx.msk $0xffff, v53  }
0x106: {  	v62 =	vadd.s32 s2, v13;
	v61 =	vld [tilespmem:s7+$0x60];
	[tilespmem:v31+s25+$0x0] =	vst.idx.msk $0xffff, v54  }
0x107: {  	s13 =	smov.u32 s31;
	s31 =	simm.s32 $0xE280;
	v46 =	vld [tilespmem:s7+$0x70];
	[tilespmem:v55+s25+$0x0] =	vst.idx.msk $0xffff, v35  }
0x108: {  	v47 =	vadd.s32 s2, v14;
	v50 =	vld [tilespmem:s31+$0xFFFFFF80];
	[tilespmem:v57+s25+$0x0] =	vst.idx.msk $0xffff, v44  }
0x109: {  	v63 =	vadd.s32 s14, v23;
	v43 =	vld [tilespmem:s31+$0xFFFFFF90];
	[tilespmem:v30+s25+$0x0] =	vst.idx.msk $0xffff, v59  }
0x10a: {  	s1 =	simm.s32 $0x2FF;
	v49 =	vadd.s32 s14, v24;
	v41 =	vld [tilespmem:s31+$0xFFFFFFA0];
	[tilespmem:v60+s25+$0x0] =	vst.idx.msk $0xffff, v56  }
0x10b: {  	s26 =	sor.u32 $0x10, s15;
	v51 =	vadd.s32 s1, v0;
	v40 =	vld [tilespmem:s31+$0xFFFFFFB0];
	[tilespmem:v62+s25+$0x0] =	vst.idx.msk $0xffff, v58  }
0x10c: {  	s20 =	simm.s32 $0x7FE;
	v42 =	vld [tilespmem:s31+$0xFFFFFFC0];
	[dreg:$0xe] =	wrdreg s26  }
0x10d: {  	s21 =	simm.s32 $0xE380;
	v32 =	vadd.s32 s20, v12;
	s24 =	simm.s32 $0xD380;
	s5 =	simm.s32 $0xB6F0;
	v34 =	vadd.s32 s20, v13;
	[tilespmem:v47+s25+$0x0] =	vst.idx.msk $0xffff, v39;
	v44 =	vld [tilespmem:s31+$0xFFFFFFD0];
	v47 =	vadd.s32 s1, v10  }
0x10e: {  	s6 =	simm.s32 $0xEFC;
	s4 =	simm.s32 $0xBCF0;
	v45 =	vadd.s32 s1, v14;
	s0 =	simm.s32 $0xAFD;
	v36 =	vadd.s32 s2, v15;
	v48 =	vadd.s32 s1, v11;
	[tilespmem:v63+s25+$0x0] =	vst.idx.msk $0xffff, v61;
	v39 =	vld [tilespmem:s22+$0x10]  }
0x10f: {  	s10 =	simm.s32 $0xBCF0;
	v33 =	vadd.s32 s20, v14;
	s17 =	simm.s32 $0x6FE;
	s19 =	simm.s32 $0xE380;
	v31 =	vadd.s32 s20, v11;
	v37 =	vld [tilespmem:s22+$0x40];
	[tilespmem:v49+s25+$0x0] =	vst.idx.msk $0xffff, v46;
	v49 =	vadd.s32 s1, v12  }
0x110: {  	s14 =	sshll.u32 s12, $0x1;
	v35 =	vadd.s32 s20, v0;
	v30 =	vadd.s32 s20, v10;
	s20 =	simm.s32 $0xD380;
	s26 =	simm.s32 $0xC480;
	v46 =	vadd.s32 s1, v13;
	v38 =	vld [tilespmem:s22+$0x50];
	[tilespmem:v51+s25+$0x0] =	vst.idx.msk $0xffff, v50  }
.LBB2_5:
0x111: {  	s21 =	sadd.s32 $0x100, s21  }
0x112: {  	v50 =	vld [tilespmem:s22+$0xFFFFFFE0];
	s24 =	sadd.s32 $0x100, s24;
	[tilespmem:v47+s25+$0x0] =	vst.idx.msk $0xffff, v43;
	s7 =	smov.u32 s6;
	s8 =	sadd.s32 $0x3FF, s6  }
0x113: {  	p1 =	sne.s32 s6, $0x3EF0;
	v43 =	vadd.s32 s2, v16;
	v47 =	vld [tilespmem:s22+$0xFFFFFFF0];
	[tilespmem:v48+s25+$0x0] =	vst.idx.msk $0xffff, v41  }
0x114: {  	v51 =	vadd.s32 s1, v16;
	v41 =	vadd.s32 s2, v17;
	v48 =	vld [tilespmem:s22+$0x0];
	[tilespmem:v49+s25+$0x0] =	vst.idx.msk $0xffff, v40  }
0x115: {  	v52 =	vadd.s32 s1, v17;
	v40 =	vadd.s32 s2, v18;
	v49 =	vld [tilespmem:s22+$0x20];
	[tilespmem:v46+s25+$0x0] =	vst.idx.msk $0xffff, v42  }
0x116: {  	v53 =	vadd.s32 s1, v18;
	v42 =	vadd.s32 s2, v19;
	v46 =	vld [tilespmem:s22+$0x30];
	[tilespmem:v45+s25+$0x0] =	vst.idx.msk $0xffff, v44  }
0x117: {  	v44 =	vadd.s32 s2, v20;
	[tilespmem:v36+s25+$0x0] =	vst.idx.msk $0xffff, v50;
	v36 =	vadd.s32 s1, v19;
	v45 =	vld [tilespmem:s31+$0x50]  }
0x118: {  	v50 =	vadd.s32 s2, v21;
	[tilespmem:v43+s25+$0x0] =	vst.idx.msk $0xffff, v47;
	v43 =	vadd.s32 s1, v20;
	v47 =	vld [tilespmem:s31+$0xFFFFFFF0]  }
0x119: {  	v54 =	vadd.s32 s2, v22;
	[tilespmem:v41+s25+$0x0] =	vst.idx.msk $0xffff, v48;
	v41 =	vadd.s32 s1, v15;
	v48 =	vadd.s32 s1, v21;
	v55 =	vld [tilespmem:s31+$0xFFFFFFE0]  }
0x11a: {  	[tilespmem:v40+s25+$0x0] =	vst.idx.msk $0xffff, v39;
	v39 =	vadd.s32 s1, v22;
	v40 =	vld [tilespmem:s31+$0x0]  }
0x11b: {  	[tilespmem:v42+s25+$0x0] =	vst.idx.msk $0xffff, v49;
	v42 =	vld [tilespmem:s31+$0x10]  }
0x11c: {  	[tilespmem:v44+s25+$0x0] =	vst.idx.msk $0xffff, v46;
	v44 =	vld [tilespmem:s31+$0x20]  }
0x11d: {  	[tilespmem:v50+s25+$0x0] =	vst.idx.msk $0xffff, v37;
	v37 =	vld [tilespmem:s31+$0x30]  }
0x11e: {  	[tilespmem:v54+s25+$0x0] =	vst.idx.msk $0xffff, v38;
	v38 =	vld [tilespmem:s31+$0x40]  }
0x11f: {  	v46 =	vld [tilespmem:s22+$0x60];
	[tilespmem:v41+s25+$0x0] =	vst.idx.msk $0xffff, v55  }
0x120: {  	v49 =	vadd.s32 s1, v23;
	v41 =	vld [tilespmem:s22+$0x70];
	[tilespmem:v51+s25+$0x0] =	vst.idx.msk $0xffff, v47;
	s22 =	smov.u32 s26  }
0x121: {  	v50 =	vadd.s32 s1, v24;
	s1 =	smov.u32 s17;
	s17 =	smov.u32 s0;
	s0 =	smov.u32 s7;
	v47 =	vld [tilespmem:s20+$0xFFFFFF80];
	[tilespmem:v52+s25+$0x0] =	vst.idx.msk $0xffff, v40  }
0x122: {  	v40 =	vld [tilespmem:s20+$0xFFFFFF90];
	[tilespmem:v53+s25+$0x0] =	vst.idx.msk $0xffff, v42  }
0x123: {  	v42 =	vld [tilespmem:s20+$0xFFFFFFA0];
	[tilespmem:v36+s25+$0x0] =	vst.idx.msk $0xffff, v44  }
0x124: {  	v36 =	vld [tilespmem:s20+$0xFFFFFFC0];
	[tilespmem:v43+s25+$0x0] =	vst.idx.msk $0xffff, v37  }
0x125: {  	v37 =	vld [tilespmem:s20+$0xFFFFFFD0];
	[tilespmem:v48+s25+$0x0] =	vst.idx.msk $0xffff, v38  }
0x126: {  	v38 =	vld [tilespmem:s30+$0xFFFFFFD0];
	[tilespmem:v39+s25+$0x0] =	vst.idx.msk $0xffff, v45  }
0x127: {  	v39 =	vld [tilespmem:s31+$0x60]  }
0x128: {  	v43 =	vld [tilespmem:s31+$0x70];
	s31 =	smov.u32 s19;
	s19 =	smov.u32 s21  }
0x129: {  	v45 =	vadd.s32 s2, v23;
	v44 =	vld [tilespmem:s30+$0xFFFFFFF0]  }
0x12a: {  	s7 =	sadd.s32 $0xFFFFFF00, s1;
	v51 =	vadd.s32 s2, v24;
	v48 =	vld [tilespmem:s30+$0xFFFFFFE0]  }
0x12b: {  	[tilespmem:v35+s25+$0x0] =	vst.idx.msk $0xffff, v38;
	v35 =	vadd.s32 s7, v0  }
0x12c: {  	v38 =	vadd.s32 s7, v10;
	[tilespmem:v49+s25+$0x0] =	vst.idx.msk $0xffff, v39  }
0x12d: {  	v39 =	vadd.s32 s7, v11;
	v49 =	vld [tilespmem:s20+$0xFFFFFFB0];
	[tilespmem:v50+s25+$0x0] =	vst.idx.msk $0xffff, v43  }
0x12e: {  	v43 =	vadd.s32 s7, v12;
	[tilespmem:v45+s25+$0x0] =	vst.idx.msk $0xffff, v46  }
0x12f: {  	[tilespmem:v51+s25+$0x0] =	vst.idx.msk $0xffff, v41  }
0x130: {  	[tilespmem:v35+s25+$0x0] =	vst.idx.msk $0xffff, v47  }
0x131: {  	[tilespmem:v38+s25+$0x0] =	vst.idx.msk $0xffff, v40  }
0x132: {  	[tilespmem:v39+s25+$0x0] =	vst.idx.msk $0xffff, v42  }
0x133: {  	s2 =	sadd.s32 $0xFFFFFD56, s17;
	[tilespmem:v43+s25+$0x0] =	vst.idx.msk $0xffff, v49  }
0x134: {  	v35 =	vadd.s32 s2, v0;
	[tilespmem:v30+s25+$0x0] =	vst.idx.msk $0xffff, v48  }
0x135: {  	v30 =	vadd.s32 s2, v10;
	[tilespmem:v31+s25+$0x0] =	vst.idx.msk $0xffff, v44  }
0x136: {  	[tilespmem:v32+s25+$0x0] =	vst.idx.msk $0xffff, v29;
	v29 =	vadd.s32 s7, v13  }
0x137: {  	s29 =	sadd.s32 $0x60, s29;
	[tilespmem:v34+s25+$0x0] =	vst.idx.msk $0xffff, v28;
	v28 =	vadd.s32 s7, v14  }
0x138: {  	v31 =	vld [tilespmem:s29+$0xFFFFFFE0];
	[tilespmem:v33+s25+$0x0] =	vst.idx.msk $0xffff, v27  }
0x139: {  	s30 =	sadd.s32 $0x60, s30;
	[tilespmem:v35+s25+$0x0] =	vst.idx.msk $0xffff, v25;
	v25 =	vld [tilespmem:s29+$0xFFFFFFD0]  }
0x13a: {  	v27 =	vld [tilespmem:s30+$0x20];
	[tilespmem:v30+s25+$0x0] =	vst.idx.msk $0xffff, v26  }
0x13b: {  	v38 =	vld [tilespmem:s4+$0xFFFFFFD0];
	[tilespmem:v29+s25+$0x0] =	vst.idx.msk $0xffff, v36  }
0x13c: {  	v29 =	vld [tilespmem:s5+$0x0];
	[tilespmem:v28+s25+$0x0] =	vst.idx.msk $0xffff, v37  }
0x13d: {  	v28 =	vld [tilespmem:s5+$0x20];
	v26 =	vmov v31  }
0x13e: {  	v36 =	vld [tilespmem:s4+$0x0]  }
0x13f: {  	s6 =	sadd.s32 $0xFFFFFD01, s0;
	v37 =	vld [tilespmem:s5+$0x10]  }
0x140: {  	v39 =	vadd.s32 s2, v11;
	v35 =	vadd.s32 s6, v0;
	v40 =	vld [tilespmem:s5+$0xFFFFFFF0];
	s5 =	smov.u32 s29  }
0x141: {  	v41 =	vadd.s32 s2, v12;
	v30 =	vadd.s32 s6, v10;
	v42 =	vld [tilespmem:s20+$0xFFFFFFE0]  }
0x142: {  	v43 =	vadd.s32 s2, v13;
	v31 =	vadd.s32 s6, v11;
	v44 =	vld [tilespmem:s20+$0xFFFFFFF0]  }
0x143: {  	v45 =	vadd.s32 s2, v14;
	s2 =	sadd.s32 $0xFFFFFDAB, s17;
	v32 =	vadd.s32 s6, v12;
	v46 =	vld [tilespmem:s4+$0xFFFFFFF0]  }
0x144: {  	v47 =	vadd.s32 s2, v0;
	v34 =	vadd.s32 s6, v13;
	v48 =	vld [tilespmem:s4+$0xFFFFFFE0]  }
0x145: {  	v49 =	vadd.s32 s2, v10;
	v33 =	vadd.s32 s6, v14;
	[tilespmem:v39+s25+$0x0] =	vst.idx.msk $0xffff, v40;
	v39 =	vld [tilespmem:s20+$0x0]  }
0x146: {  	v40 =	vadd.s32 s2, v11;
	[tilespmem:v41+s25+$0x0] =	vst.idx.msk $0xffff, v29;
	v41 =	vld [tilespmem:s20+$0x10]  }
0x147: {  	v50 =	vadd.s32 s2, v12;
	[tilespmem:v43+s25+$0x0] =	vst.idx.msk $0xffff, v37;
	v37 =	vadd.s32 s7, v15;
	v43 =	vld [tilespmem:s20+$0x20]  }
0x148: {  	[tilespmem:v45+s25+$0x0] =	vst.idx.msk $0xffff, v28;
	v45 =	vadd.s32 s7, v16;
	v51 =	vld [tilespmem:s20+$0x30]  }
0x149: {  	[tilespmem:v47+s25+$0x0] =	vst.idx.msk $0xffff, v38;
	v38 =	vadd.s32 s7, v17;
	v47 =	vld [tilespmem:s20+$0x40]  }
0x14a: {  	[tilespmem:v49+s25+$0x0] =	vst.idx.msk $0xffff, v48;
	v48 =	vadd.s32 s7, v18;
	v49 =	vld [tilespmem:s20+$0x50]  }
0x14b: {  	v28 =	vld [tilespmem:s30+$0x10];
	[tilespmem:v40+s25+$0x0] =	vst.idx.msk $0xffff, v46;
	v40 =	vadd.s32 s7, v19  }
0x14c: {  	s4 =	sadd.s32 $0x60, s4;
	v46 =	vadd.s32 s7, v20;
	v29 =	vld [tilespmem:s30+$0x0];
	[tilespmem:v50+s25+$0x0] =	vst.idx.msk $0xffff, v36  }
0x14d: {  	v52 =	vadd.s32 s7, v21;
	v50 =	vld [tilespmem:s26+$0xFFFFFF80];
	[tilespmem:v37+s25+$0x0] =	vst.idx.msk $0xffff, v42  }
0x14e: {  	v42 =	vadd.s32 s7, v22;
	v37 =	vld [tilespmem:s26+$0xFFFFFF90];
	[tilespmem:v45+s25+$0x0] =	vst.idx.msk $0xffff, v44  }
0x14f: {  	v44 =	vld [tilespmem:s26+$0xFFFFFFD0];
	[tilespmem:v38+s25+$0x0] =	vst.idx.msk $0xffff, v39  }
0x150: {  	v38 =	vadd.s32 s2, v13;
	v39 =	vld [tilespmem:s10+$0x10];
	[tilespmem:v48+s25+$0x0] =	vst.idx.msk $0xffff, v41  }
0x151: {  	v41 =	vadd.s32 s2, v14;
	s2 =	sadd.s32 $0xFFFFFE00, s17;
	v45 =	vld [tilespmem:s10+$0x20];
	[tilespmem:v40+s25+$0x0] =	vst.idx.msk $0xffff, v43;
	s10 =	smov.u32 s4  }
0x152: {  	v40 =	vadd.s32 s2, v0;
	v36 =	vadd.s32 s2, v15;
	v53 =	vld [tilespmem:s26+$0xFFFFFFB0];
	[tilespmem:v46+s25+$0x0] =	vst.idx.msk $0xffff, v51  }
0x153: {  	v43 =	vadd.s32 s2, v10;
	v51 =	vld [tilespmem:s26+$0xFFFFFFC0];
	[tilespmem:v52+s25+$0x0] =	vst.idx.msk $0xffff, v47  }
0x154: {  	v46 =	vadd.s32 s2, v11;
	v52 =	vld [tilespmem:s26+$0xFFFFFFA0];
	[tilespmem:v42+s25+$0x0] =	vst.idx.msk $0xffff, v49  }
0x155: {  	v42 =	vadd.s32 s2, v12;
	[tilespmem:v38+s25+$0x0] =	vst.idx.msk $0xffff, v39;
	v38 =	vadd.s32 s7, v24;
	v54 =	vld [tilespmem:s20+$0x60]  }
0x156: {  	v55 =	vadd.s32 s1, v0;
	v47 =	vadd.s32 s1, v10;
	v39 =	vadd.s32 s2, v13;
	[tilespmem:v41+s25+$0x0] =	vst.idx.msk $0xffff, v45;
	v56 =	vld [tilespmem:s20+$0x70];
	s20 =	smov.u32 s24  }
0x157: {  	v57 =	vadd.s32 s2, v14;
	[tilespmem:v40+s25+$0x0] =	vst.idx.msk $0xffff, v50;
	v50 =	vadd.s32 s7, v23;
	v58 =	vld [tilespmem:s31+$0xFFFFFF80]  }
0x158: {  	v48 =	vadd.s32 s1, v11;
	[tilespmem:v43+s25+$0x0] =	vst.idx.msk $0xffff, v37;
	v43 =	vld [tilespmem:s31+$0xFFFFFF90]  }
0x159: {  	v49 =	vadd.s32 s1, v12;
	[tilespmem:v46+s25+$0x0] =	vst.idx.msk $0xffff, v52;
	v41 =	vld [tilespmem:s31+$0xFFFFFFA0]  }
0x15a: {  	v46 =	vadd.s32 s1, v13;
	[tilespmem:v42+s25+$0x0] =	vst.idx.msk $0xffff, v53;
	v40 =	vld [tilespmem:s31+$0xFFFFFFB0]  }
.Ltmp1:
0x15b: {  	s26 =	sadd.s32 $0x100, s26;
	v45 =	vadd.s32 s1, v14;
	[tilespmem:v39+s25+$0x0] =	vst.idx.msk $0xffff, v51;
	v42 =	vld [tilespmem:s31+$0xFFFFFFC0];
	(pc) =	sbr.rel @p1 .LBB2_5-.Ltmp1, $4  }
0x15c: {  	[tilespmem:v57+s25+$0x0] =	vst.idx.msk $0xffff, v44;
	v44 =	vld [tilespmem:s31+$0xFFFFFFD0]  }
0x15d: {  	v39 =	vld [tilespmem:s22+$0x10];
	[tilespmem:v50+s25+$0x0] =	vst.idx.msk $0xffff, v54  }
0x15e: {  	v37 =	vld [tilespmem:s22+$0x40];
	[tilespmem:v38+s25+$0x0] =	vst.idx.msk $0xffff, v56  }
0x15f: {  	s6 =	smov.u32 s8;
	v38 =	vld [tilespmem:s22+$0x50];
	[tilespmem:v55+s25+$0x0] =	vst.idx.msk $0xffff, v58  }
0x160: {  	v50 =	vld [tilespmem:s30+$0xFFFFFFD0]  }
0x161: {  	v51 =	vld [tilespmem:s30+$0xFFFFFFE0]  }
0x162: {  	v52 =	vld [tilespmem:s30+$0xFFFFFFF0];
	_ =	sdelay $0x2  }
0x163: {  	s6 =	sadd.s32 $0xFFFFFD56, s0;
	[tilespmem:v35+s25+$0x0] =	vst.idx.msk $0xffff, v50  }
0x164: {  	v56 =	vadd.s32 s6, v0;
	[tilespmem:v30+s25+$0x0] =	vst.idx.msk $0xffff, v51  }
0x165: {  	v30 =	vadd.s32 s6, v10;
	[tilespmem:v31+s25+$0x0] =	vst.idx.msk $0xffff, v52  }
0x166: {  	[tilespmem:v32+s25+$0x0] =	vst.idx.msk $0xffff, v29  }
0x167: {  	[tilespmem:v34+s25+$0x0] =	vst.idx.msk $0xffff, v28  }
0x168: {  	[tilespmem:v33+s25+$0x0] =	vst.idx.msk $0xffff, v27  }
0x169: {  	[tilespmem:v56+s25+$0x0] =	vst.idx.msk $0xffff, v25  }
0x16a: {  	[tilespmem:v30+s25+$0x0] =	vst.idx.msk $0xffff, v26  }
0x16b: {  	v25 =	vld [tilespmem:s4+$0xFFFFFFD0]  }
0x16c: {  	v26 =	vld [tilespmem:s5+$0x0]  }
0x16d: {  	[tilespmem:v47+s25+$0x0] =	vst.idx.msk $0xffff, v43;
	v28 =	vadd.s32 s6, v11;
	v29 =	vld [tilespmem:s5+$0xFFFFFFF0]  }
0x16e: {  	[tilespmem:v48+s25+$0x0] =	vst.idx.msk $0xffff, v41;
	v31 =	vadd.s32 s6, v12;
	v27 =	vld [tilespmem:s5+$0x20]  }
0x16f: {  	v57 =	vadd.s32 s6, v13;
	[tilespmem:v49+s25+$0x0] =	vst.idx.msk $0xffff, v40;
	v32 =	vld [tilespmem:s5+$0x10]  }
0x170: {  	s8 =	sadd.s32 $0xFFFFFDAB, s0;
	v58 =	vadd.s32 s6, v14;
	[tilespmem:v46+s25+$0x0] =	vst.idx.msk $0xffff, v42;
	v30 =	vld [tilespmem:s4+$0x0]  }
0x171: {  	v59 =	vadd.s32 s8, v0;
	[tilespmem:v45+s25+$0x0] =	vst.idx.msk $0xffff, v44;
	v35 =	vld [tilespmem:s4+$0xFFFFFFF0]  }
0x172: {  	v61 =	vadd.s32 s8, v10;
	v60 =	vld [tilespmem:s4+$0xFFFFFFE0];
	[tilespmem:v28+s25+$0x0] =	vst.idx.msk $0xffff, v29  }
0x173: {  	v29 =	vld [tilespmem:s22+$0xFFFFFFE0];
	[tilespmem:v31+s25+$0x0] =	vst.idx.msk $0xffff, v26  }
0x174: {  	v28 =	vadd.s32 s8, v11;
	[tilespmem:v57+s25+$0x0] =	vst.idx.msk $0xffff, v32  }
0x175: {  	v62 =	vld [tilespmem:s22+$0x0];
	v26 =	vadd.s32 s8, v12;
	[tilespmem:v58+s25+$0x0] =	vst.idx.msk $0xffff, v27  }
0x176: {  	v31 =	vld [tilespmem:s22+$0xFFFFFFF0];
	v27 =	vadd.s32 s2, v16;
	[tilespmem:v59+s25+$0x0] =	vst.idx.msk $0xffff, v25  }
0x177: {  	v41 =	vld [tilespmem:s22+$0x30];
	v25 =	vadd.s32 s2, v17;
	[tilespmem:v61+s25+$0x0] =	vst.idx.msk $0xffff, v60  }
0x178: {  	v63 =	vadd.s32 s2, v18;
	v40 =	vld [tilespmem:s22+$0x20];
	[tilespmem:v36+s25+$0x0] =	vst.idx.msk $0xffff, v29  }
0x179: {  	[tilespmem:v28+s25+$0x0] =	vst.idx.msk $0xffff, v35;
	v28 =	vadd.s32 s2, v19  }
0x17a: {  	v48 =	vld [tilespmem:s31+$0x50];
	[tilespmem:v26+s25+$0x0] =	vst.idx.msk $0xffff, v30;
	v26 =	vadd.s32 s2, v20  }
0x17b: {  	v30 =	vadd.s32 s2, v21;
	v29 =	vld [tilespmem:s26+$0xFFFFFF80];
	[tilespmem:v27+s25+$0x0] =	vst.idx.msk $0xffff, v31  }
0x17c: {  	v27 =	vld [tilespmem:s26+$0xFFFFFF90];
	v31 =	vadd.s32 s2, v22;
	[tilespmem:v25+s25+$0x0] =	vst.idx.msk $0xffff, v62  }
0x17d: {  	v42 =	vadd.s32 s8, v13;
	v43 =	vld [tilespmem:s10+$0x10];
	[tilespmem:v63+s25+$0x0] =	vst.idx.msk $0xffff, v39  }
0x17e: {  	s6 =	sadd.s32 $0xFFFFFE00, s0;
	v44 =	vld [tilespmem:s10+$0x20];
	[tilespmem:v28+s25+$0x0] =	vst.idx.msk $0xffff, v40;
	v28 =	vadd.s32 s8, v14  }
0x17f: {  	v45 =	vld [tilespmem:s26+$0xFFFFFFB0];
	[tilespmem:v26+s25+$0x0] =	vst.idx.msk $0xffff, v41;
	v26 =	vadd.s32 s6, v0  }
0x180: {  	v46 =	vld [tilespmem:s26+$0xFFFFFFC0];
	[tilespmem:v30+s25+$0x0] =	vst.idx.msk $0xffff, v37;
	v30 =	vadd.s32 s6, v10  }
0x181: {  	v47 =	vld [tilespmem:s26+$0xFFFFFFA0];
	[tilespmem:v31+s25+$0x0] =	vst.idx.msk $0xffff, v38;
	v31 =	vadd.s32 s6, v11  }
0x182: {  	v49 =	vadd.s32 s6, v12;
	v25 =	vld [tilespmem:s26+$0xFFFFFFD0];
	[tilespmem:v42+s25+$0x0] =	vst.idx.msk $0xffff, v43  }
0x183: {  	v50 =	vld [tilespmem:s31+$0xFFFFFFF0];
	v51 =	vadd.s32 s6, v13;
	[tilespmem:v28+s25+$0x0] =	vst.idx.msk $0xffff, v44  }
0x184: {  	v53 =	vld [tilespmem:s31+$0x20];
	v52 =	vadd.s32 s6, v14;
	[tilespmem:v26+s25+$0x0] =	vst.idx.msk $0xffff, v29  }
0x185: {  	v28 =	vld [tilespmem:s31+$0xFFFFFFE0];
	v26 =	vadd.s32 s1, v15;
	[tilespmem:v30+s25+$0x0] =	vst.idx.msk $0xffff, v27  }
0x186: {  	v55 =	vld [tilespmem:s31+$0x30];
	v27 =	vadd.s32 s1, v16;
	[tilespmem:v31+s25+$0x0] =	vst.idx.msk $0xffff, v47  }
0x187: {  	v29 =	vld [tilespmem:s31+$0x0];
	v31 =	vadd.s32 s1, v17;
	[tilespmem:v49+s25+$0x0] =	vst.idx.msk $0xffff, v45  }
0x188: {  	v54 =	vadd.s32 s1, v18;
	v30 =	vld [tilespmem:s31+$0x10];
	[tilespmem:v51+s25+$0x0] =	vst.idx.msk $0xffff, v46  }
0x189: {  	v56 =	vadd.s32 s1, v19;
	v57 =	vld [tilespmem:s31+$0x40];
	[tilespmem:v52+s25+$0x0] =	vst.idx.msk $0xffff, v25  }
0x18a: {  	v42 =	vld [tilespmem:s22+$0x60];
	v25 =	vadd.s32 s1, v20;
	[tilespmem:v26+s25+$0x0] =	vst.idx.msk $0xffff, v28  }
0x18b: {  	v28 =	vadd.s32 s1, v21;
	v26 =	vld [tilespmem:s26+$0x10];
	[tilespmem:v27+s25+$0x0] =	vst.idx.msk $0xffff, v50  }
0x18c: {  	v58 =	vadd.s32 s1, v22;
	v27 =	vld [tilespmem:s26+$0x40];
	[tilespmem:v31+s25+$0x0] =	vst.idx.msk $0xffff, v29  }
0x18d: {  	v31 =	vld [tilespmem:s26+$0xFFFFFFE0];
	[tilespmem:v54+s25+$0x0] =	vst.idx.msk $0xffff, v30;
	v30 =	vadd.s32 s6, v15  }
0x18e: {  	v59 =	vadd.s32 s6, v16;
	v34 =	vld [tilespmem:s26+$0xFFFFFFF0];
	[tilespmem:v56+s25+$0x0] =	vst.idx.msk $0xffff, v53  }
0x18f: {  	v60 =	vld [tilespmem:s26+$0x0];
	[tilespmem:v25+s25+$0x0] =	vst.idx.msk $0xffff, v55;
	v25 =	vadd.s32 s6, v17  }
0x190: {  	v61 =	vld [tilespmem:s26+$0x20];
	[tilespmem:v28+s25+$0x0] =	vst.idx.msk $0xffff, v57;
	v28 =	vadd.s32 s6, v18  }
0x191: {  	v62 =	vadd.s32 s6, v19;
	v63 =	vld [tilespmem:s26+$0x30];
	[tilespmem:v58+s25+$0x0] =	vst.idx.msk $0xffff, v48  }
0x192: {  	v43 =	vadd.s32 s6, v20;
	v29 =	vld [tilespmem:s26+$0x50];
	[tilespmem:v30+s25+$0x0] =	vst.idx.msk $0xffff, v31  }
0x193: {  	v44 =	vld [tilespmem:s20+$0xFFFFFF80];
	v31 =	vadd.s32 s6, v21;
	[tilespmem:v59+s25+$0x0] =	vst.idx.msk $0xffff, v34  }
0x194: {  	v47 =	vld [tilespmem:s20+$0xFFFFFFC0];
	v45 =	vadd.s32 s6, v22;
	[tilespmem:v25+s25+$0x0] =	vst.idx.msk $0xffff, v60  }
0x195: {  	v49 =	vld [tilespmem:s20+$0xFFFFFFD0];
	v46 =	vadd.s32 s2, v23;
	[tilespmem:v28+s25+$0x0] =	vst.idx.msk $0xffff, v26  }
0x196: {  	s7 =	sadd.s32 $0xFFFFFF00, s17;
	v30 =	vld [tilespmem:s22+$0x70];
	v28 =	vadd.s32 s2, v24;
	[tilespmem:v62+s25+$0x0] =	vst.idx.msk $0xffff, v61  }
0x197: {  	v48 =	vadd.s32 s7, v0;
	v25 =	vld [tilespmem:s20+$0xFFFFFF90];
	[tilespmem:v43+s25+$0x0] =	vst.idx.msk $0xffff, v63  }
0x198: {  	v50 =	vadd.s32 s7, v10;
	v26 =	vld [tilespmem:s20+$0xFFFFFFA0];
	[tilespmem:v31+s25+$0x0] =	vst.idx.msk $0xffff, v27  }
0x199: {  	v27 =	vadd.s32 s7, v11;
	v31 =	vld [tilespmem:s20+$0xFFFFFFB0];
	[tilespmem:v45+s25+$0x0] =	vst.idx.msk $0xffff, v29  }
0x19a: {  	[tilespmem:v46+s25+$0x0] =	vst.idx.msk $0xffff, v42;
	v29 =	vadd.s32 s7, v12;
	v34 =	vld [tilespmem:s26+$0x60]  }
0x19b: {  	s8 =	sadd.s32 $0x100, s24;
	[tilespmem:v28+s25+$0x0] =	vst.idx.msk $0xffff, v30;
	v28 =	vadd.s32 s7, v13;
	v30 =	vld [tilespmem:s26+$0x70]  }
0x19c: {  	v51 =	vadd.s32 s7, v14;
	v52 =	vld [tilespmem:s8+$0xFFFFFF80];
	[tilespmem:v48+s25+$0x0] =	vst.idx.msk $0xffff, v44  }
0x19d: {  	v53 =	vadd.s32 s6, v23;
	v56 =	vld [tilespmem:s8+$0xFFFFFFB0];
	[tilespmem:v50+s25+$0x0] =	vst.idx.msk $0xffff, v25  }
0x19e: {  	s10 =	sadd.s32 $0xFFFFFF00, s0;
	v25 =	vld [tilespmem:s8+$0xFFFFFF90];
	[tilespmem:v27+s25+$0x0] =	vst.idx.msk $0xffff, v26;
	v27 =	vadd.s32 s6, v24  }
0x19f: {  	v26 =	vld [tilespmem:s8+$0xFFFFFFA0];
	[tilespmem:v29+s25+$0x0] =	vst.idx.msk $0xffff, v31;
	v31 =	vadd.s32 s10, v0  }
0x1a0: {  	v54 =	vadd.s32 s10, v10;
	v29 =	vld [tilespmem:s8+$0xFFFFFFC0];
	[tilespmem:v28+s25+$0x0] =	vst.idx.msk $0xffff, v47  }
0x1a1: {  	v55 =	vadd.s32 s10, v11;
	v28 =	vld [tilespmem:s8+$0xFFFFFFD0];
	[tilespmem:v51+s25+$0x0] =	vst.idx.msk $0xffff, v49  }
0x1a2: {  	v57 =	vadd.s32 s10, v12;
	[tilespmem:v53+s25+$0x0] =	vst.idx.msk $0xffff, v34;
	v38 =	vld [tilespmem:s20+$0xFFFFFFE0]  }
0x1a3: {  	v58 =	vld [tilespmem:s20+$0xFFFFFFF0];
	[tilespmem:v27+s25+$0x0] =	vst.idx.msk $0xffff, v30;
	v27 =	vadd.s32 s10, v13  }
0x1a4: {  	v60 =	vadd.s32 s7, v15;
	v59 =	vld [tilespmem:s20+$0x10];
	[tilespmem:v31+s25+$0x0] =	vst.idx.msk $0xffff, v52  }
0x1a5: {  	v63 =	vld [tilespmem:s20+$0x40];
	v31 =	vadd.s32 s10, v14;
	[tilespmem:v54+s25+$0x0] =	vst.idx.msk $0xffff, v25  }
0x1a6: {  	v61 =	vadd.s32 s7, v16;
	v30 =	vld [tilespmem:s20+$0x0];
	[tilespmem:v55+s25+$0x0] =	vst.idx.msk $0xffff, v26  }
0x1a7: {  	v62 =	vadd.s32 s7, v17;
	v25 =	vld [tilespmem:s20+$0x20];
	[tilespmem:v57+s25+$0x0] =	vst.idx.msk $0xffff, v56  }
0x1a8: {  	v42 =	vadd.s32 s7, v18;
	v26 =	vld [tilespmem:s20+$0x30];
	[tilespmem:v27+s25+$0x0] =	vst.idx.msk $0xffff, v29  }
0x1a9: {  	v27 =	vld [tilespmem:s20+$0x50];
	v29 =	vadd.s32 s7, v19;
	[tilespmem:v60+s25+$0x0] =	vst.idx.msk $0xffff, v38  }
0x1aa: {  	[tilespmem:v31+s25+$0x0] =	vst.idx.msk $0xffff, v28;
	v28 =	vadd.s32 s7, v20  }
0x1ab: {  	v43 =	vadd.s32 s7, v21;
	[tilespmem:v61+s25+$0x0] =	vst.idx.msk $0xffff, v58;
	v31 =	vld [tilespmem:s8+$0xFFFFFFE0]  }
0x1ac: {  	v45 =	vadd.s32 s7, v22;
	v44 =	vld [tilespmem:s8+$0xFFFFFFF0];
	[tilespmem:v62+s25+$0x0] =	vst.idx.msk $0xffff, v30  }
0x1ad: {  	v47 =	vadd.s32 s10, v15;
	v30 =	vld [tilespmem:s8+$0x0];
	[tilespmem:v42+s25+$0x0] =	vst.idx.msk $0xffff, v59  }
0x1ae: {  	v46 =	vld [tilespmem:s8+$0x10];
	[tilespmem:v29+s25+$0x0] =	vst.idx.msk $0xffff, v25;
	v29 =	vadd.s32 s10, v16  }
0x1af: {  	v48 =	vld [tilespmem:s8+$0x40];
	[tilespmem:v28+s25+$0x0] =	vst.idx.msk $0xffff, v26;
	v28 =	vadd.s32 s10, v17  }
0x1b0: {  	v49 =	vadd.s32 s10, v18;
	v25 =	vld [tilespmem:s8+$0x20];
	[tilespmem:v43+s25+$0x0] =	vst.idx.msk $0xffff, v63  }
0x1b1: {  	v50 =	vadd.s32 s10, v19;
	v26 =	vld [tilespmem:s8+$0x30];
	[tilespmem:v45+s25+$0x0] =	vst.idx.msk $0xffff, v27  }
0x1b2: {  	v51 =	vadd.s32 s10, v20;
	v27 =	vld [tilespmem:s8+$0x50];
	[tilespmem:v47+s25+$0x0] =	vst.idx.msk $0xffff, v31  }
0x1b3: {  	v52 =	vadd.s32 s10, v21;
	v38 =	vld [tilespmem:s20+$0x60];
	[tilespmem:v29+s25+$0x0] =	vst.idx.msk $0xffff, v44  }
0x1b4: {  	v53 =	vadd.s32 s10, v22;
	v31 =	vld [tilespmem:s20+$0x70];
	[tilespmem:v28+s25+$0x0] =	vst.idx.msk $0xffff, v30  }
0x1b5: {  	v55 =	vld [tilespmem:s19+$0xFFFFFFA0];
	v28 =	vadd.s32 s7, v23;
	[tilespmem:v49+s25+$0x0] =	vst.idx.msk $0xffff, v46  }
0x1b6: {  	v54 =	vadd.s32 s7, v24;
	v56 =	vld [tilespmem:s19+$0xFFFFFFB0];
	[tilespmem:v50+s25+$0x0] =	vst.idx.msk $0xffff, v25  }
0x1b7: {  	v29 =	vld [tilespmem:s19+$0xFFFFFF80];
	v25 =	vadd.s32 s17, v0;
	[tilespmem:v51+s25+$0x0] =	vst.idx.msk $0xffff, v26  }
0x1b8: {  	v30 =	vld [tilespmem:s19+$0xFFFFFF90];
	v26 =	vadd.s32 s17, v10;
	[tilespmem:v52+s25+$0x0] =	vst.idx.msk $0xffff, v48  }
0x1b9: {  	v58 =	vadd.s32 s17, v11;
	v57 =	vld [tilespmem:s19+$0xFFFFFFC0];
	[tilespmem:v53+s25+$0x0] =	vst.idx.msk $0xffff, v27  }
0x1ba: {  	v59 =	vld [tilespmem:s19+$0xFFFFFFD0];
	v27 =	vadd.s32 s17, v12;
	[tilespmem:v28+s25+$0x0] =	vst.idx.msk $0xffff, v38  }
0x1bb: {  	v60 =	vadd.s32 s17, v13;
	v28 =	vld [tilespmem:s8+$0x60];
	[tilespmem:v54+s25+$0x0] =	vst.idx.msk $0xffff, v31  }
0x1bc: {  	v61 =	vadd.s32 s17, v14;
	s20 =	sadd.s32 $0x100, s21;
	v31 =	vld [tilespmem:s8+$0x70];
	[tilespmem:v25+s25+$0x0] =	vst.idx.msk $0xffff, v29  }
0x1bd: {  	v62 =	vld [tilespmem:s20+$0xFFFFFFA0];
	[tilespmem:v26+s25+$0x0] =	vst.idx.msk $0xffff, v30;
	v26 =	vadd.s32 s10, v23  }
0x1be: {  	v63 =	vld [tilespmem:s20+$0xFFFFFFB0];
	v30 =	vadd.s32 s10, v24;
	[tilespmem:v58+s25+$0x0] =	vst.idx.msk $0xffff, v55  }
0x1bf: {  	v25 =	vld [tilespmem:s20+$0xFFFFFF80];
	[tilespmem:v27+s25+$0x0] =	vst.idx.msk $0xffff, v56;
	v27 =	vadd.s32 s0, v0  }
0x1c0: {  	v42 =	vadd.s32 s0, v10;
	v29 =	vld [tilespmem:s20+$0xFFFFFF90];
	[tilespmem:v60+s25+$0x0] =	vst.idx.msk $0xffff, v57  }
0x1c1: {  	v44 =	vadd.s32 s0, v11;
	v43 =	vld [tilespmem:s20+$0xFFFFFFC0];
	[tilespmem:v61+s25+$0x0] =	vst.idx.msk $0xffff, v59  }
0x1c2: {  	v46 =	vadd.s32 s0, v12;
	v45 =	vld [tilespmem:s20+$0xFFFFFFD0];
	[tilespmem:v26+s25+$0x0] =	vst.idx.msk $0xffff, v28  }
0x1c3: {  	v38 =	vld [tilespmem:s19+$0x50];
	v28 =	vadd.s32 s0, v13;
	[tilespmem:v30+s25+$0x0] =	vst.idx.msk $0xffff, v31  }
0x1c4: {  	v26 =	vld [tilespmem:s19+$0xFFFFFFF0];
	v31 =	vadd.s32 s0, v14;
	[tilespmem:v27+s25+$0x0] =	vst.idx.msk $0xffff, v25  }
0x1c5: {  	v30 =	vld [tilespmem:s19+$0xFFFFFFE0];
	v25 =	vadd.s32 s17, v15;
	[tilespmem:v42+s25+$0x0] =	vst.idx.msk $0xffff, v29  }
0x1c6: {  	v47 =	vld [tilespmem:s19+$0x10];
	v29 =	vadd.s32 s17, v16;
	[tilespmem:v44+s25+$0x0] =	vst.idx.msk $0xffff, v62  }
0x1c7: {  	v48 =	vadd.s32 s17, v17;
	v27 =	vld [tilespmem:s19+$0x0];
	[tilespmem:v46+s25+$0x0] =	vst.idx.msk $0xffff, v63  }
0x1c8: {  	v50 =	vadd.s32 s17, v18;
	v49 =	vld [tilespmem:s19+$0x20];
	[tilespmem:v28+s25+$0x0] =	vst.idx.msk $0xffff, v43  }
0x1c9: {  	v51 =	vld [tilespmem:s19+$0x30];
	v28 =	vadd.s32 s17, v19;
	[tilespmem:v31+s25+$0x0] =	vst.idx.msk $0xffff, v45  }
0x1ca: {  	v52 =	vld [tilespmem:s19+$0x40];
	v31 =	vadd.s32 s17, v20;
	[tilespmem:v25+s25+$0x0] =	vst.idx.msk $0xffff, v30  }
0x1cb: {  	v30 =	vadd.s32 s17, v21;
	v25 =	vld [tilespmem:s20+$0x50];
	[tilespmem:v29+s25+$0x0] =	vst.idx.msk $0xffff, v26  }
0x1cc: {  	v26 =	vld [tilespmem:s20+$0xFFFFFFF0];
	v29 =	vadd.s32 s17, v22;
	[tilespmem:v48+s25+$0x0] =	vst.idx.msk $0xffff, v27  }
0x1cd: {  	v53 =	vadd.s32 s0, v15;
	v27 =	vld [tilespmem:s20+$0xFFFFFFE0];
	[tilespmem:v50+s25+$0x0] =	vst.idx.msk $0xffff, v47  }
0x1ce: {  	v54 =	vld [tilespmem:s20+$0x0];
	[tilespmem:v28+s25+$0x0] =	vst.idx.msk $0xffff, v49;
	v28 =	vadd.s32 s0, v16  }
0x1cf: {  	v55 =	vld [tilespmem:s20+$0x10];
	[tilespmem:v31+s25+$0x0] =	vst.idx.msk $0xffff, v51;
	v31 =	vadd.s32 s0, v17  }
0x1d0: {  	v56 =	vld [tilespmem:s20+$0x20];
	[tilespmem:v30+s25+$0x0] =	vst.idx.msk $0xffff, v52;
	v30 =	vadd.s32 s0, v18  }
0x1d1: {  	v36 =	vld [tilespmem:s20+$0x30];
	[tilespmem:v29+s25+$0x0] =	vst.idx.msk $0xffff, v38;
	v29 =	vadd.s32 s0, v19  }
0x1d2: {  	v58 =	vadd.s32 s0, v20;
	v57 =	vld [tilespmem:s20+$0x40];
	[tilespmem:v53+s25+$0x0] =	vst.idx.msk $0xffff, v27  }
0x1d3: {  	v27 =	vadd.s32 s0, v21;
	[tilespmem:v28+s25+$0x0] =	vst.idx.msk $0xffff, v26  }
0x1d4: {  	v26 =	vadd.s32 s0, v22;
	[tilespmem:v31+s25+$0x0] =	vst.idx.msk $0xffff, v54  }
0x1d5: {  	v28 =	vadd.s32 s1, v23;
	[tilespmem:v30+s25+$0x0] =	vst.idx.msk $0xffff, v55;
	v30 =	vld [tilespmem:s31+$0x60]  }
0x1d6: {  	v31 =	vld [tilespmem:s31+$0x70];
	[tilespmem:v29+s25+$0x0] =	vst.idx.msk $0xffff, v56;
	v29 =	vadd.s32 s1, v24  }
0x1d7: {  	[tilespmem:v58+s25+$0x0] =	vst.idx.msk $0xffff, v36  }
0x1d8: {  	[tilespmem:v27+s25+$0x0] =	vst.idx.msk $0xffff, v57  }
0x1d9: {  	v59 =	vadd.s32 s17, v23;
	v60 =	vld [tilespmem:s19+$0x60];
	[tilespmem:v26+s25+$0x0] =	vst.idx.msk $0xffff, v25  }
0x1da: {  	v61 =	vld [tilespmem:s19+$0x70];
	v27 =	vadd.s32 s17, v24;
	[tilespmem:v28+s25+$0x0] =	vst.idx.msk $0xffff, v30  }
0x1db: {  	v25 =	vadd.s32 s0, v23;
	v26 =	vld [tilespmem:s20+$0x60];
	[tilespmem:v29+s25+$0x0] =	vst.idx.msk $0xffff, v31  }
0x1dc: {  	v28 =	vadd.s32 s0, v24;
	v30 =	vld [tilespmem:s20+$0x70];
	s21 =	rddreg [dreg:$0x8]  }
0x1dd: {  	s0 =	sadd.s32 s21, s15  }
0x1de: {  	[tilespmem:v59+s25+$0x0] =	vst.idx.msk $0xffff, v60;
	s0 =	smul.u32 $0x3FF, s0  }
0x1df: {  	[tilespmem:v27+s25+$0x0] =	vst.idx.msk $0xffff, v61  }
0x1e0: {  	[tilespmem:v25+s25+$0x0] =	vst.idx.msk $0xffff, v26;
	s0 =	sshrl.u32 s0, $0x3  }
0x1e1: {  	s22 =	smin.u32 s14, $0xFD;
	[tilespmem:v28+s25+$0x0] =	vst.idx.msk $0xffff, v30;
	s0 =	sadd.s32 s9, s0  }
0x1e2: {  	[hbm4b:s0+s3] =	stream.linear.scatter [tilespmem:s25], [sflag:$0x3], $0x3FF0, $0x38;
	[tilespmem:$0x1B3E0] =	vst v63  }
0x1e3: {  	s30 =	smov.u32 s9;
	s0 =	sshll.u32 s22, $0x4  }
0x1e4: {  	s14 =	simm.s32 $0xC200;
	s26 =	simm.s32 $0xB000;
	s24 =	sadd.s32 $0x5020, s0  }
0x1e5: {  	[tilespmem:s26], [sflag:$0x1] =	stream.indirect.gather [hbm4b:s13+s18], $0x60, s24, s18, $0xb8;
	[tilespmem:$0x1B3E0] =	vst v63  }
0x1e6: {  	s6 =	simm.s32 $0xB600;
	s5 =	rddreg [dreg:$0x3];
	s4 =	sadd.s32 $0x6020, s0  }
0x1e7: {  	[tilespmem:s6], [sflag:$0x1] =	stream.indirect.gather [hbm4b:s5+s18], $0x60, s4, s18, $0xb8;
	[tilespmem:$0x1B3E0] =	vst v63  }
0x1e8: {  	s8 =	rddreg [dreg:$0x4];
	s9 =	simm.s32 $0xBC00;
	s7 =	sadd.s32 $0x7020, s0  }
0x1e9: {  	[tilespmem:s9], [sflag:$0x1] =	stream.indirect.gather [hbm4b:s8+s18], $0x60, s7, s18, $0xb8;
	[tilespmem:$0x1B3E0] =	vst v63  }
0x1ea: {  	s31 =	smov.u32 s13;
	s10 =	sadd.s32 $0x8020, s0;
	s13 =	rddreg [dreg:$0x5]  }
0x1eb: {  	[tilespmem:s14], [sflag:$0x1] =	stream.indirect.gather [hbm4b:s13+s18], $0x100, s10, s18, $0xb8;
	[tilespmem:$0x1B3E0] =	vst v63  }
0x1ec: {  	s19 =	simm.s32 $0xD200;
	s17 =	rddreg [dreg:$0x6];
	s15 =	sadd.s32 $0x9020, s0  }
0x1ed: {  	[tilespmem:s19], [sflag:$0x1] =	stream.indirect.gather [hbm4b:s17+s18], $0x100, s15, s18, $0xb8;
	[tilespmem:$0x1B3E0] =	vst v63  }
0x1ee: {  	s21 =	simm.s32 $0xE200;
	s20 =	rddreg [dreg:$0x7];
	s0 =	sadd.s32 $0xA020, s0  }
0x1ef: {  	[tilespmem:s21], [sflag:$0x1] =	stream.indirect.gather [hbm4b:s20+s18], $0x100, s0, s18, $0xb8;
	[tilespmem:$0x1B3E0] =	vst v63  }
0x1f0: {  	_ =	swait.ge [sflag:s28], $0x600  }
0x1f1: {  	[sflag:s28] =	ssyncset.done $0x0  }
0x1f2: {  	[sflag:s28] =	ssyncadd.s32 $0xFFFFFA00  }
0x1f3: {  	_ =	swait.ge [sflag:s28], $0x600  }
0x1f4: {  	[sflag:s28] =	ssyncset.done $0x0  }
0x1f5: {  	[sflag:s28] =	ssyncadd.s32 $0xFFFFFA00  }
0x1f6: {  	_ =	swait.ge [sflag:s28], $0x600  }
0x1f7: {  	[sflag:s28] =	ssyncset.done $0x0  }
0x1f8: {  	[sflag:s28] =	ssyncadd.s32 $0xFFFFFA00  }
0x1f9: {  	_ =	swait.ge [sflag:s28], $0x1000  }
0x1fa: {  	[sflag:s28] =	ssyncset.done $0x0  }
0x1fb: {  	[sflag:s28] =	ssyncadd.s32 $0xFFFFF000  }
0x1fc: {  	_ =	swait.ge [sflag:s28], $0x1000  }
0x1fd: {  	[sflag:s28] =	ssyncset.done $0x0  }
0x1fe: {  	[sflag:s28] =	ssyncadd.s32 $0xFFFFF000  }
0x1ff: {  	_ =	swait.ge [sflag:s28], $0x1000  }
0x200: {  	[sflag:s28] =	ssyncset.done $0x0  }
0x201: {  	s0 =	simm.s32 @!p0 $0x4;
	[sflag:s28] =	ssyncadd.s32 $0xFFFFF000  }
0x202: {  	_ =	swait.ge @!p0 [sflag:s0], $0x3FF0  }
0x203: {  	[sflag:s0] =	ssyncset.done @!p0 $0x0  }
0x204: {  	s22 =	simm.s32 $0xF830;
	[sflag:s0] =	ssyncadd.s32 @!p0 $0xFFFFC010  }
0x205: {  	v25 =	vld [tilespmem:s22+$0xFFFFFFE0]  }
0x206: {  	s24 =	simm.s32 $0xF230;
	s26 =	simm.s32 $0x0;
	v26 =	vld [tilespmem:s22+$0xFFFFFFD0]  }
0x207: {  	v28 =	vadd.s32 s26, v0;
	v29 =	vld [tilespmem:s24+$0xFFFFFFD0]  }
0x208: {  	v30 =	vadd.s32 s26, v10;
	v31 =	vld [tilespmem:s24+$0xFFFFFFE0]  }
0x209: {  	v62 =	vadd.s32 s26, v11;
	v63 =	vld [tilespmem:s24+$0xFFFFFFF0]  }
0x20a: {  	v40 =	vadd.s32 s26, v12;
	v41 =	vld [tilespmem:s24+$0x0]  }
0x20b: {  	v42 =	vadd.s32 s26, v13;
	v43 =	vld [tilespmem:s24+$0x10]  }
0x20c: {  	v44 =	vadd.s32 s26, v14;
	s4 =	simm.s32 $0x55;
	v27 =	vld [tilespmem:s24+$0x20];
	[tilespmem:v28+s11+$0x0] =	vst.idx.msk $0xffff, v29  }
0x20d: {  	v28 =	vadd.s32 s4, v0;
	[tilespmem:v30+s11+$0x0] =	vst.idx.msk $0xffff, v31  }
0x20e: {  	v29 =	vadd.s32 s4, v10;
	[tilespmem:v62+s11+$0x0] =	vst.idx.msk $0xffff, v63  }
0x20f: {  	[tilespmem:v40+s11+$0x0] =	vst.idx.msk $0xffff, v41  }
0x210: {  	[tilespmem:v42+s11+$0x0] =	vst.idx.msk $0xffff, v43  }
0x211: {  	[tilespmem:v44+s11+$0x0] =	vst.idx.msk $0xffff, v27  }
0x212: {  	[tilespmem:v28+s11+$0x0] =	vst.idx.msk $0xffff, v26  }
0x213: {  	s5 =	simm.s32 $0xFE30;
	[tilespmem:v29+s11+$0x0] =	vst.idx.msk $0xffff, v25  }
0x214: {  	v25 =	vld [tilespmem:s5+$0xFFFFFFD0]  }
0x215: {  	v26 =	vld [tilespmem:s22+$0x0]  }
0x216: {  	v28 =	vadd.s32 s4, v11;
	v29 =	vld [tilespmem:s22+$0xFFFFFFF0]  }
0x217: {  	v31 =	vadd.s32 s4, v12;
	v27 =	vld [tilespmem:s22+$0x20]  }
0x218: {  	v45 =	vadd.s32 s4, v13;
	v32 =	vld [tilespmem:s22+$0x10]  }
0x219: {  	s6 =	simm.s32 $0xAA;
	v46 =	vadd.s32 s4, v14;
	v30 =	vld [tilespmem:s5+$0x0]  }
0x21a: {  	v47 =	vadd.s32 s6, v0;
	v35 =	vld [tilespmem:s5+$0xFFFFFFF0]  }
0x21b: {  	v48 =	vadd.s32 s6, v10;
	v37 =	vld [tilespmem:s5+$0xFFFFFFE0];
	[tilespmem:v28+s11+$0x0] =	vst.idx.msk $0xffff, v29  }
0x21c: {  	v28 =	vadd.s32 s6, v11;
	[tilespmem:v31+s11+$0x0] =	vst.idx.msk $0xffff, v26  }
0x21d: {  	v26 =	vadd.s32 s6, v12;
	[tilespmem:v45+s11+$0x0] =	vst.idx.msk $0xffff, v32  }
0x21e: {  	[tilespmem:v46+s11+$0x0] =	vst.idx.msk $0xffff, v27  }
0x21f: {  	[tilespmem:v47+s11+$0x0] =	vst.idx.msk $0xffff, v25  }
0x220: {  	[tilespmem:v48+s11+$0x0] =	vst.idx.msk $0xffff, v37  }
0x221: {  	[tilespmem:v28+s11+$0x0] =	vst.idx.msk $0xffff, v35  }
0x222: {  	s7 =	simm.s32 $0x10480;
	[tilespmem:v26+s11+$0x0] =	vst.idx.msk $0xffff, v30  }
0x223: {  	v25 =	vld [tilespmem:s7+$0xFFFFFF80]  }
0x224: {  	v26 =	vld [tilespmem:s7+$0xFFFFFF90]  }
0x225: {  	v28 =	vadd.s32 s6, v13;
	v29 =	vld [tilespmem:s5+$0x10]  }
0x226: {  	s8 =	simm.s32 $0xFF;
	v30 =	vadd.s32 s6, v14;
	v31 =	vld [tilespmem:s5+$0x20]  }
0x227: {  	v49 =	vadd.s32 s8, v0;
	v27 =	vld [tilespmem:s7+$0xFFFFFFD0]  }
0x228: {  	v50 =	vadd.s32 s8, v10;
	v33 =	vld [tilespmem:s7+$0xFFFFFFB0]  }
0x229: {  	v51 =	vadd.s32 s8, v11;
	v37 =	vld [tilespmem:s7+$0xFFFFFFA0]  }
0x22a: {  	v52 =	vadd.s32 s8, v12;
	v35 =	vld [tilespmem:s7+$0xFFFFFFC0];
	[tilespmem:v28+s11+$0x0] =	vst.idx.msk $0xffff, v29  }
0x22b: {  	v28 =	vadd.s32 s8, v13;
	[tilespmem:v30+s11+$0x0] =	vst.idx.msk $0xffff, v31  }
0x22c: {  	v29 =	vadd.s32 s8, v14;
	[tilespmem:v49+s11+$0x0] =	vst.idx.msk $0xffff, v25  }
0x22d: {  	[tilespmem:v50+s11+$0x0] =	vst.idx.msk $0xffff, v26  }
0x22e: {  	[tilespmem:v51+s11+$0x0] =	vst.idx.msk $0xffff, v37  }
0x22f: {  	[tilespmem:v52+s11+$0x0] =	vst.idx.msk $0xffff, v33  }
0x230: {  	s10 =	simm.s32 $0xF290;
	[tilespmem:v28+s11+$0x0] =	vst.idx.msk $0xffff, v35  }
0x231: {  	v57 =	vld [tilespmem:s10+$0x10];
	[tilespmem:v29+s11+$0x0] =	vst.idx.msk $0xffff, v27  }
0x232: {  	v25 =	vld [tilespmem:s7+$0x10]  }
0x233: {  	v26 =	vld [tilespmem:s7+$0x40]  }
0x234: {  	v28 =	vadd.s32 s8, v15;
	v29 =	vld [tilespmem:s7+$0xFFFFFFE0]  }
0x235: {  	v30 =	vadd.s32 s8, v16;
	v31 =	vld [tilespmem:s7+$0xFFFFFFF0]  }
0x236: {  	v53 =	vadd.s32 s8, v17;
	v33 =	vld [tilespmem:s7+$0x0]  }
0x237: {  	v54 =	vadd.s32 s8, v18;
	v27 =	vld [tilespmem:s7+$0x50]  }
0x238: {  	v55 =	vadd.s32 s8, v19;
	v35 =	vld [tilespmem:s7+$0x20]  }
0x239: {  	v56 =	vadd.s32 s8, v20;
	v37 =	vld [tilespmem:s7+$0x30];
	[tilespmem:v28+s11+$0x0] =	vst.idx.msk $0xffff, v29  }
0x23a: {  	v59 =	vld [tilespmem:s10+$0xFFFFFFD0];
	v28 =	vadd.s32 s8, v21;
	[tilespmem:v30+s11+$0x0] =	vst.idx.msk $0xffff, v31  }
0x23b: {  	v48 =	vld [tilespmem:s10+$0xFFFFFFE0];
	v29 =	vadd.s32 s8, v22;
	[tilespmem:v53+s11+$0x0] =	vst.idx.msk $0xffff, v33  }
0x23c: {  	s9 =	simm.s32 $0xF890;
	v50 =	vld [tilespmem:s10+$0xFFFFFFF0];
	[tilespmem:v54+s11+$0x0] =	vst.idx.msk $0xffff, v25  }
0x23d: {  	v30 =	vld [tilespmem:s9+$0xFFFFFFE0];
	[tilespmem:v55+s11+$0x0] =	vst.idx.msk $0xffff, v35  }
0x23e: {  	v31 =	vld [tilespmem:s9+$0xFFFFFFD0];
	[tilespmem:v56+s11+$0x0] =	vst.idx.msk $0xffff, v37  }
0x23f: {  	v25 =	vld [tilespmem:s10+$0x20];
	[tilespmem:v28+s11+$0x0] =	vst.idx.msk $0xffff, v26  }
0x240: {  	s15 =	simm.s32 $0x3FF;
	v26 =	vld [tilespmem:s10+$0x0];
	[tilespmem:v29+s11+$0x0] =	vst.idx.msk $0xffff, v27  }
0x241: {  	v58 =	vadd.s32 s15, v0;
	v27 =	vld [tilespmem:s7+$0x60]  }
0x242: {  	s13 =	simm.s32 $0x11480;
	v63 =	vadd.s32 s15, v10;
	v28 =	vld [tilespmem:s7+$0x70]  }
0x243: {  	v60 =	vadd.s32 s8, v23;
	v29 =	vld [tilespmem:s13+$0xFFFFFF80]  }
0x244: {  	v62 =	vadd.s32 s8, v24;
	v33 =	vld [tilespmem:s13+$0xFFFFFF90]  }
0x245: {  	v49 =	vadd.s32 s15, v11;
	v34 =	vld [tilespmem:s13+$0xFFFFFFA0]  }
0x246: {  	v51 =	vadd.s32 s15, v12;
	[tilespmem:v58+s11+$0x0] =	vst.idx.msk $0xffff, v59;
	v37 =	vld [tilespmem:s13+$0xFFFFFFC0]  }
0x247: {  	v53 =	vadd.s32 s15, v13;
	[tilespmem:v63+s11+$0x0] =	vst.idx.msk $0xffff, v48;
	v61 =	vld [tilespmem:s13+$0xFFFFFFD0]  }
0x248: {  	s17 =	simm.s32 $0x454;
	v52 =	vld [tilespmem:s13+$0xFFFFFFB0];
	[tilespmem:v60+s11+$0x0] =	vst.idx.msk $0xffff, v27;
	v27 =	vadd.s32 s15, v14  }
0x249: {  	[tilespmem:v62+s11+$0x0] =	vst.idx.msk $0xffff, v28;
	v28 =	vadd.s32 s17, v0  }
0x24a: {  	s19 =	simm.s32 $0x1FF;
	v54 =	vadd.s32 s17, v10;
	[tilespmem:v49+s11+$0x0] =	vst.idx.msk $0xffff, v50  }
0x24b: {  	v55 =	vadd.s32 s19, v0;
	[tilespmem:v51+s11+$0x0] =	vst.idx.msk $0xffff, v26  }
0x24c: {  	s26 =	simm.s32 $0xF8F0;
	v56 =	vadd.s32 s19, v10;
	[tilespmem:v53+s11+$0x0] =	vst.idx.msk $0xffff, v57  }
0x24d: {  	v26 =	vld [tilespmem:s26+$0xFFFFFFE0];
	v57 =	vadd.s32 s19, v11;
	[tilespmem:v27+s11+$0x0] =	vst.idx.msk $0xffff, v25  }
0x24e: {  	s29 =	simm.s32 $0xF2F0;
	v58 =	vadd.s32 s19, v12;
	v25 =	vld [tilespmem:s26+$0xFFFFFFD0];
	[tilespmem:v28+s11+$0x0] =	vst.idx.msk $0xffff, v31  }
0x24f: {  	s20 =	simm.s32 $0xFE90;
	v27 =	vld [tilespmem:s29+$0x20];
	v28 =	vadd.s32 s19, v13;
	[tilespmem:v54+s11+$0x0] =	vst.idx.msk $0xffff, v30  }
0x250: {  	[tilespmem:v55+s11+$0x0] =	vst.idx.msk $0xffff, v29;
	v29 =	vadd.s32 s19, v14;
	v30 =	vld [tilespmem:s20+$0xFFFFFFD0]  }
0x251: {  	[tilespmem:v56+s11+$0x0] =	vst.idx.msk $0xffff, v33;
	v31 =	vld [tilespmem:s9+$0x0]  }
0x252: {  	[tilespmem:v57+s11+$0x0] =	vst.idx.msk $0xffff, v34;
	v59 =	vld [tilespmem:s9+$0x20]  }
0x253: {  	[tilespmem:v58+s11+$0x0] =	vst.idx.msk $0xffff, v52;
	v33 =	vld [tilespmem:s20+$0x0]  }
0x254: {  	v60 =	vld [tilespmem:s9+$0xFFFFFFF0];
	[tilespmem:v28+s11+$0x0] =	vst.idx.msk $0xffff, v37  }
0x255: {  	v48 =	vld [tilespmem:s20+$0xFFFFFFF0];
	[tilespmem:v29+s11+$0x0] =	vst.idx.msk $0xffff, v61;
	v29 =	vadd.s32 s17, v11  }
0x256: {  	v42 =	vld [tilespmem:s20+$0xFFFFFFE0];
	v61 =	vadd.s32 s17, v12  }
0x257: {  	v62 =	vadd.s32 s17, v13;
	v28 =	vld [tilespmem:s9+$0x10]  }
0x258: {  	s22 =	simm.s32 $0x4A9;
	v63 =	vadd.s32 s17, v14;
	v36 =	vld [tilespmem:s13+$0xFFFFFFE0]  }
0x259: {  	v49 =	vadd.s32 s22, v0;
	v38 =	vld [tilespmem:s13+$0xFFFFFFF0]  }
0x25a: {  	v50 =	vadd.s32 s22, v10;
	v51 =	vld [tilespmem:s13+$0x0];
	[tilespmem:v29+s11+$0x0] =	vst.idx.msk $0xffff, v60  }
0x25b: {  	v53 =	vld [tilespmem:s13+$0x20];
	v29 =	vadd.s32 s22, v11;
	[tilespmem:v61+s11+$0x0] =	vst.idx.msk $0xffff, v31  }
0x25c: {  	v52 =	vadd.s32 s22, v12;
	v55 =	vld [tilespmem:s13+$0x30];
	[tilespmem:v62+s11+$0x0] =	vst.idx.msk $0xffff, v28  }
0x25d: {  	v54 =	vadd.s32 s19, v15;
	v58 =	vld [tilespmem:s13+$0x50];
	[tilespmem:v63+s11+$0x0] =	vst.idx.msk $0xffff, v59  }
0x25e: {  	v56 =	vadd.s32 s19, v16;
	v31 =	vld [tilespmem:s13+$0x10];
	[tilespmem:v49+s11+$0x0] =	vst.idx.msk $0xffff, v30  }
0x25f: {  	v57 =	vadd.s32 s19, v17;
	v28 =	vld [tilespmem:s29+$0x10];
	[tilespmem:v50+s11+$0x0] =	vst.idx.msk $0xffff, v42  }
0x260: {  	v59 =	vadd.s32 s19, v18;
	v30 =	vld [tilespmem:s13+$0x40];
	[tilespmem:v29+s11+$0x0] =	vst.idx.msk $0xffff, v48  }
0x261: {  	s21 =	simm.s32 $0x10580;
	v60 =	vadd.s32 s19, v19;
	v29 =	vld [tilespmem:s29+$0x0];
	[tilespmem:v52+s11+$0x0] =	vst.idx.msk $0xffff, v33  }
0x262: {  	v61 =	vadd.s32 s19, v20;
	[tilespmem:v54+s11+$0x0] =	vst.idx.msk $0xffff, v36;
	v35 =	vld [tilespmem:s21+$0xFFFFFF80]  }
0x263: {  	v62 =	vadd.s32 s19, v21;
	[tilespmem:v56+s11+$0x0] =	vst.idx.msk $0xffff, v38;
	v63 =	vld [tilespmem:s21+$0xFFFFFF90]  }
0x264: {  	v48 =	vadd.s32 s19, v22;
	[tilespmem:v57+s11+$0x0] =	vst.idx.msk $0xffff, v51;
	v39 =	vld [tilespmem:s21+$0xFFFFFFD0]  }
0x265: {  	v49 =	vadd.s32 s22, v13;
	v50 =	vld [tilespmem:s20+$0x10];
	[tilespmem:v59+s11+$0x0] =	vst.idx.msk $0xffff, v31  }
0x266: {  	s2 =	simm.s32 $0x4FE;
	v31 =	vadd.s32 s22, v14;
	v51 =	vld [tilespmem:s20+$0x20];
	[tilespmem:v60+s11+$0x0] =	vst.idx.msk $0xffff, v53  }
0x267: {  	v52 =	vadd.s32 s2, v0;
	v40 =	vld [tilespmem:s21+$0xFFFFFFB0];
	[tilespmem:v61+s11+$0x0] =	vst.idx.msk $0xffff, v55  }
0x268: {  	v33 =	vld [tilespmem:s21+$0xFFFFFFC0];
	v53 =	vadd.s32 s2, v10;
	[tilespmem:v62+s11+$0x0] =	vst.idx.msk $0xffff, v30  }
0x269: {  	v54 =	vld [tilespmem:s21+$0xFFFFFFA0];
	v30 =	vadd.s32 s2, v11;
	[tilespmem:v48+s11+$0x0] =	vst.idx.msk $0xffff, v58  }
0x26a: {  	v55 =	vadd.s32 s2, v12;
	[tilespmem:v49+s11+$0x0] =	vst.idx.msk $0xffff, v50;
	v56 =	vld [tilespmem:s13+$0x60]  }
0x26b: {  	s14 =	simm.s32 $0x12480;
	v57 =	vadd.s32 s2, v13;
	v58 =	vld [tilespmem:s13+$0x70];
	[tilespmem:v31+s11+$0x0] =	vst.idx.msk $0xffff, v51  }
0x26c: {  	v59 =	vadd.s32 s2, v14;
	v60 =	vld [tilespmem:s14+$0xFFFFFF80];
	[tilespmem:v52+s11+$0x0] =	vst.idx.msk $0xffff, v35  }
0x26d: {  	v61 =	vadd.s32 s19, v23;
	v44 =	vld [tilespmem:s14+$0xFFFFFF90];
	[tilespmem:v53+s11+$0x0] =	vst.idx.msk $0xffff, v63  }
0x26e: {  	s1 =	simm.s32 $0x2FF;
	v62 =	vadd.s32 s19, v24;
	v42 =	vld [tilespmem:s14+$0xFFFFFFA0];
	[tilespmem:v30+s11+$0x0] =	vst.idx.msk $0xffff, v54  }
0x26f: {  	v41 =	vld [tilespmem:s14+$0xFFFFFFC0];
	v63 =	vadd.s32 s1, v0;
	[tilespmem:v55+s11+$0x0] =	vst.idx.msk $0xffff, v40  }
0x270: {  	s24 =	simm.s32 $0x7FE;
	v43 =	vld [tilespmem:s14+$0xFFFFFFD0];
	[tilespmem:v57+s11+$0x0] =	vst.idx.msk $0xffff, v33  }
0x271: {  	s0 =	simm.s32 $0xAFD;
	s4 =	simm.s32 $0xFEF0;
	v32 =	vadd.s32 s24, v12;
	v45 =	vadd.s32 s1, v14;
	v47 =	vadd.s32 s1, v10;
	v40 =	vld [tilespmem:s14+$0xFFFFFFB0];
	[tilespmem:v59+s11+$0x0] =	vst.idx.msk $0xffff, v39  }
0x272: {  	v46 =	vadd.s32 s1, v13;
	s5 =	simm.s32 $0xF8F0;
	s8 =	simm.s32 $0xEFC;
	s10 =	simm.s32 $0xFEF0;
	v36 =	vadd.s32 s2, v15;
	v48 =	vadd.s32 s1, v11;
	[tilespmem:v61+s11+$0x0] =	vst.idx.msk $0xffff, v56;
	v39 =	vld [tilespmem:s21+$0x10]  }
0x273: {  	s15 =	simm.s32 $0x6FE;
	v34 =	vadd.s32 s24, v13;
	s17 =	simm.s32 $0x12580;
	s22 =	simm.s32 $0x11580;
	v49 =	vadd.s32 s1, v12;
	v31 =	vadd.s32 s24, v11;
	[tilespmem:v62+s11+$0x0] =	vst.idx.msk $0xffff, v58;
	v37 =	vld [tilespmem:s21+$0x40]  }
0x274: {  	s20 =	simm.s32 $0x11580;
	s19 =	simm.s32 $0x12580;
	v35 =	vadd.s32 s24, v0;
	v30 =	vadd.s32 s24, v10;
	v33 =	vadd.s32 s24, v14;
	s24 =	simm.s32 $0x10680;
	v38 =	vld [tilespmem:s21+$0x50];
	[tilespmem:v63+s11+$0x0] =	vst.idx.msk $0xffff, v60  }
.LBB2_7:
0x275: {  	s19 =	sadd.s32 $0x100, s19  }
0x276: {  	v50 =	vld [tilespmem:s21+$0xFFFFFFE0];
	s22 =	sadd.s32 $0x100, s22;
	[tilespmem:v47+s11+$0x0] =	vst.idx.msk $0xffff, v44;
	s7 =	smov.u32 s8;
	s6 =	sadd.s32 $0x3FF, s8  }
0x277: {  	p0 =	sne.s32 s8, $0x3EF0;
	v44 =	vadd.s32 s2, v16;
	v47 =	vld [tilespmem:s21+$0xFFFFFFF0];
	[tilespmem:v48+s11+$0x0] =	vst.idx.msk $0xffff, v42  }
0x278: {  	v51 =	vadd.s32 s1, v16;
	v42 =	vadd.s32 s2, v17;
	v48 =	vld [tilespmem:s21+$0x0];
	[tilespmem:v49+s11+$0x0] =	vst.idx.msk $0xffff, v40  }
0x279: {  	v52 =	vadd.s32 s1, v17;
	v40 =	vadd.s32 s2, v18;
	v49 =	vld [tilespmem:s21+$0x20];
	[tilespmem:v46+s11+$0x0] =	vst.idx.msk $0xffff, v41  }
0x27a: {  	v53 =	vadd.s32 s1, v18;
	v41 =	vadd.s32 s2, v19;
	v46 =	vld [tilespmem:s21+$0x30];
	[tilespmem:v45+s11+$0x0] =	vst.idx.msk $0xffff, v43  }
0x27b: {  	v43 =	vadd.s32 s2, v20;
	[tilespmem:v36+s11+$0x0] =	vst.idx.msk $0xffff, v50;
	v36 =	vadd.s32 s1, v19;
	v45 =	vld [tilespmem:s14+$0x50]  }
0x27c: {  	v50 =	vadd.s32 s2, v21;
	[tilespmem:v44+s11+$0x0] =	vst.idx.msk $0xffff, v47;
	v44 =	vadd.s32 s1, v20;
	v47 =	vld [tilespmem:s14+$0xFFFFFFF0]  }
0x27d: {  	v54 =	vadd.s32 s2, v22;
	[tilespmem:v42+s11+$0x0] =	vst.idx.msk $0xffff, v48;
	v42 =	vadd.s32 s1, v15;
	v48 =	vadd.s32 s1, v21;
	v55 =	vld [tilespmem:s14+$0xFFFFFFE0]  }
0x27e: {  	[tilespmem:v40+s11+$0x0] =	vst.idx.msk $0xffff, v39;
	v39 =	vadd.s32 s1, v22;
	v40 =	vld [tilespmem:s14+$0x0]  }
0x27f: {  	[tilespmem:v41+s11+$0x0] =	vst.idx.msk $0xffff, v49;
	v41 =	vld [tilespmem:s14+$0x10]  }
0x280: {  	[tilespmem:v43+s11+$0x0] =	vst.idx.msk $0xffff, v46;
	v43 =	vld [tilespmem:s14+$0x20]  }
0x281: {  	[tilespmem:v50+s11+$0x0] =	vst.idx.msk $0xffff, v37;
	v37 =	vld [tilespmem:s14+$0x30]  }
0x282: {  	[tilespmem:v54+s11+$0x0] =	vst.idx.msk $0xffff, v38;
	v38 =	vld [tilespmem:s14+$0x40]  }
0x283: {  	v46 =	vld [tilespmem:s21+$0x60];
	[tilespmem:v42+s11+$0x0] =	vst.idx.msk $0xffff, v55  }
0x284: {  	v49 =	vadd.s32 s1, v23;
	v42 =	vld [tilespmem:s21+$0x70];
	[tilespmem:v51+s11+$0x0] =	vst.idx.msk $0xffff, v47;
	s21 =	smov.u32 s24  }
0x285: {  	v50 =	vadd.s32 s1, v24;
	s1 =	smov.u32 s15;
	s15 =	smov.u32 s0;
	s0 =	smov.u32 s7;
	v47 =	vld [tilespmem:s20+$0xFFFFFF80];
	[tilespmem:v52+s11+$0x0] =	vst.idx.msk $0xffff, v40  }
0x286: {  	v40 =	vld [tilespmem:s20+$0xFFFFFF90];
	[tilespmem:v53+s11+$0x0] =	vst.idx.msk $0xffff, v41  }
0x287: {  	v41 =	vld [tilespmem:s20+$0xFFFFFFA0];
	[tilespmem:v36+s11+$0x0] =	vst.idx.msk $0xffff, v43  }
0x288: {  	v36 =	vld [tilespmem:s20+$0xFFFFFFC0];
	[tilespmem:v44+s11+$0x0] =	vst.idx.msk $0xffff, v37  }
0x289: {  	v37 =	vld [tilespmem:s20+$0xFFFFFFD0];
	[tilespmem:v48+s11+$0x0] =	vst.idx.msk $0xffff, v38  }
0x28a: {  	v38 =	vld [tilespmem:s29+$0xFFFFFFD0];
	[tilespmem:v39+s11+$0x0] =	vst.idx.msk $0xffff, v45  }
0x28b: {  	v39 =	vld [tilespmem:s14+$0x60]  }
0x28c: {  	v43 =	vld [tilespmem:s14+$0x70];
	s14 =	smov.u32 s17;
	s17 =	smov.u32 s19  }
0x28d: {  	v45 =	vadd.s32 s2, v23;
	v44 =	vld [tilespmem:s29+$0xFFFFFFF0]  }
0x28e: {  	s7 =	sadd.s32 $0xFFFFFF00, s1;
	v51 =	vadd.s32 s2, v24;
	v48 =	vld [tilespmem:s29+$0xFFFFFFE0]  }
0x28f: {  	[tilespmem:v35+s11+$0x0] =	vst.idx.msk $0xffff, v38;
	v35 =	vadd.s32 s7, v0  }
0x290: {  	v38 =	vadd.s32 s7, v10;
	[tilespmem:v49+s11+$0x0] =	vst.idx.msk $0xffff, v39  }
0x291: {  	v39 =	vadd.s32 s7, v11;
	v49 =	vld [tilespmem:s20+$0xFFFFFFB0];
	[tilespmem:v50+s11+$0x0] =	vst.idx.msk $0xffff, v43  }
0x292: {  	v43 =	vadd.s32 s7, v12;
	[tilespmem:v45+s11+$0x0] =	vst.idx.msk $0xffff, v46  }
0x293: {  	[tilespmem:v51+s11+$0x0] =	vst.idx.msk $0xffff, v42  }
0x294: {  	[tilespmem:v35+s11+$0x0] =	vst.idx.msk $0xffff, v47  }
0x295: {  	[tilespmem:v38+s11+$0x0] =	vst.idx.msk $0xffff, v40  }
0x296: {  	[tilespmem:v39+s11+$0x0] =	vst.idx.msk $0xffff, v41  }
0x297: {  	s2 =	sadd.s32 $0xFFFFFD56, s15;
	[tilespmem:v43+s11+$0x0] =	vst.idx.msk $0xffff, v49  }
0x298: {  	v35 =	vadd.s32 s2, v0;
	[tilespmem:v30+s11+$0x0] =	vst.idx.msk $0xffff, v48  }
0x299: {  	v30 =	vadd.s32 s2, v10;
	[tilespmem:v31+s11+$0x0] =	vst.idx.msk $0xffff, v44  }
0x29a: {  	[tilespmem:v32+s11+$0x0] =	vst.idx.msk $0xffff, v29;
	v29 =	vadd.s32 s7, v13  }
0x29b: {  	s26 =	sadd.s32 $0x60, s26;
	[tilespmem:v34+s11+$0x0] =	vst.idx.msk $0xffff, v28;
	v28 =	vadd.s32 s7, v14  }
0x29c: {  	v31 =	vld [tilespmem:s26+$0xFFFFFFE0];
	[tilespmem:v33+s11+$0x0] =	vst.idx.msk $0xffff, v27  }
0x29d: {  	s29 =	sadd.s32 $0x60, s29;
	[tilespmem:v35+s11+$0x0] =	vst.idx.msk $0xffff, v25;
	v25 =	vld [tilespmem:s26+$0xFFFFFFD0]  }
0x29e: {  	v27 =	vld [tilespmem:s29+$0x20];
	[tilespmem:v30+s11+$0x0] =	vst.idx.msk $0xffff, v26  }
0x29f: {  	v38 =	vld [tilespmem:s4+$0xFFFFFFD0];
	[tilespmem:v29+s11+$0x0] =	vst.idx.msk $0xffff, v36  }
0x2a0: {  	v29 =	vld [tilespmem:s5+$0x0];
	[tilespmem:v28+s11+$0x0] =	vst.idx.msk $0xffff, v37  }
0x2a1: {  	v28 =	vld [tilespmem:s5+$0x20];
	v26 =	vmov v31  }
0x2a2: {  	v36 =	vld [tilespmem:s4+$0x0]  }
0x2a3: {  	s8 =	sadd.s32 $0xFFFFFD01, s0;
	v37 =	vld [tilespmem:s5+$0x10]  }
0x2a4: {  	v39 =	vadd.s32 s2, v11;
	v35 =	vadd.s32 s8, v0;
	v40 =	vld [tilespmem:s5+$0xFFFFFFF0];
	s5 =	smov.u32 s26  }
0x2a5: {  	v41 =	vadd.s32 s2, v12;
	v30 =	vadd.s32 s8, v10;
	v42 =	vld [tilespmem:s20+$0xFFFFFFE0]  }
0x2a6: {  	v43 =	vadd.s32 s2, v13;
	v31 =	vadd.s32 s8, v11;
	v44 =	vld [tilespmem:s20+$0xFFFFFFF0]  }
0x2a7: {  	v45 =	vadd.s32 s2, v14;
	s2 =	sadd.s32 $0xFFFFFDAB, s15;
	v32 =	vadd.s32 s8, v12;
	v46 =	vld [tilespmem:s4+$0xFFFFFFF0]  }
0x2a8: {  	v47 =	vadd.s32 s2, v0;
	v34 =	vadd.s32 s8, v13;
	v48 =	vld [tilespmem:s4+$0xFFFFFFE0]  }
0x2a9: {  	v49 =	vadd.s32 s2, v10;
	v33 =	vadd.s32 s8, v14;
	[tilespmem:v39+s11+$0x0] =	vst.idx.msk $0xffff, v40;
	v39 =	vld [tilespmem:s20+$0x0]  }
0x2aa: {  	v40 =	vadd.s32 s2, v11;
	[tilespmem:v41+s11+$0x0] =	vst.idx.msk $0xffff, v29;
	v41 =	vld [tilespmem:s20+$0x10]  }
0x2ab: {  	v50 =	vadd.s32 s2, v12;
	[tilespmem:v43+s11+$0x0] =	vst.idx.msk $0xffff, v37;
	v37 =	vadd.s32 s7, v15;
	v43 =	vld [tilespmem:s20+$0x20]  }
0x2ac: {  	[tilespmem:v45+s11+$0x0] =	vst.idx.msk $0xffff, v28;
	v45 =	vadd.s32 s7, v16;
	v51 =	vld [tilespmem:s20+$0x30]  }
0x2ad: {  	[tilespmem:v47+s11+$0x0] =	vst.idx.msk $0xffff, v38;
	v38 =	vadd.s32 s7, v17;
	v47 =	vld [tilespmem:s20+$0x40]  }
0x2ae: {  	[tilespmem:v49+s11+$0x0] =	vst.idx.msk $0xffff, v48;
	v48 =	vadd.s32 s7, v18;
	v49 =	vld [tilespmem:s20+$0x50]  }
0x2af: {  	v28 =	vld [tilespmem:s29+$0x10];
	[tilespmem:v40+s11+$0x0] =	vst.idx.msk $0xffff, v46;
	v40 =	vadd.s32 s7, v19  }
0x2b0: {  	s4 =	sadd.s32 $0x60, s4;
	v46 =	vadd.s32 s7, v20;
	v29 =	vld [tilespmem:s29+$0x0];
	[tilespmem:v50+s11+$0x0] =	vst.idx.msk $0xffff, v36  }
0x2b1: {  	v52 =	vadd.s32 s7, v21;
	v50 =	vld [tilespmem:s24+$0xFFFFFF80];
	[tilespmem:v37+s11+$0x0] =	vst.idx.msk $0xffff, v42  }
0x2b2: {  	v42 =	vadd.s32 s7, v22;
	v37 =	vld [tilespmem:s24+$0xFFFFFF90];
	[tilespmem:v45+s11+$0x0] =	vst.idx.msk $0xffff, v44  }
0x2b3: {  	v53 =	vld [tilespmem:s24+$0xFFFFFFD0];
	[tilespmem:v38+s11+$0x0] =	vst.idx.msk $0xffff, v39  }
0x2b4: {  	v38 =	vadd.s32 s2, v13;
	v39 =	vld [tilespmem:s10+$0x10];
	[tilespmem:v48+s11+$0x0] =	vst.idx.msk $0xffff, v41  }
0x2b5: {  	v41 =	vadd.s32 s2, v14;
	s2 =	sadd.s32 $0xFFFFFE00, s15;
	v44 =	vld [tilespmem:s10+$0x20];
	[tilespmem:v40+s11+$0x0] =	vst.idx.msk $0xffff, v43;
	s10 =	smov.u32 s4  }
0x2b6: {  	v40 =	vadd.s32 s2, v0;
	v36 =	vadd.s32 s2, v15;
	v43 =	vld [tilespmem:s24+$0xFFFFFFB0];
	[tilespmem:v46+s11+$0x0] =	vst.idx.msk $0xffff, v51  }
0x2b7: {  	v45 =	vadd.s32 s2, v10;
	v51 =	vld [tilespmem:s24+$0xFFFFFFC0];
	[tilespmem:v52+s11+$0x0] =	vst.idx.msk $0xffff, v47  }
0x2b8: {  	v46 =	vadd.s32 s2, v11;
	v52 =	vld [tilespmem:s24+$0xFFFFFFA0];
	[tilespmem:v42+s11+$0x0] =	vst.idx.msk $0xffff, v49  }
0x2b9: {  	v54 =	vadd.s32 s2, v12;
	[tilespmem:v38+s11+$0x0] =	vst.idx.msk $0xffff, v39;
	v38 =	vadd.s32 s7, v24;
	v55 =	vld [tilespmem:s20+$0x60]  }
0x2ba: {  	v56 =	vadd.s32 s1, v0;
	v47 =	vadd.s32 s1, v10;
	v39 =	vadd.s32 s2, v13;
	[tilespmem:v41+s11+$0x0] =	vst.idx.msk $0xffff, v44;
	v57 =	vld [tilespmem:s20+$0x70];
	s20 =	smov.u32 s22  }
0x2bb: {  	v58 =	vadd.s32 s2, v14;
	[tilespmem:v40+s11+$0x0] =	vst.idx.msk $0xffff, v50;
	v50 =	vadd.s32 s7, v23;
	v59 =	vld [tilespmem:s14+$0xFFFFFF80]  }
0x2bc: {  	v48 =	vadd.s32 s1, v11;
	[tilespmem:v45+s11+$0x0] =	vst.idx.msk $0xffff, v37;
	v44 =	vld [tilespmem:s14+$0xFFFFFF90]  }
0x2bd: {  	v49 =	vadd.s32 s1, v12;
	[tilespmem:v46+s11+$0x0] =	vst.idx.msk $0xffff, v52;
	v42 =	vld [tilespmem:s14+$0xFFFFFFA0]  }
0x2be: {  	v46 =	vadd.s32 s1, v13;
	[tilespmem:v54+s11+$0x0] =	vst.idx.msk $0xffff, v43;
	v40 =	vld [tilespmem:s14+$0xFFFFFFB0]  }
.Ltmp2:
0x2bf: {  	s24 =	sadd.s32 $0x100, s24;
	v45 =	vadd.s32 s1, v14;
	[tilespmem:v39+s11+$0x0] =	vst.idx.msk $0xffff, v51;
	v41 =	vld [tilespmem:s14+$0xFFFFFFC0];
	(pc) =	sbr.rel @p0 .LBB2_7-.Ltmp2, $4  }
0x2c0: {  	[tilespmem:v58+s11+$0x0] =	vst.idx.msk $0xffff, v53;
	v43 =	vld [tilespmem:s14+$0xFFFFFFD0]  }
0x2c1: {  	v39 =	vld [tilespmem:s21+$0x10];
	[tilespmem:v50+s11+$0x0] =	vst.idx.msk $0xffff, v55  }
0x2c2: {  	v37 =	vld [tilespmem:s21+$0x40];
	[tilespmem:v38+s11+$0x0] =	vst.idx.msk $0xffff, v57  }
0x2c3: {  	s8 =	smov.u32 s6;
	v38 =	vld [tilespmem:s21+$0x50];
	[tilespmem:v56+s11+$0x0] =	vst.idx.msk $0xffff, v59  }
0x2c4: {  	v50 =	vld [tilespmem:s29+$0xFFFFFFD0]  }
0x2c5: {  	v51 =	vld [tilespmem:s29+$0xFFFFFFE0]  }
0x2c6: {  	v52 =	vld [tilespmem:s29+$0xFFFFFFF0];
	_ =	sdelay $0x2  }
0x2c7: {  	s6 =	sadd.s32 $0xFFFFFD56, s0;
	[tilespmem:v35+s11+$0x0] =	vst.idx.msk $0xffff, v50  }
0x2c8: {  	v62 =	vadd.s32 s6, v0;
	[tilespmem:v30+s11+$0x0] =	vst.idx.msk $0xffff, v51  }
0x2c9: {  	v63 =	vadd.s32 s6, v10;
	[tilespmem:v31+s11+$0x0] =	vst.idx.msk $0xffff, v52  }
0x2ca: {  	[tilespmem:v32+s11+$0x0] =	vst.idx.msk $0xffff, v29  }
0x2cb: {  	[tilespmem:v34+s11+$0x0] =	vst.idx.msk $0xffff, v28  }
0x2cc: {  	[tilespmem:v33+s11+$0x0] =	vst.idx.msk $0xffff, v27  }
0x2cd: {  	[tilespmem:v62+s11+$0x0] =	vst.idx.msk $0xffff, v25  }
0x2ce: {  	[tilespmem:v63+s11+$0x0] =	vst.idx.msk $0xffff, v26  }
0x2cf: {  	v25 =	vld [tilespmem:s4+$0xFFFFFFD0]  }
0x2d0: {  	v26 =	vld [tilespmem:s5+$0x0]  }
0x2d1: {  	[tilespmem:v47+s11+$0x0] =	vst.idx.msk $0xffff, v44;
	v47 =	vadd.s32 s6, v11;
	v29 =	vld [tilespmem:s5+$0xFFFFFFF0]  }
0x2d2: {  	[tilespmem:v48+s11+$0x0] =	vst.idx.msk $0xffff, v42;
	v48 =	vadd.s32 s6, v12;
	v27 =	vld [tilespmem:s5+$0x20]  }
0x2d3: {  	[tilespmem:v49+s11+$0x0] =	vst.idx.msk $0xffff, v40;
	v50 =	vadd.s32 s6, v13;
	v32 =	vld [tilespmem:s5+$0x10]  }
0x2d4: {  	s8 =	sadd.s32 $0xFFFFFDAB, s0;
	[tilespmem:v46+s11+$0x0] =	vst.idx.msk $0xffff, v41;
	v51 =	vadd.s32 s6, v14;
	v30 =	vld [tilespmem:s4+$0x0]  }
0x2d5: {  	[tilespmem:v45+s11+$0x0] =	vst.idx.msk $0xffff, v43;
	v52 =	vadd.s32 s8, v0;
	v35 =	vld [tilespmem:s4+$0xFFFFFFF0]  }
0x2d6: {  	v54 =	vadd.s32 s8, v10;
	v53 =	vld [tilespmem:s4+$0xFFFFFFE0];
	[tilespmem:v47+s11+$0x0] =	vst.idx.msk $0xffff, v29  }
0x2d7: {  	v55 =	vadd.s32 s8, v11;
	[tilespmem:v48+s11+$0x0] =	vst.idx.msk $0xffff, v26  }
0x2d8: {  	v26 =	vadd.s32 s8, v12;
	[tilespmem:v50+s11+$0x0] =	vst.idx.msk $0xffff, v32  }
0x2d9: {  	v56 =	vld [tilespmem:s21+$0xFFFFFFE0];
	[tilespmem:v51+s11+$0x0] =	vst.idx.msk $0xffff, v27  }
0x2da: {  	v57 =	vld [tilespmem:s21+$0xFFFFFFF0];
	v27 =	vadd.s32 s2, v16;
	[tilespmem:v52+s11+$0x0] =	vst.idx.msk $0xffff, v25  }
0x2db: {  	v58 =	vld [tilespmem:s21+$0x0];
	v25 =	vadd.s32 s2, v17;
	[tilespmem:v54+s11+$0x0] =	vst.idx.msk $0xffff, v53  }
0x2dc: {  	v59 =	vadd.s32 s2, v18;
	v60 =	vld [tilespmem:s21+$0x20];
	[tilespmem:v55+s11+$0x0] =	vst.idx.msk $0xffff, v35  }
0x2dd: {  	v61 =	vadd.s32 s2, v19;
	v62 =	vld [tilespmem:s21+$0x30];
	[tilespmem:v26+s11+$0x0] =	vst.idx.msk $0xffff, v30  }
0x2de: {  	[tilespmem:v36+s11+$0x0] =	vst.idx.msk $0xffff, v56;
	v26 =	vadd.s32 s2, v20;
	v63 =	vld [tilespmem:s24+$0xFFFFFF80]  }
0x2df: {  	v40 =	vadd.s32 s2, v21;
	[tilespmem:v27+s11+$0x0] =	vst.idx.msk $0xffff, v57;
	v27 =	vld [tilespmem:s24+$0xFFFFFF90]  }
0x2e0: {  	v42 =	vadd.s32 s8, v13;
	v43 =	vld [tilespmem:s10+$0x10];
	[tilespmem:v25+s11+$0x0] =	vst.idx.msk $0xffff, v58  }
0x2e1: {  	v41 =	vadd.s32 s2, v22;
	v45 =	vld [tilespmem:s10+$0x20];
	[tilespmem:v59+s11+$0x0] =	vst.idx.msk $0xffff, v39  }
0x2e2: {  	s9 =	sadd.s32 $0xFFFFFE00, s0;
	v44 =	vadd.s32 s8, v14;
	v46 =	vld [tilespmem:s24+$0xFFFFFFB0];
	[tilespmem:v61+s11+$0x0] =	vst.idx.msk $0xffff, v60  }
0x2e3: {  	v48 =	vld [tilespmem:s24+$0xFFFFFFC0];
	[tilespmem:v26+s11+$0x0] =	vst.idx.msk $0xffff, v62;
	v26 =	vadd.s32 s9, v0  }
0x2e4: {  	v47 =	vadd.s32 s9, v10;
	v50 =	vld [tilespmem:s24+$0xFFFFFFA0];
	[tilespmem:v40+s11+$0x0] =	vst.idx.msk $0xffff, v37  }
0x2e5: {  	v49 =	vadd.s32 s9, v11;
	v25 =	vld [tilespmem:s24+$0xFFFFFFD0];
	[tilespmem:v42+s11+$0x0] =	vst.idx.msk $0xffff, v43  }
0x2e6: {  	v51 =	vld [tilespmem:s14+$0x50];
	v52 =	vadd.s32 s9, v12;
	[tilespmem:v41+s11+$0x0] =	vst.idx.msk $0xffff, v38  }
0x2e7: {  	v53 =	vld [tilespmem:s14+$0xFFFFFFF0];
	v54 =	vadd.s32 s9, v13;
	[tilespmem:v44+s11+$0x0] =	vst.idx.msk $0xffff, v45  }
0x2e8: {  	v56 =	vadd.s32 s9, v14;
	v55 =	vld [tilespmem:s14+$0xFFFFFFE0];
	[tilespmem:v26+s11+$0x0] =	vst.idx.msk $0xffff, v63  }
0x2e9: {  	v57 =	vld [tilespmem:s14+$0x0];
	v26 =	vadd.s32 s1, v15;
	[tilespmem:v47+s11+$0x0] =	vst.idx.msk $0xffff, v27  }
0x2ea: {  	v58 =	vld [tilespmem:s14+$0x10];
	v27 =	vadd.s32 s1, v16;
	[tilespmem:v49+s11+$0x0] =	vst.idx.msk $0xffff, v50  }
0x2eb: {  	v59 =	vadd.s32 s1, v17;
	v60 =	vld [tilespmem:s14+$0x20];
	[tilespmem:v52+s11+$0x0] =	vst.idx.msk $0xffff, v46  }
0x2ec: {  	v61 =	vadd.s32 s1, v18;
	v62 =	vld [tilespmem:s14+$0x30];
	[tilespmem:v54+s11+$0x0] =	vst.idx.msk $0xffff, v48  }
0x2ed: {  	v40 =	vld [tilespmem:s14+$0x40];
	v63 =	vadd.s32 s1, v19;
	[tilespmem:v56+s11+$0x0] =	vst.idx.msk $0xffff, v25  }
0x2ee: {  	v52 =	vld [tilespmem:s21+$0x60];
	v25 =	vadd.s32 s1, v20;
	[tilespmem:v26+s11+$0x0] =	vst.idx.msk $0xffff, v55  }
0x2ef: {  	v41 =	vadd.s32 s1, v21;
	v26 =	vld [tilespmem:s24+$0x10];
	[tilespmem:v27+s11+$0x0] =	vst.idx.msk $0xffff, v53  }
0x2f0: {  	v42 =	vadd.s32 s1, v22;
	v27 =	vld [tilespmem:s24+$0x40];
	[tilespmem:v59+s11+$0x0] =	vst.idx.msk $0xffff, v57  }
0x2f1: {  	v44 =	vadd.s32 s9, v15;
	v45 =	vld [tilespmem:s24+$0xFFFFFFE0];
	[tilespmem:v61+s11+$0x0] =	vst.idx.msk $0xffff, v58  }
0x2f2: {  	v46 =	vadd.s32 s9, v16;
	v34 =	vld [tilespmem:s24+$0xFFFFFFF0];
	[tilespmem:v63+s11+$0x0] =	vst.idx.msk $0xffff, v60  }
0x2f3: {  	v47 =	vld [tilespmem:s24+$0x0];
	[tilespmem:v25+s11+$0x0] =	vst.idx.msk $0xffff, v62;
	v25 =	vadd.s32 s9, v17  }
0x2f4: {  	v48 =	vadd.s32 s9, v18;
	v43 =	vld [tilespmem:s24+$0x50];
	[tilespmem:v41+s11+$0x0] =	vst.idx.msk $0xffff, v40  }
0x2f5: {  	v50 =	vadd.s32 s9, v19;
	v49 =	vld [tilespmem:s24+$0x20];
	[tilespmem:v42+s11+$0x0] =	vst.idx.msk $0xffff, v51  }
0x2f6: {  	v53 =	vadd.s32 s9, v20;
	v51 =	vld [tilespmem:s24+$0x30];
	[tilespmem:v44+s11+$0x0] =	vst.idx.msk $0xffff, v45  }
0x2f7: {  	v54 =	vld [tilespmem:s21+$0x70];
	v55 =	vadd.s32 s9, v21;
	[tilespmem:v46+s11+$0x0] =	vst.idx.msk $0xffff, v34  }
0x2f8: {  	v56 =	vld [tilespmem:s20+$0xFFFFFF80];
	v57 =	vadd.s32 s9, v22;
	[tilespmem:v25+s11+$0x0] =	vst.idx.msk $0xffff, v47  }
0x2f9: {  	v58 =	vadd.s32 s2, v23;
	v60 =	vld [tilespmem:s20+$0xFFFFFFC0];
	[tilespmem:v48+s11+$0x0] =	vst.idx.msk $0xffff, v26  }
0x2fa: {  	s13 =	sadd.s32 $0xFFFFFF00, s15;
	v59 =	vadd.s32 s2, v24;
	v62 =	vld [tilespmem:s20+$0xFFFFFFD0];
	[tilespmem:v50+s11+$0x0] =	vst.idx.msk $0xffff, v49  }
0x2fb: {  	v61 =	vadd.s32 s13, v0;
	v41 =	vld [tilespmem:s20+$0xFFFFFFB0];
	[tilespmem:v53+s11+$0x0] =	vst.idx.msk $0xffff, v51  }
0x2fc: {  	v63 =	vadd.s32 s13, v10;
	v25 =	vld [tilespmem:s20+$0xFFFFFF90];
	[tilespmem:v55+s11+$0x0] =	vst.idx.msk $0xffff, v27  }
0x2fd: {  	v26 =	vld [tilespmem:s20+$0xFFFFFFA0];
	v27 =	vadd.s32 s13, v11;
	[tilespmem:v57+s11+$0x0] =	vst.idx.msk $0xffff, v43  }
0x2fe: {  	v42 =	vadd.s32 s13, v12;
	[tilespmem:v58+s11+$0x0] =	vst.idx.msk $0xffff, v52;
	v34 =	vld [tilespmem:s24+$0x60]  }
0x2ff: {  	s21 =	sadd.s32 $0x100, s22;
	[tilespmem:v59+s11+$0x0] =	vst.idx.msk $0xffff, v54;
	v43 =	vadd.s32 s13, v13;
	v44 =	vld [tilespmem:s24+$0x70]  }
0x300: {  	v45 =	vadd.s32 s13, v14;
	[tilespmem:v61+s11+$0x0] =	vst.idx.msk $0xffff, v56;
	v46 =	vld [tilespmem:s21+$0xFFFFFF80]  }
0x301: {  	v47 =	vadd.s32 s9, v23;
	[tilespmem:v63+s11+$0x0] =	vst.idx.msk $0xffff, v25;
	v25 =	vld [tilespmem:s21+$0xFFFFFF90]  }
0x302: {  	s22 =	sadd.s32 $0xFFFFFF00, s0;
	v48 =	vld [tilespmem:s21+$0xFFFFFFC0];
	[tilespmem:v27+s11+$0x0] =	vst.idx.msk $0xffff, v26;
	v27 =	vadd.s32 s9, v24  }
0x303: {  	v49 =	vadd.s32 s22, v0;
	v50 =	vld [tilespmem:s21+$0xFFFFFFD0];
	[tilespmem:v42+s11+$0x0] =	vst.idx.msk $0xffff, v41  }
0x304: {  	v51 =	vadd.s32 s22, v10;
	v53 =	vld [tilespmem:s21+$0xFFFFFFB0];
	[tilespmem:v43+s11+$0x0] =	vst.idx.msk $0xffff, v60  }
0x305: {  	v52 =	vadd.s32 s22, v11;
	v26 =	vld [tilespmem:s21+$0xFFFFFFA0];
	[tilespmem:v45+s11+$0x0] =	vst.idx.msk $0xffff, v62  }
0x306: {  	v54 =	vadd.s32 s22, v12;
	[tilespmem:v47+s11+$0x0] =	vst.idx.msk $0xffff, v34;
	v38 =	vld [tilespmem:s20+$0xFFFFFFE0]  }
0x307: {  	v55 =	vld [tilespmem:s20+$0xFFFFFFF0];
	[tilespmem:v27+s11+$0x0] =	vst.idx.msk $0xffff, v44;
	v27 =	vadd.s32 s22, v13  }
0x308: {  	v57 =	vadd.s32 s22, v14;
	v56 =	vld [tilespmem:s20+$0x0];
	[tilespmem:v49+s11+$0x0] =	vst.idx.msk $0xffff, v46  }
0x309: {  	v59 =	vadd.s32 s13, v15;
	v58 =	vld [tilespmem:s20+$0x10];
	[tilespmem:v51+s11+$0x0] =	vst.idx.msk $0xffff, v25  }
0x30a: {  	v60 =	vadd.s32 s13, v16;
	v62 =	vld [tilespmem:s20+$0x40];
	[tilespmem:v52+s11+$0x0] =	vst.idx.msk $0xffff, v26  }
0x30b: {  	v61 =	vadd.s32 s13, v17;
	v25 =	vld [tilespmem:s20+$0x20];
	[tilespmem:v54+s11+$0x0] =	vst.idx.msk $0xffff, v53  }
0x30c: {  	v63 =	vadd.s32 s13, v18;
	v26 =	vld [tilespmem:s20+$0x30];
	[tilespmem:v27+s11+$0x0] =	vst.idx.msk $0xffff, v48  }
0x30d: {  	v40 =	vadd.s32 s13, v19;
	v27 =	vld [tilespmem:s20+$0x50];
	[tilespmem:v57+s11+$0x0] =	vst.idx.msk $0xffff, v50  }
0x30e: {  	v41 =	vadd.s32 s13, v20;
	[tilespmem:v59+s11+$0x0] =	vst.idx.msk $0xffff, v38;
	v31 =	vld [tilespmem:s21+$0xFFFFFFE0]  }
0x30f: {  	v42 =	vadd.s32 s13, v21;
	[tilespmem:v60+s11+$0x0] =	vst.idx.msk $0xffff, v55;
	v43 =	vld [tilespmem:s21+$0xFFFFFFF0]  }
0x310: {  	v44 =	vadd.s32 s13, v22;
	[tilespmem:v61+s11+$0x0] =	vst.idx.msk $0xffff, v56;
	v45 =	vld [tilespmem:s21+$0x0]  }
0x311: {  	v47 =	vadd.s32 s22, v15;
	v46 =	vld [tilespmem:s21+$0x10];
	[tilespmem:v63+s11+$0x0] =	vst.idx.msk $0xffff, v58  }
0x312: {  	v48 =	vadd.s32 s22, v16;
	v50 =	vld [tilespmem:s21+$0x40];
	[tilespmem:v40+s11+$0x0] =	vst.idx.msk $0xffff, v25  }
0x313: {  	v49 =	vadd.s32 s22, v17;
	v25 =	vld [tilespmem:s21+$0x20];
	[tilespmem:v41+s11+$0x0] =	vst.idx.msk $0xffff, v26  }
0x314: {  	v51 =	vadd.s32 s22, v18;
	v26 =	vld [tilespmem:s21+$0x30];
	[tilespmem:v42+s11+$0x0] =	vst.idx.msk $0xffff, v62  }
0x315: {  	v52 =	vadd.s32 s22, v19;
	[tilespmem:v44+s11+$0x0] =	vst.idx.msk $0xffff, v27;
	v27 =	vld [tilespmem:s21+$0x50]  }
0x316: {  	v53 =	vadd.s32 s22, v20;
	[tilespmem:v47+s11+$0x0] =	vst.idx.msk $0xffff, v31;
	v38 =	vld [tilespmem:s20+$0x60]  }
0x317: {  	v55 =	vadd.s32 s22, v21;
	v54 =	vld [tilespmem:s20+$0x70];
	[tilespmem:v48+s11+$0x0] =	vst.idx.msk $0xffff, v43  }
0x318: {  	v58 =	vadd.s32 s13, v23;
	v56 =	vld [tilespmem:s17+$0xFFFFFF80];
	[tilespmem:v49+s11+$0x0] =	vst.idx.msk $0xffff, v45  }
0x319: {  	v57 =	vadd.s32 s22, v22;
	v59 =	vld [tilespmem:s17+$0xFFFFFF90];
	[tilespmem:v51+s11+$0x0] =	vst.idx.msk $0xffff, v46  }
0x31a: {  	v60 =	vadd.s32 s13, v24;
	v61 =	vld [tilespmem:s17+$0xFFFFFFA0];
	[tilespmem:v52+s11+$0x0] =	vst.idx.msk $0xffff, v25  }
0x31b: {  	v62 =	vld [tilespmem:s17+$0xFFFFFFB0];
	v25 =	vadd.s32 s15, v0;
	[tilespmem:v53+s11+$0x0] =	vst.idx.msk $0xffff, v26  }
0x31c: {  	v63 =	vld [tilespmem:s17+$0xFFFFFFC0];
	v26 =	vadd.s32 s15, v10;
	[tilespmem:v55+s11+$0x0] =	vst.idx.msk $0xffff, v50  }
0x31d: {  	v40 =	vadd.s32 s15, v11;
	v41 =	vld [tilespmem:s17+$0xFFFFFFD0];
	[tilespmem:v58+s11+$0x0] =	vst.idx.msk $0xffff, v38  }
0x31e: {  	[tilespmem:v57+s11+$0x0] =	vst.idx.msk $0xffff, v27;
	v27 =	vadd.s32 s15, v12  }
0x31f: {  	v43 =	vadd.s32 s15, v13;
	[tilespmem:v60+s11+$0x0] =	vst.idx.msk $0xffff, v54;
	v42 =	vld [tilespmem:s21+$0x60]  }
0x320: {  	s24 =	sadd.s32 $0x100, s19;
	v45 =	vadd.s32 s15, v14;
	v44 =	vld [tilespmem:s21+$0x70];
	[tilespmem:v25+s11+$0x0] =	vst.idx.msk $0xffff, v56  }
0x321: {  	v46 =	vld [tilespmem:s24+$0xFFFFFF90];
	[tilespmem:v26+s11+$0x0] =	vst.idx.msk $0xffff, v59;
	v26 =	vadd.s32 s22, v23  }
0x322: {  	v47 =	vadd.s32 s22, v24;
	v48 =	vld [tilespmem:s24+$0xFFFFFFA0];
	[tilespmem:v40+s11+$0x0] =	vst.idx.msk $0xffff, v61  }
0x323: {  	v25 =	vld [tilespmem:s24+$0xFFFFFF80];
	[tilespmem:v27+s11+$0x0] =	vst.idx.msk $0xffff, v62;
	v27 =	vadd.s32 s0, v0  }
0x324: {  	v50 =	vadd.s32 s0, v10;
	v49 =	vld [tilespmem:s24+$0xFFFFFFB0];
	[tilespmem:v43+s11+$0x0] =	vst.idx.msk $0xffff, v63  }
0x325: {  	v52 =	vadd.s32 s0, v11;
	v51 =	vld [tilespmem:s24+$0xFFFFFFC0];
	[tilespmem:v45+s11+$0x0] =	vst.idx.msk $0xffff, v41  }
0x326: {  	v54 =	vadd.s32 s0, v12;
	v53 =	vld [tilespmem:s24+$0xFFFFFFD0];
	[tilespmem:v26+s11+$0x0] =	vst.idx.msk $0xffff, v42  }
0x327: {  	v55 =	vadd.s32 s0, v13;
	v38 =	vld [tilespmem:s17+$0x50];
	[tilespmem:v47+s11+$0x0] =	vst.idx.msk $0xffff, v44  }
0x328: {  	v57 =	vadd.s32 s0, v14;
	v26 =	vld [tilespmem:s17+$0xFFFFFFF0];
	[tilespmem:v27+s11+$0x0] =	vst.idx.msk $0xffff, v25  }
0x329: {  	v56 =	vld [tilespmem:s17+$0xFFFFFFE0];
	v25 =	vadd.s32 s15, v15;
	[tilespmem:v50+s11+$0x0] =	vst.idx.msk $0xffff, v46  }
0x32a: {  	v58 =	vadd.s32 s15, v16;
	v59 =	vld [tilespmem:s17+$0x10];
	[tilespmem:v52+s11+$0x0] =	vst.idx.msk $0xffff, v48  }
0x32b: {  	v60 =	vadd.s32 s15, v17;
	v27 =	vld [tilespmem:s17+$0x0];
	[tilespmem:v54+s11+$0x0] =	vst.idx.msk $0xffff, v49  }
0x32c: {  	v62 =	vadd.s32 s15, v18;
	v61 =	vld [tilespmem:s17+$0x20];
	[tilespmem:v55+s11+$0x0] =	vst.idx.msk $0xffff, v51  }
0x32d: {  	v40 =	vadd.s32 s15, v19;
	v63 =	vld [tilespmem:s17+$0x30];
	[tilespmem:v57+s11+$0x0] =	vst.idx.msk $0xffff, v53  }
0x32e: {  	v41 =	vld [tilespmem:s17+$0x40];
	v42 =	vadd.s32 s15, v20;
	[tilespmem:v25+s11+$0x0] =	vst.idx.msk $0xffff, v56  }
0x32f: {  	v55 =	vadd.s32 s1, v23;
	v56 =	vld [tilespmem:s14+$0x60];
	[tilespmem:v58+s11+$0x0] =	vst.idx.msk $0xffff, v26  }
0x330: {  	v43 =	vadd.s32 s15, v21;
	v25 =	vld [tilespmem:s24+$0x50];
	[tilespmem:v60+s11+$0x0] =	vst.idx.msk $0xffff, v27  }
0x331: {  	v57 =	vadd.s32 s1, v24;
	v58 =	vld [tilespmem:s14+$0x70];
	[tilespmem:v62+s11+$0x0] =	vst.idx.msk $0xffff, v59  }
0x332: {  	v44 =	vadd.s32 s15, v22;
	v26 =	vld [tilespmem:s24+$0xFFFFFFF0];
	[tilespmem:v40+s11+$0x0] =	vst.idx.msk $0xffff, v61  }
0x333: {  	v45 =	vadd.s32 s0, v15;
	v27 =	vld [tilespmem:s24+$0xFFFFFFE0];
	[tilespmem:v42+s11+$0x0] =	vst.idx.msk $0xffff, v63  }
0x334: {  	v47 =	vadd.s32 s0, v16;
	v46 =	vld [tilespmem:s24+$0x0];
	[tilespmem:v55+s11+$0x0] =	vst.idx.msk $0xffff, v56  }
0x335: {  	v49 =	vadd.s32 s0, v17;
	v48 =	vld [tilespmem:s24+$0x10];
	[tilespmem:v43+s11+$0x0] =	vst.idx.msk $0xffff, v41  }
0x336: {  	v51 =	vadd.s32 s0, v18;
	v50 =	vld [tilespmem:s24+$0x20];
	[tilespmem:v57+s11+$0x0] =	vst.idx.msk $0xffff, v58  }
0x337: {  	v52 =	vadd.s32 s0, v19;
	v36 =	vld [tilespmem:s24+$0x30];
	[tilespmem:v44+s11+$0x0] =	vst.idx.msk $0xffff, v38  }
0x338: {  	v54 =	vadd.s32 s0, v20;
	v53 =	vld [tilespmem:s24+$0x40];
	[tilespmem:v45+s11+$0x0] =	vst.idx.msk $0xffff, v27  }
0x339: {  	v27 =	vadd.s32 s0, v21;
	[tilespmem:v47+s11+$0x0] =	vst.idx.msk $0xffff, v26  }
0x33a: {  	v26 =	vadd.s32 s0, v22;
	[tilespmem:v49+s11+$0x0] =	vst.idx.msk $0xffff, v46  }
0x33b: {  	[tilespmem:v51+s11+$0x0] =	vst.idx.msk $0xffff, v48  }
0x33c: {  	[tilespmem:v52+s11+$0x0] =	vst.idx.msk $0xffff, v50  }
0x33d: {  	[tilespmem:v54+s11+$0x0] =	vst.idx.msk $0xffff, v36  }
0x33e: {  	[tilespmem:v27+s11+$0x0] =	vst.idx.msk $0xffff, v53  }
0x33f: {  	v59 =	vadd.s32 s15, v23;
	v60 =	vld [tilespmem:s17+$0x60];
	[tilespmem:v26+s11+$0x0] =	vst.idx.msk $0xffff, v25  }
0x340: {  	v61 =	vld [tilespmem:s17+$0x70];
	v27 =	vadd.s32 s15, v24;
	s26 =	rddreg [dreg:$0x8]  }
0x341: {  	v25 =	vadd.s32 s0, v23;
	v26 =	vld [tilespmem:s24+$0x60];
	s29 =	rddreg [dreg:$0xe]  }
0x342: {  	s12 =	sadd.s32 $0x1, s12;
	v62 =	vadd.s32 s0, v24;
	v63 =	vld [tilespmem:s24+$0x70];
	s0 =	sadd.s32 s26, s29  }
0x343: {  	p0 =	sne.s32 s12, $0x80;
	s0 =	smul.u32 $0x3FF, s0  }
.Ltmp3:
0x344: {  	[tilespmem:v59+s11+$0x0] =	vst.idx.msk $0xffff, v60;
	(pc) =	sbr.rel @p0 .LBB2_4-.Ltmp3, $4  }
0x345: {  	[tilespmem:v27+s11+$0x0] =	vst.idx.msk $0xffff, v61  }
0x346: {  	s0 =	sshrl.u32 s0, $0x3;
	[tilespmem:v25+s11+$0x0] =	vst.idx.msk $0xffff, v26  }
0x347: {  	s0 =	sadd.s32 s30, s0;
	[tilespmem:v62+s11+$0x0] =	vst.idx.msk $0xffff, v63  }
0x348: {  	[hbm4b:s0+s3] =	stream.linear.scatter [tilespmem:s11], [sflag:$0x4], $0x3FF0, $0x38;
	[tilespmem:$0x1B3E0] =	vst v63  }
0x349: {  	_ =	swait.ge [sflag:s23], $0x600  }
0x34a: {  	[sflag:s23] =	ssyncset.done $0x0  }
0x34b: {  	[sflag:s23] =	ssyncadd.s32 $0xFFFFFA00  }
0x34c: {  	_ =	swait.ge [sflag:s23], $0x600  }
0x34d: {  	[sflag:s23] =	ssyncset.done $0x0  }
0x34e: {  	[sflag:s23] =	ssyncadd.s32 $0xFFFFFA00  }
0x34f: {  	_ =	swait.ge [sflag:s23], $0x600  }
0x350: {  	[sflag:s23] =	ssyncset.done $0x0  }
0x351: {  	[sflag:s23] =	ssyncadd.s32 $0xFFFFFA00  }
0x352: {  	_ =	swait.ge [sflag:s23], $0x1000  }
0x353: {  	[sflag:s23] =	ssyncset.done $0x0  }
0x354: {  	[sflag:s23] =	ssyncadd.s32 $0xFFFFF000  }
0x355: {  	_ =	swait.ge [sflag:s23], $0x1000  }
0x356: {  	[sflag:s23] =	ssyncset.done $0x0  }
0x357: {  	[sflag:s23] =	ssyncadd.s32 $0xFFFFF000  }
0x358: {  	_ =	swait.ge [sflag:s23], $0x1000  }
0x359: {  	[sflag:s23] =	ssyncset.done $0x0  }
0x35a: {  	s0 =	simm.s32 $0x3;
	[sflag:s23] =	ssyncadd.s32 $0xFFFFF000  }
0x35b: {  	_ =	swait.ge [sflag:s0], $0x3FF0  }
0x35c: {  	[sflag:s0] =	ssyncset.done $0x0  }
0x35d: {  	s1 =	simm.s32 $0x4;
	[sflag:s0] =	ssyncadd.s32 $0xFFFFC010  }
0x35e: {  	_ =	swait.ge [sflag:s1], $0x3FF0  }
0x35f: {  	s2 =	rddreg [dreg:$0xd]  }
0x360: {  	s29 =	rddreg [dreg:$0xc];
	s2 =	sadd.s32 $0x1, s2  }
0x361: {  	p0 =	sne.s32 s2, s29  }
.Ltmp4:
0x362: {  	_ = 	snop;
	(pc) =	sbr.rel @p0 .LBB2_1-.Ltmp4, $4  }
0x363: {  	_ = 	snop  }
0x364: {  	s8 =	simm.s32 $0xA000;
	s9 =	simm.s32 $0x5000  }
0x365: {  	s12 =	simm.s32 $0x6000;
	s13 =	simm.s32 $0x7000;
	[sflag:s1] =	ssyncset.done $0x0  }
0x366: {  	s14 =	simm.s32 $0x8000;
	s15 =	simm.s32 $0x9000;
	[sflag:s1] =	ssyncadd.s32 $0xFFFFC010  }
0x367: {  	_ =	sfence.sel $0x180000  }
0x368: {  	[bflag:$0x0] =	sbarrier.arrive $0xFFFF  }
0x369: {  	_ =	strace $0x90000047  }
0x36a: {  	s0 =	stileid.u32;
	[bflag:$0x2] =	sbarrier.arrive $0xFFFF  }
0x36b: {  	p0 =	sne.s32 s0, $0x0;
	s0 =	rddreg [dreg:$0x2]  }
0x36c: {  	s0 =	sadd.s32 @!p0 $0x100000, s0  }
0x36d: {  	[sflag:s0] =	ssyncadd.tile.s32 @!p0 $0x1;
	_ =	shalt  }
.Lfunc_end2:
_tile_overlayer_lowered:
.L_overlay_start_2:
0x36e: {  	(tag) =	ssettag $0x2  }
0x36f: {  	s0 =	rddreg [dreg:$0x0];
	s2 =	stileid.u32  }
0x370: {  	s1 =	rddreg [dreg:$0x1];
	p0 =	sne.s32 s2, $0x0  }
0x371: {  	s3 =	rddreg [dreg:$0x2];
	[bflag:$0x3] =	sbarrier.arrive $0xFFFF;
	s2 =	simm.s32 @!p0 $0x1C05  }
0x372: {  	[timem:s3], [sflag:s2] =	dma.local @!p0 [hbm:s0], s1  }
0x373: {  	s0 =	simm.s32 @!p0 $0x5  }
0x374: {  	_ =	swait.ge @!p0 [sflag:s0], s1  }
0x375: {  	s1 =	ssub.s32 @!p0 $0x0, s1;
	[sflag:s0] =	ssyncset.done @!p0 $0x0  }
0x376: {  	[sflag:s0] =	ssyncadd.s32 @!p0 s1  }
0x377: {  	[bflag:$0x3] =	sbarrier.arrive $0xFFFF  }
0x378: {  	_ =	shalt  }

// kernel: sparse-core-data-format-call.cloned.1.call-start
scs
called_computation_lowered:
.L_overlay_start_0:
0x0: {  	s2 =	sld [smem:$0x3FD9]  }
0x1: {  	s3 =	sld [smem:$0x3FFE];
	_ =	sdelay $0x1  }
0x2: {  	s1 =	srdreg.scid  }
0x3: {  	s0 =	sand.u32 $0x1, s1  }
0x4: {  	s18 =	sshll.u32 s0, $0xA;
	s2 =	sadd.s32 s3, s2  }
0x5: {  	s2 =	sadd.s32 s2, s18  }
0x6: {  	[smem:$0x3FBF] =	sst s2  }
0x7: {  	_ = 	snop  }
0x8: {  	s2 =	sld [smem:$0x3FD0];
	(tm) =	ssettm $0x1  }
0x9: {  	s19 =	sld [smem:$0x3FFB];
	_ =	sdelay $0x3  }
0xa: {  	_ =	strace s19  }
0xb: {  	s3 =	sld [smem:$0x3FFC];
	_ =	sdelay $0x3  }
0xc: {  	_ =	strace s3  }
0xd: {  	s3 =	sld [smem:$0x3FFD];
	_ =	sdelay $0x3  }
0xe: {  	_ =	strace s3  }
0xf: {  	_ =	strace $0x8FFFFFFF  }
0x10: {  	s20 =	sld [smem:$0x3FDB];
	_ =	sdelay $0x1  }
0x11: {  	s4 =	simm.s32 $_scs_section_size  }
0x12: {  	s5 =	simm.s32 $_size__tile_overlayer_lowered;
	s6 =	simm.s32 $_tile_overlayer_lowered  }
0x13: {  	s23 =	simm.s32 $0x1BFF;
	s22 =	sshll.u32 s6, $0x1;
	s3 =	sadd.s32 s4, s20  }
0x14: {  	s7 =	simm.s32 $0x0;
	s21 =	sshll.u32 s5, $0x1;
	s5 =	sadd.s32 s22, s3  }
0x15: {  	[timem:s7], [sflag:s23] =	dma.local [hbm:s5], s21  }
0x16: {  	_ =	swait.ge [sflag:s23], s21  }
0x17: {  	s4 =	ssub.s32 $0x0, s21;
	[sflag:s23] =	ssyncset.done $0x0  }
0x18: {  	[sflag:s23] =	ssyncadd.s32 s4;
	_ =	sdelay $0x1  }
0x19: {  	s24 =	simm.s32 $0x1B8B  }
0x1a: {  	_ =	swait.ge [sflag:s24], $0x1  }
0x1b: {  	[sflag:s24] =	ssyncset.done $0x0  }
0x1c: {  	s26 =	simm.s32 $0x1B8E;
	s25 =	sld [smem:$0x3FFE];
	[sflag:s24] =	ssyncadd.s32 $0xFFFFFFFF  }
0x1d: {  	s27 =	simm.s32 $execute0_lowered;
	[smem:$0x3FD2] =	sst s26  }
0x1e: {  	s5 =	sshll.u32 s27, $0x1;
	_ =	strace $0x80000049;
	[dreg:$0x1] =	wrdreg $0xFFFFFFFF  }
0x1f: {  	s28 =	simm.s32 $_size_execute0_lowered;
	s3 =	sadd.s32 s3, s5;
	[dreg:$0x0] =	wrdreg $0x0  }
0x20: {  	s5 =	sshll.u32 s28, $0x1;
	[dreg:$0x2] =	wrdreg s3  }
0x21: {  	[dreg:$0x3] =	wrdreg s5  }
0x22: {  	[dreg:$0x4] =	wrdreg $0xC0  }
0x23: {  	_ =	task [dreg:s7], $0x5FFFF  }
0x24: {  	[dreg:$0x1] =	wrdreg $0xFFFFFFFF  }
0x25: {  	[dreg:$0x0] =	wrdreg $0x60  }
0x26: {  	[dreg:$0x2] =	wrdreg s25  }
0x27: {  	[dreg:$0x3] =	wrdreg s2  }
0x28: {  	[dreg:$0x4] =	wrdreg $0x9  }
0x29: {  	_ =	task.clear_ibuf [dreg:s7], $0x5FFFF;
	_ =	strace $0x90000049  }
0x2a: {  	s29 =	simm.s32 $0x9;
	_ =	strace $0x8000004B  }
0x2b: {  	_ =	swait.ge [sflag:s29], $0x1  }
0x2c: {  	[sflag:s29] =	ssyncadd.s32 $0xFFFFFFFF  }
0x2d: {  	_ =	strace $0x9000004B  }
0x2e: {  	_ =	sfence  }
0x2f: {  	s30 =	sld [smem:$0x0];
	_ =	sdelay $0x2  }
0x30: {  	s31 =	sshll.u32 s1, $0xD;
	s1 =	sshrl.u32 s1, $0x2  }
0x31: {  	s3 =	sand.u32 $0x4000, s31;
	s1 =	sadd.s32 s1, s30  }
0x32: {  	s0 =	sor.u32 s3, s0;
	s1 =	sshll.u32 s1, $0x11  }
0x33: {  	s0 =	sor.u32 s1, s0  }
0x34: {  	s0 =	sadd.s32 $0x8F2B, s0  }
0x35: {  	[sflag:s0] =	ssyncadd.remote.s32 $0x1  }
0x36: {  	_ =	sfence.sel $0xFFFF  }
0x37: {  	[dreg:$0x0] =	wrdreg $0xFFFFFFFF;
	(pc) =	sbr.abs _section_cstart, $3  }
0x38: {  	[dreg:$0x1] =	wrdreg $0xFFFFFFFF  }
0x39: {  	_ =	task.clear_ibuf [dreg:s7], $0x2FFFF;
	_ =	strace $0x9FFFFFFF  }
0x3a: {  	(tm) =	ssettm $0x7FFFFFFF  }
0x3b: {  	_ =	shalt  }
tec
execute0_lowered:
.L_overlay_start_1:
0x0: {  	(tag) =	ssettag $0x1  }
0x1: {  	s5 =	rddreg [dreg:$0x0]  }
0x2: {  	s0 =	srdreg.scid;
	s3 =	rddreg [dreg:$0x1];
	s7 =	simm.s32 $0x1  }
0x3: {  	s8 =	simm.s32 $0x2;
	s18 =	simm.s32 $0x0;
	s1 =	sshll.u32 s0, $0x4  }
0x4: {  	s17 =	simm.s32 $0x0;
	s0 =	stileid.u32;
	s1 =	sand.u32 $0x10, s1  }
0x5: {  	s16 =	simm.s32 $0x0;
	s9 =	simm.s32 $0x0;
	s1 =	sor.u32 s0, s1  }
0x6: {  	s10 =	simm.s32 $0x0;
	s11 =	simm.s32 $0x0;
	s2 =	sshll.u32 s1, $0x7  }
0x7: {  	s12 =	simm.s32 $0x0;
	s13 =	simm.s32 $0x0;
	s6 =	ssub.s32 $0x4000, s2  }
0x8: {  	s15 =	simm.s32 $0x0;
	s5 =	sadd.s32 $0xA00, s5;
	s4 =	sand.u32 $0xF80, s6  }
.Ltmp0:
0x9: {  	s1 =	rddreg [dreg:$0x2];
	p0 =	sne.s32 s4, $0x0;
	(pc) =	sbr.rel .LBB1_1-.Ltmp0, $4  }
0xa: {  	_ =	strace $0x8000004A;
	s6 =	sshrl.u32 s6, $0xC;
	s7 =	simm.s32 @!p0 $0x0  }
0xb: {  	s14 =	smov.u32 s2;
	s4 =	simm.s32 $0x1;
	s6 =	sadd.s32 s7, s6  }
0xc: {  	[sflag:s4] =	ssyncpa.u1 $0x0;
	p0 =	por $0x0, $0x0;
	s6 =	sshll.u32 s6, $0x6  }
0xd: {  	[sflag:s8] =	ssyncpa.u1 $0x0;
	s8 =	simm.s32 $0x20000;
	s7 =	sor.u32 $0x1, s6  }
.LBB1_4:
0xe: {  	s23 =	sshra.s32 s23, $0x2;
	p1 =	sgt.s32 s9, $0x37F;
	s24 =	smov.u32 s9  }
0xf: {  	p2 =	sgt.s32 s10, $0x7;
	s25 =	smov.u32 s10;
	s28 =	sshra.s32 s10, $0x1F  }
0x10: {  	s26 =	smov.u32 s11;
	s27 =	sshra.s32 s11, $0x1F;
	s22 =	sadd.s32 s23, s22  }
0x11: {  	s24 =	simm.s32 @!p1 $0x37F;
	s25 =	simm.s32 @!p2 $0x7;
	p1 =	sgt.s32 s11, $0x3F80  }
0x12: {  	s23 =	sand.u32 s28, s10;
	s27 =	sand.u32 s27, s11;
	s28 =	sshra.s32 s9, $0x1F  }
0x13: {  	v5 =	vld [tilespmem:s20+$0xFFFFFFD0];
	[tilespmem:s21+$0x2040 ss:$0x81] =	vst.msk $0xffff, v4;
	s26 =	simm.s32 @!p1 $0x3F80;
	s23 =	ssub.s32 s25, s23;
	s29 =	sand.u32 s28, s9  }
0x14: {  	v58 =	vld [tilespmem:s20+$0xFFFFFFE0];
	[tilespmem:s21+$0x2850 ss:$0x81] =	vst.msk $0xffff, v3;
	s25 =	ssub.s32 s26, s27;
	s30 =	sadd.s32 $0xFFFFFFF9, s23;
	s24 =	ssub.s32 s24, s29  }
0x15: {  	v59 =	vld [tilespmem:s20+$0xFFFFFFF0];
	[tilespmem:s21+$0x3060 ss:$0x81] =	vst.msk $0xffff, v2;
	s23 =	ssub.s32 $0x8, s23;
	s29 =	sand.u32 $0x78, s11;
	s27 =	sand.u32 $0x3800, s11  }
0x16: {  	v60 =	vld [tilespmem:s20+$0x0];
	[tilespmem:s21+$0x0 ss:$0x81] =	vst.msk $0xffff, v1;
	s31 =	sadd.s32 $0xFFFFC080, s25;
	p1 =	sgt.s32 s30, $0x0;
	s28 =	sadd.s32 $0xFFFFFC81, s24  }
0x17: {  	v61 =	vld [tilespmem:s20+$0x10];
	[tilespmem:s22+$0x3870 ss:$0x81] =	vst.msk $0xffff, v0;
	s25 =	ssub.s32 $0x4000, s25;
	s30 =	sshll.u32 s11, $0x3;
	s24 =	ssub.s32 $0x3FF, s24  }
0x18: {  	v62 =	vld [tilespmem:s20+$0x20];
	p2 =	sgt.s32 s31, $0x7F;
	s23 =	simm.s32 @p1 $0x0;
	p1 =	sgt.s32 s28, $0x7F;
	[tilespmem:s22+$0x810 ss:$0x81] =	vst.msk $0xffff, v5  }
0x19: {  	v63 =	vld [tilespmem:s20+$0xFFFFFFC0];
	[tilespmem:s22+$0x1020 ss:$0x81] =	vst.msk $0xffff, v58;
	s31 =	sshll.u32 s10, $0x7;
	s28 =	sshll.u32 s9, $0xE;
	s25 =	simm.s32 @p2 $0x0  }
0x1a: {  	[tilespmem:s22+$0x1830 ss:$0x81] =	vst.msk $0xffff, v59;
	s20 =	sand.u32 $0x380, s31;
	s23 =	smul.u32 s25, s23;
	s25 =	sand.u32 $0x3C00, s30  }
0x1b: {  	[tilespmem:s22+$0x2040 ss:$0x81] =	vst.msk $0xffff, v60;
	s24 =	simm.s32 @p1 $0x0;
	s21 =	sor.u32 s29, s25;
	s29 =	sand.u32 $0x7, s11  }
0x1c: {  	[tilespmem:s22+$0x2850 ss:$0x81] =	vst.msk $0xffff, v61;
	s20 =	sor.u32 s20, s21;
	s26 =	smul.u32 s24, s23;
	s23 =	sadd.s32 s3, s27  }
0x1d: {  	[tilespmem:s22+$0x3060 ss:$0x81] =	vst.msk $0xffff, v62;
	s30 =	sshll.u32 s29, $0x12;
	s23 =	sadd.s32 s28, s23;
	s20 =	sshrl.u32 s20, $0x3  }
0x1e: {  	[tilespmem:s22+$0x0 ss:$0x81] =	vst.msk $0xffff, v63;
	s31 =	sor.u32 $0x80, s30;
	s21 =	sand.u32 $0x3FFFFFFF, s26;
	s20 =	sadd.s32 s20, s23  }
0x1f: {  	[hbm4b:s20+s31] =	stream.strided.scatter [tilespmem:s19], [sflag:$0x2], s21, s8, s31, $0x20;
	[tilespmem:$0x10100] =	vst v63  }
.LBB1_5:
0x20: {  	p1 =	slt.u32 s15, $0x2  }
0x21: {  	p2 =	sgt.s32 @!p1 s18, $0x37F  }
0x22: {  	s19 =	smov.u32 s18;
	s20 =	sshra.s32 @!p1 s18, $0x1F;
	p2 =	por !p2, p1  }
0x23: {  	s18 =	sand.u32 @!p1 s20, s18;
	s19 =	simm.s32 @p2 $0x37F  }
0x24: {  	s20 =	sshra.s32 @!p1 s17, $0x1F;
	p2 =	sgt.s32 @!p1 s17, $0x7;
	s18 =	ssub.s32 @!p1 s19, s18  }
0x25: {  	p2 =	por !p2, p1;
	s19 =	smov.u32 s17;
	s17 =	sand.u32 @!p1 s20, s17  }
0x26: {  	s20 =	sshra.s32 @!p1 s16, $0x1F;
	s19 =	simm.s32 @p2 $0x7;
	p2 =	sgt.s32 @!p1 s16, $0x3F80  }
0x27: {  	s17 =	ssub.s32 @!p1 s19, s17;
	p2 =	por !p2, p1;
	s19 =	smov.u32 s16  }
0x28: {  	s16 =	sand.u32 @!p1 s20, s16;
	s20 =	sadd.s32 @!p1 $0xFFFFFFF9, s17;
	s19 =	simm.s32 @p2 $0x3F80  }
0x29: {  	p2 =	sgt.s32 @!p1 s20, $0x0;
	s16 =	ssub.s32 @!p1 s19, s16  }
0x2a: {  	s17 =	ssub.s32 @!p1 $0x8, s17;
	p2 =	por !p2, p1;
	s19 =	sadd.s32 @!p1 $0xFFFFC080, s16  }
0x2b: {  	s17 =	simm.s32 @!p2 $0x0;
	p2 =	sgt.s32 @!p1 s19, $0x7F  }
0x2c: {  	s21 =	smov.u32 s14;
	s16 =	ssub.s32 @!p1 $0x4000, s16;
	p2 =	por !p2, p1  }
0x2d: {  	s20 =	sadd.s32 @!p1 $0xFFFFFC81, s18;
	s19 =	sadd.s32 $0x80, s12;
	s16 =	simm.s32 @!p2 $0x0  }
0x2e: {  	p2 =	sgt.s32 s19, $0x3FE;
	s16 =	smul.u32 @!p1 s16, s17;
	s17 =	simm.s32 $0x1  }
0x2f: {  	p0 =	por !p0, !p0;
	p3 =	sgt.s32 @!p1 s20, $0x7F;
	s17 =	simm.s32 @!p2 $0x0  }
0x30: {  	s18 =	ssub.s32 @!p1 $0x3FF, s18;
	p3 =	por !p3, p1;
	s20 =	sadd.s32 s17, s13  }
0x31: {  	s18 =	simm.s32 @!p3 $0x0;
	s17 =	sadd.s32 $0x1000, s14;
	p3 =	sgt.s32 s20, $0x7  }
0x32: {  	s22 =	simm.s32 @!p1 $0x2;
	s19 =	simm.s32 @p2 $0x0;
	s21 =	smov.u32 @p3 s17  }
0x33: {  	s16 =	smul.u32 @!p1 s18, s16;
	s18 =	smov.u32 s9;
	p2 =	sgt.s32 s21, $0x3FFF  }
0x34: {  	s9 =	smov.u32 s12;
	s21 =	smov.u32 @p2 s2;
	p2 =	sne.s32 s15, s7  }
.Ltmp1:
0x35: {  	s12 =	smov.u32 s19;
	s16 =	sand.u32 @!p1 $0x3FFFFFFF, s16;
	(pc) =	sbr.rel @!p2 .LBB1_6-.Ltmp1, $4  }
0x36: {  	s20 =	simm.s32 @p3 $0x0;
	s17 =	smov.u32 s10;
	s10 =	smov.u32 s13  }
0x37: {  	_ =	swait.ge @!p1 [sflag:s22], s16;
	s23 =	ssub.s32 @!p1 $0x0, s16;
	s16 =	smov.u32 s11  }
0x38: {  	s11 =	smov.u32 s14;
	s13 =	smov.u32 s20;
	[sflag:s22] =	ssyncset.done @!p1 $0x0  }
0x39: {  	s15 =	sadd.s32 $0x1, s15;
	[sflag:s22] =	ssyncadd.s32 @!p1 s23;
	s14 =	smov.u32 s21  }
.LBB1_1:
0x3a: {  	p1 =	sge.u32 s15, s6  }
0x3b: {  	s31 =	sadd.s32 $0xFFFFFFFF, s15;
	s19 =	sxor.u32 @!p1 $0xFFFFFFFF, s15;
	s20 =	sshll.u32 @!p1 s13, $0x7  }
0x3c: {  	s21 =	sand.u32 @!p1 $0x78, s12;
	s22 =	sshll.u32 @!p1 s14, $0xA;
	s20 =	sand.u32 @!p1 $0x380, s20  }
0x3d: {  	s22 =	sadd.s32 @!p1 s5, s22;
	s20 =	sor.u32 @!p1 s21, s20;
	s21 =	sand.u32 @!p1 $0x380, s12  }
0x3e: {  	s19 =	sshll.u32 @!p1 s19, $0xE;
	s21 =	sadd.s32 @!p1 s21, s22;
	s22 =	sand.u32 @!p1 $0x7, s12  }
0x3f: {  	s19 =	sand.u32 @!p1 $0x4000, s19;
	s20 =	sshrl.u32 @!p1 s20, $0x3;
	s22 =	sshll.u32 @!p1 s22, $0x12  }
0x40: {  	s20 =	sadd.s32 @!p1 s20, s21;
	s21 =	sor.u32 @!p1 $0x80, s22;
	s22 =	simm.s32 @!p1 $0x2000  }
0x41: {  	[tilespmem:s19], [sflag:$0x1] =	stream.strided.gather @!p1 [hbm4b:s20+s21], $0x4000, s22, s21, $0x38;
	[tilespmem:$0x10100] =	vst v63  }
0x42: {  	p1 =	sge.u32 s31, s6  }
.Ltmp2:
0x43: {  	_ = 	snop;
	(pc) =	sbr.rel @p1 .LBB1_5-.Ltmp2, $1  }
0x44: {  	_ =	sdelay $0x3  }
0x45: {  	s19 =	simm.s32 $0x1  }
0x46: {  	_ =	swait.ge [sflag:s4], $0x4000;
	s19 =	simm.s32 @!p0 $0x0  }
0x47: {  	[sflag:s4] =	ssyncset.done $0x0;
	s20 =	sshll.u32 s19, $0xE  }
0x48: {  	[sflag:s4] =	ssyncadd.s32 $0xFFFFC000;
	s20 =	sor.u32 $0x40, s20  }
0x49: {  	s19 =	smul.u32 $0x10200, s19;
	v0 =	vld [tilespmem:s20+$0x30]  }
0x4a: {  	v1 =	vld [tilespmem:s20+$0xFFFFFFD0]  }
0x4b: {  	s19 =	sshrl.u32 s19, $0x2;
	v5 =	vld [tilespmem:s20+$0xFFFFFFE0]  }
0x4c: {  	v6 =	vld [tilespmem:s20+$0xFFFFFFF0];
	s22 =	sor.u32 $0x8000, s19  }
0x4d: {  	s31 =	sand.u32 $0x1, s15;
	v4 =	vld [tilespmem:s20+$0x0];
	s21 =	sadd.s32 $0x0, s22  }
0x4e: {  	v3 =	vld [tilespmem:s20+$0x10];
	s19 =	smul.u32 $0x10200, s31;
	[tilespmem:s21+$0x3870 ss:$0x81] =	vst.msk $0xffff, v0  }
0x4f: {  	v2 =	vld [tilespmem:s20+$0x20];
	[tilespmem:s21+$0x810 ss:$0x81] =	vst.msk $0xffff, v1  }
0x50: {  	s19 =	sshrl.u32 s19, $0x2;
	v1 =	vld [tilespmem:s20+$0xFFFFFFC0];
	[tilespmem:s21+$0x1020 ss:$0x81] =	vst.msk $0xffff, v5;
	s20 =	sadd.s32 $0x80, s20  }
0x51: {  	s23 =	simm.s32 $0x4;
	s24 =	simm.s32 $0x8;
	s19 =	sor.u32 $0x8000, s19;
	[tilespmem:s21+$0x1830 ss:$0x81] =	vst.msk $0xffff, v6;
	v0 =	vld [tilespmem:s20+$0x30]  }
.LBB1_3:
0x52: {  	p1 =	sne.s32 s24, $0x1FC;
	v5 =	vld [tilespmem:s20+$0xFFFFFFD0];
	[tilespmem:s21+$0x2040 ss:$0x81] =	vst.msk $0xffff, v4  }
0x53: {  	v6 =	vld [tilespmem:s20+$0xFFFFFFE0];
	[tilespmem:s21+$0x2850 ss:$0x81] =	vst.msk $0xffff, v3  }
0x54: {  	s25 =	sshra.s32 s23, $0x2;
	s23 =	smov.u32 s24;
	v7 =	vld [tilespmem:s20+$0xFFFFFFF0];
	[tilespmem:s21+$0x3060 ss:$0x81] =	vst.msk $0xffff, v2  }
.Ltmp3:
0x55: {  	v4 =	vld [tilespmem:s20+$0x0];
	[tilespmem:s21+$0x0 ss:$0x81] =	vst.msk $0xffff, v1;
	s21 =	sadd.s32 s25, s22;
	(pc) =	sbr.rel @p1 .LBB1_3-.Ltmp3, $4  }
0x56: {  	v3 =	vld [tilespmem:s20+$0x10];
	[tilespmem:s21+$0x3870 ss:$0x81] =	vst.msk $0xffff, v0  }
0x57: {  	[tilespmem:s21+$0x810 ss:$0x81] =	vst.msk $0xffff, v5;
	v2 =	vld [tilespmem:s20+$0x20]  }
0x58: {  	v1 =	vld [tilespmem:s20+$0xFFFFFFC0];
	[tilespmem:s21+$0x1020 ss:$0x81] =	vst.msk $0xffff, v6;
	s20 =	sadd.s32 $0x80, s20  }
0x59: {  	s24 =	sadd.s32 $0x4, s24;
	v0 =	vld [tilespmem:s20+$0x30];
	[tilespmem:s21+$0x1830 ss:$0x81] =	vst.msk $0xffff, v7  }
.Ltmp4:
0x5a: {  	_ = 	snop;
	(pc) =	sbr.rel .LBB1_4-.Ltmp4, $1  }
0x5b: {  	_ =	sdelay $0x3  }
.LBB1_6:
0x5c: {  	_ =	sfence.sel $0x180000  }
0x5d: {  	s2 =	simm.s32 $0x1;
	[bflag:$0x0] =	sbarrier.arrive $0xFFFF  }
0x5e: {  	s31 =	simm.s32 $0x2;
	[sflag:s2] =	ssyncpa.u1 $0x1  }
0x5f: {  	[sflag:s31] =	ssyncpa.u1 $0x1  }
0x60: {  	p0 =	sne.s32 s0, $0x0;
	_ =	strace $0x9000004A  }
0x61: {  	s0 =	sadd.s32 @!p0 $0x100000, s1;
	[bflag:$0x2] =	sbarrier.arrive $0xFFFF  }
0x62: {  	[sflag:s0] =	ssyncadd.tile.s32 @!p0 $0x1;
	_ =	shalt  }
.Lfunc_end1:
_tile_overlayer_lowered:
.L_overlay_start_2:
0x63: {  	(tag) =	ssettag $0x2  }
0x64: {  	s0 =	rddreg [dreg:$0x0];
	s2 =	stileid.u32  }
0x65: {  	s1 =	rddreg [dreg:$0x1];
	p0 =	sne.s32 s2, $0x0  }
0x66: {  	s3 =	rddreg [dreg:$0x2];
	[bflag:$0x3] =	sbarrier.arrive $0xFFFF;
	s2 =	simm.s32 @!p0 $0x1C01  }
0x67: {  	[timem:s3], [sflag:s2] =	dma.local @!p0 [hbm:s0], s1  }
0x68: {  	s0 =	simm.s32 @!p0 $0x1  }
0x69: {  	_ =	swait.ge @!p0 [sflag:s0], s1  }
0x6a: {  	s1 =	ssub.s32 @!p0 $0x0, s1;
	[sflag:s0] =	ssyncset.done @!p0 $0x0  }
0x6b: {  	[sflag:s0] =	ssyncadd.s32 @!p0 s1  }
0x6c: {  	[bflag:$0x3] =	sbarrier.arrive $0xFFFF  }
0x6d: {  	_ =	shalt  }

</sc_bundles>
